<compile_context>
chip_gen: v7x
topology: tpu7x:2x2x1
jax: 0.10.2.dev20260603
libtpu: 0.0.44.dev20260713+nightly
codegen_flags: <defaults>
</compile_context>

<pallas_src>
import functools

import jax
import jax.numpy as jnp
from jax import lax
from jax.experimental import pallas as pl
from jax.experimental.pallas import tpu as pltpu
from jax.experimental.pallas import tpu_sc as plsc

N_NODES = 10000
N_EDGES = 320000
NC = 2
NS = 16
NW = NC * NS
IDX_W = 128
E_PAD = 327680
IDX_ROWS = E_PAD // IDX_W
K_PER_W = IDX_ROWS // NW
N_PAD = 10112
ROWS_PER_TILE = N_PAD // NS
TRASH_ROW = N_NODES


def _vector_mesh():
    return plsc.VectorSubcoreMesh(core_axis_name="c", subcore_axis_name="s")


def _deg_partials(dst2d, zeros16, ones, width=16, tc_tiling=False):
    cp = pltpu.CompilerParams(use_tc_tiling_on_sc=tc_tiling)

    @functools.partial(
        pl.kernel,
        out_type=jax.ShapeDtypeStruct((2 * N_PAD, width), jnp.float32),
        mesh=_vector_mesh(),
        compiler_params=cp,
        scratch_types=[
            pltpu.VMEM((K_PER_W, IDX_W), jnp.int32),
            pltpu.VMEM((IDX_W, width), jnp.float32),
            pltpu.VMEM_SHARED((N_PAD, width), jnp.float32),
        ],
    )
    def k(dst_hbm, zeros_hbm, ones_hbm, out_hbm, dst_v, ones_v, acc):
        cid = lax.axis_index("c")
        sid = lax.axis_index("s")
        wid = sid * NC + cid
        pltpu.sync_copy(
            zeros_hbm.at[pl.ds(sid * ROWS_PER_TILE, ROWS_PER_TILE)],
            acc.at[pl.ds(sid * ROWS_PER_TILE, ROWS_PER_TILE)],
        )
        pltpu.sync_copy(ones_hbm, ones_v)
        pltpu.sync_copy(dst_hbm.at[pl.ds(wid * K_PER_W, K_PER_W)], dst_v)
        plsc.subcore_barrier()

        @pl.loop(0, K_PER_W)
        def _(j):
            pltpu.sync_copy(ones_v, acc.at[dst_v.at[j]], add=True)

        plsc.subcore_barrier()
        pltpu.sync_copy(
            acc.at[pl.ds(sid * ROWS_PER_TILE, ROWS_PER_TILE)],
            out_hbm.at[pl.ds(cid * N_PAD + sid * ROWS_PER_TILE, ROWS_PER_TILE)],
        )

    return k(dst2d, zeros16, ones).reshape(2, N_PAD, width)


K_SPLIT = 40


TBL_PER_TILE = N_NODES // NS


def _agg_partials(y, src2d, dst2d, zeros, d, tc_tiling=True,
                  nbuf=2, t0=80, t1=80, spmem_table=False, colsplit=False):
    assert t0 % K_SPLIT == 0 and t1 % K_SPLIT == 0
    assert t0 + t1 == 2 * K_PER_W
    k_split = K_SPLIT

    @functools.partial(
        pl.kernel,
        out_type=jax.ShapeDtypeStruct((2 * N_PAD, d), jnp.float32),
        mesh=_vector_mesh(),
        compiler_params=pltpu.CompilerParams(use_tc_tiling_on_sc=tc_tiling),
        scratch_types=[
            pltpu.VMEM((k_split, IDX_W), jnp.int32),
            pltpu.VMEM((k_split, IDX_W), jnp.int32),
        ] + [pltpu.VMEM((IDX_W, d), jnp.float32) for _ in range(nbuf)]
          + [pltpu.VMEM_SHARED((N_PAD, d), jnp.float32)]
          + ([pltpu.VMEM_SHARED((N_NODES, d), jnp.float32)]
             if spmem_table else [])
          + [pltpu.SemaphoreType.DMA for _ in range(2 * nbuf)],
    )
    def k(y_hbm, src_hbm, dst_hbm, zeros_hbm, out_hbm,
          src_v, dst_v, *rest):
        rows = rest[:nbuf]
        acc = rest[nbuf]
        ntbl = 1 if spmem_table else 0
        tbl = rest[nbuf + 1] if spmem_table else y_hbm
        gsem = rest[nbuf + 1 + ntbl:nbuf + 1 + ntbl + nbuf]
        ssem = rest[nbuf + 1 + ntbl + nbuf:]
        cid = lax.axis_index("c")
        sid = lax.axis_index("s")
        pltpu.sync_copy(
            zeros_hbm.at[pl.ds(sid * ROWS_PER_TILE, ROWS_PER_TILE)],
            acc.at[pl.ds(sid * ROWS_PER_TILE, ROWS_PER_TILE)],
        )
        if spmem_table:
            row_off = cid * N_NODES if colsplit else 0
            pltpu.sync_copy(
                y_hbm.at[pl.ds(row_off + sid * TBL_PER_TILE, TBL_PER_TILE)],
                tbl.at[pl.ds(sid * TBL_PER_TILE, TBL_PER_TILE)],
            )

        def start_gather(b, j):
            pltpu.async_copy(tbl.at[src_v.at[j]], rows[b], gsem[b])

        def wait_gather(b):
            pltpu.make_async_copy(tbl.at[src_v.at[0]], rows[b],
                                  gsem[b]).wait()

        def start_scatter(b, j):
            pltpu.async_copy(rows[b], acc.at[dst_v.at[j]], ssem[b],
                             add=True)

        def wait_scatter(b):
            pltpu.make_async_copy(y_hbm.at[src_v.at[0]], rows[b],
                                  ssem[b]).wait()

        if colsplit:
            t_c = 2 * K_PER_W
            tile_base = sid * t_c
        else:
            t_c = jnp.where(cid == 0, t0, t1)
            tile_base = cid * (16 * t0) + sid * t_c
        n_steps = t_c // K_SPLIT
        plsc.subcore_barrier()

        @pl.loop(0, n_steps)
        def _(h):
            base = tile_base + h * k_split
            pltpu.sync_copy(src_hbm.at[pl.ds(base, k_split)], src_v)
            pltpu.sync_copy(dst_hbm.at[pl.ds(base, k_split)], dst_v)

            for b in range(nbuf):
                start_gather(b, b)

            @pl.loop(0, k_split - nbuf, step=nbuf)
            def _(j):
                for b in range(nbuf):
                    wait_gather(b)
                    start_scatter(b, j + b)
                for b in range(nbuf):
                    wait_scatter(b)
                    start_gather(b, j + nbuf + b)

            for b in range(nbuf):
                wait_gather(b)
                start_scatter(b, k_split - nbuf + b)
            for b in range(nbuf):
                wait_scatter(b)

        plsc.subcore_barrier()
        pltpu.sync_copy(
            acc.at[pl.ds(sid * ROWS_PER_TILE, ROWS_PER_TILE)],
            out_hbm.at[pl.ds(cid * N_PAD + sid * ROWS_PER_TILE, ROWS_PER_TILE)],
        )

    return k(y, src2d, dst2d, zeros).reshape(2, N_PAD, d)


_R = 1000


def _tc_pre(x, w1, degp):

    def body(x_ref, w_ref, dp_ref, ya_ref, yb_ref, dis_ref):
        deg = 1.0 + dp_ref[0, :, 0] + dp_ref[1, :, 0]
        dis = lax.rsqrt(deg)
        y = jnp.dot(x_ref[...], w_ref[...],
                    preferred_element_type=jnp.float32,
                    precision=lax.Precision.HIGHEST)
        ys = y * dis[:, None]
        ya_ref[...] = ys[:, :64]
        yb_ref[...] = ys[:, 64:]
        dis_ref[...] = jnp.broadcast_to(dis[:, None], (_R, 128))

    return pl.pallas_call(
        body,
        grid=(N_NODES // _R,),
        in_specs=[
            pl.BlockSpec((_R, 128), lambda i: (i, 0)),
            pl.BlockSpec((128, 128), lambda i: (0, 0)),
            pl.BlockSpec((2, _R, 16), lambda i: (0, i, 0)),
        ],
        out_specs=[
            pl.BlockSpec((_R, 64), lambda i: (i, 0)),
            pl.BlockSpec((_R, 64), lambda i: (i, 0)),
            pl.BlockSpec((_R, 128), lambda i: (i, 0)),
        ],
        out_shape=[
            jax.ShapeDtypeStruct((N_NODES, 64), jnp.float32),
            jax.ShapeDtypeStruct((N_NODES, 64), jnp.float32),
            jax.ShapeDtypeStruct((N_NODES, 128), jnp.float32),
        ],
    )(x, w1, degp)


def _tc_mid(p, ya, yb, dis, b1, w2):

    def body(p_ref, ya_ref, yb_ref, dis_ref, b_ref, w_ref, o_ref):
        agg = jnp.concatenate(
            [p_ref[0] + ya_ref[...], p_ref[1] + yb_ref[...]], axis=1)
        h = jnp.maximum(dis_ref[...] * agg + b_ref[...], 0.0)
        y2 = jnp.dot(h, w_ref[...],
                     preferred_element_type=jnp.float32,
                     precision=lax.Precision.HIGHEST)
        o_ref[...] = y2 * dis_ref[...][:, :64]

    return pl.pallas_call(
        body,
        grid=(N_NODES // _R,),
        in_specs=[
            pl.BlockSpec((2, _R, 64), lambda i: (0, i, 0)),
            pl.BlockSpec((_R, 64), lambda i: (i, 0)),
            pl.BlockSpec((_R, 64), lambda i: (i, 0)),
            pl.BlockSpec((_R, 128), lambda i: (i, 0)),
            pl.BlockSpec((1, 128), lambda i: (0, 0)),
            pl.BlockSpec((128, 64), lambda i: (0, 0)),
        ],
        out_specs=pl.BlockSpec((_R, 64), lambda i: (i, 0)),
        out_shape=jax.ShapeDtypeStruct((N_NODES, 64), jnp.float32),
    )(p, ya, yb, dis, b1, w2)


def _tc_post(q, y2s, dis, b2):

    def body(q_ref, y_ref, dis_ref, b_ref, o_ref):
        agg = q_ref[0] + q_ref[1] + y_ref[...]
        o_ref[...] = dis_ref[...][:, :64] * agg + b_ref[...]

    return pl.pallas_call(
        body,
        grid=(N_NODES // _R,),
        in_specs=[
            pl.BlockSpec((2, _R, 64), lambda i: (0, i, 0)),
            pl.BlockSpec((_R, 64), lambda i: (i, 0)),
            pl.BlockSpec((_R, 128), lambda i: (i, 0)),
            pl.BlockSpec((1, 64), lambda i: (0, 0)),
        ],
        out_specs=pl.BlockSpec((_R, 64), lambda i: (i, 0)),
        out_shape=jax.ShapeDtypeStruct((N_NODES, 64), jnp.float32),
    )(q, y2s, dis, b2)


def kernel(x, edge_index, W1, b1, W2, b2):
    ei = edge_index.astype(jnp.int32)
    pad = E_PAD - N_EDGES
    src2d = jnp.concatenate(
        [ei[0], jnp.zeros((pad,), jnp.int32)]).reshape(IDX_ROWS, IDX_W)
    dst2d = jnp.concatenate(
        [ei[1], jnp.full((pad,), TRASH_ROW, jnp.int32)]).reshape(IDX_ROWS, IDX_W)

    zeros16 = jnp.zeros((N_PAD, 16), jnp.float32)
    zeros64 = jnp.zeros((N_PAD, 64), jnp.float32)
    ones = jnp.ones((IDX_W, 16), jnp.float32)

    degp = _deg_partials(dst2d, zeros16, ones)
    ya, yb, dis = _tc_pre(x, W1, degp)
    ycat = jnp.concatenate([ya, yb], axis=0)
    p = _agg_partials(ycat, src2d, dst2d, zeros64, 64,
                      tc_tiling=False, nbuf=4, spmem_table=True,
                      colsplit=True)
    y2s = _tc_mid(p, ya, yb, dis, b1.reshape(1, 128), W2)
    q = _agg_partials(y2s, src2d, dst2d, zeros64, 64,
                      tc_tiling=False, nbuf=4, t0=80, t1=80, spmem_table=True)
    return _tc_post(q, y2s, dis, b2.reshape(1, 64))

# --- scband reference (transcript-rebuilt; emitter-appended) ---
"""Pipeline reference for scband-gcnencoder-46093589021376 (READ-ONLY COPY).

The authoritative reference and input builder live on the scoring server;
editing this copy changes nothing except your own understanding.
"""

import jax, jax.numpy as jnp
import numpy as np

NUM_NODES = 10000
IN_CH = 128
HID_CH = 128
OUT_CH = 64
NUM_EDGES = 320000


def gcn_conv(x, edge_index, W, b, num_nodes):
    # PyG GCNConv: linear transform, add self-loops, symmetric normalization, scatter-add, bias
    x = x @ W
    src = edge_index[0]
    dst = edge_index[1]
    loop = jnp.arange(num_nodes, dtype=edge_index.dtype)
    src = jnp.concatenate([src, loop])
    dst = jnp.concatenate([dst, loop])
    deg = jnp.zeros((num_nodes,), dtype=x.dtype).at[dst].add(1.0)
    deg_inv_sqrt = jnp.where(deg > 0, jax.lax.rsqrt(deg), 0.0)
    norm = deg_inv_sqrt[src] * deg_inv_sqrt[dst]
    msgs = x[src] * norm[:, None]
    out = jax.ops.segment_sum(msgs, dst, num_segments=num_nodes)
    return out + b


def setup_inputs(seed: int = 0) -> dict:
    key = jax.random.key(seed)
    k1, k2, k3, k4, k5 = jax.random.split(key, 5)
    x = jax.random.normal(k1, (NUM_NODES, IN_CH), dtype=jnp.float32)
    edge_index = jax.random.randint(k2, (2, NUM_EDGES), 0, NUM_NODES, dtype=jnp.int64)
    # Glorot-ish init for weights, zeros for biases (as in PyG GCNConv)
    W1 = jax.random.normal(k3, (IN_CH, HID_CH), dtype=jnp.float32) * (1.0 / np.sqrt(IN_CH))
    b1 = jnp.zeros((HID_CH,), dtype=jnp.float32)
    W2 = jax.random.normal(k4, (HID_CH, OUT_CH), dtype=jnp.float32) * (1.0 / np.sqrt(HID_CH))
    b2 = jnp.zeros((OUT_CH,), dtype=jnp.float32)
    return {"x": x, "edge_index": edge_index, "W1": W1, "b1": b1, "W2": W2, "b2": b2}


def reference(x, edge_index, W1, b1, W2, b2):
    h = gcn_conv(x, edge_index, W1, b1, NUM_NODES)
    h = jax.nn.relu(h)
    out = gcn_conv(h, edge_index, W2, b2, NUM_NODES)
    return out

if __name__ == "__main__":
    import jax
    _d = setup_inputs()
    print(jax.jit(kernel)(*tuple(_d.values())))

</pallas_src>

<mosaic_0001>
#map = affine_map<(d0, d1) -> (0, 0)>
module attributes {stable_mosaic.version = 14 : i64} {
  func.func @k(%arg0: i32, %arg1: i32, %arg2: memref<20000x64xf32, #tpu.memory_space<hbm>>, %arg3: memref<2560x128xi32, #tpu.memory_space<hbm>>, %arg4: memref<2560x128xi32, #tpu.memory_space<hbm>>, %arg5: memref<10112x64xf32, #tpu.memory_space<hbm>>, %arg6: memref<20224x64xf32, #tpu.memory_space<hbm>>, %arg7: memref<40x128xi32, #tpu.memory_space<vmem>>, %arg8: memref<40x128xi32, #tpu.memory_space<vmem>>, %arg9: memref<128x64xf32, #tpu.memory_space<vmem>>, %arg10: memref<128x64xf32, #tpu.memory_space<vmem>>, %arg11: memref<128x64xf32, #tpu.memory_space<vmem>>, %arg12: memref<128x64xf32, #tpu.memory_space<vmem>>, %arg13: memref<10112x64xf32, #tpu.memory_space<vmem_shared>>, %arg14: memref<10000x64xf32, #tpu.memory_space<vmem_shared>>, %arg15: memref<!tpu.dma_semaphore, #tpu.memory_space<semaphore_mem>>, %arg16: memref<!tpu.dma_semaphore, #tpu.memory_space<semaphore_mem>>, %arg17: memref<!tpu.dma_semaphore, #tpu.memory_space<semaphore_mem>>, %arg18: memref<!tpu.dma_semaphore, #tpu.memory_space<semaphore_mem>>, %arg19: memref<!tpu.dma_semaphore, #tpu.memory_space<semaphore_mem>>, %arg20: memref<!tpu.dma_semaphore, #tpu.memory_space<semaphore_mem>>, %arg21: memref<!tpu.dma_semaphore, #tpu.memory_space<semaphore_mem>>, %arg22: memref<!tpu.dma_semaphore, #tpu.memory_space<semaphore_mem>>) attributes {dimension_semantics = [#tpu.dimension_semantics<core_parallel>, #tpu.dimension_semantics<subcore_parallel>], iteration_bounds = array<i64: 2, 16>, scalar_prefetch = 0 : i64, scratch_operands = 16 : i64, tpu.core_type = #tpu.core_type<sc_vector_subcore>, window_params = [{transform_indices = #map}, {transform_indices = #map}, {transform_indices = #map}, {transform_indices = #map}, {transform_indices = #map}]} {
    %mul3A = arith.constant 632 : i32
    %mul3A_0 = arith.muli %arg1, %mul3A : i32
    %mul3A_1 = arith.constant 632 : i32
    %mul3A_2 = arith.muli %arg1, %mul3A_1 : i32
    "tpu.region"() ({
      %run_scoped3A = tpu.sem_alloc : memref<!tpu.dma_semaphore, #tpu.memory_space<semaphore_mem>>
      %dma_start3A = arith.constant 0 : i32
      %dma_start3A_23 = tpu.memref_slice %arg13[%mul3A_2, %dma_start3A] : memref<10112x64xf32, #tpu.memory_space<vmem_shared>> -> memref<632x64xf32, #tpu.memory_space<vmem_shared>>
      %dma_start3A_24 = arith.constant 0 : i32
      %dma_start3A_25 = tpu.memref_slice %arg5[%mul3A_0, %dma_start3A_24] : memref<10112x64xf32, #tpu.memory_space<hbm>> -> memref<632x64xf32, #tpu.memory_space<hbm>>
      tpu.enqueue_dma source(%dma_start3A_25 : memref<632x64xf32, #tpu.memory_space<hbm>>) target(%dma_start3A_23 : memref<632x64xf32, #tpu.memory_space<vmem_shared>>) target_semaphore(%run_scoped3A : memref<!tpu.dma_semaphore, #tpu.memory_space<semaphore_mem>>)
      %dma_wait3A = arith.constant 0 : i32
      %dma_wait3A_26 = tpu.memref_slice %arg13[%mul3A_2, %dma_wait3A] : memref<10112x64xf32, #tpu.memory_space<vmem_shared>> -> memref<632x64xf32, #tpu.memory_space<vmem_shared>>
      %dma_wait3A_27 = arith.constant 0 : i32
      %dma_wait3A_28 = tpu.memref_slice %arg5[%mul3A_0, %dma_wait3A_27] : memref<10112x64xf32, #tpu.memory_space<hbm>> -> memref<632x64xf32, #tpu.memory_space<hbm>>
      tpu.wait_dma2 semaphore(%run_scoped3A : memref<!tpu.dma_semaphore, #tpu.memory_space<semaphore_mem>>) src(%dma_wait3A_28 : memref<632x64xf32, #tpu.memory_space<hbm>>) dst(%dma_wait3A_26 : memref<632x64xf32, #tpu.memory_space<vmem_shared>>)
      tpu.yield
    }) : () -> ()
    %mul3A_3 = arith.constant 10000 : i32
    %mul3A_4 = arith.muli %arg0, %mul3A_3 : i32
    %mul3A_5 = arith.constant 625 : i32
    %mul3A_6 = arith.muli %arg1, %mul3A_5 : i32
    %add3A = arith.addi %mul3A_4, %mul3A_6 : i32
    %mul3A_7 = arith.constant 625 : i32
    %mul3A_8 = arith.muli %arg1, %mul3A_7 : i32
    "tpu.region"() ({
      %run_scoped3A = tpu.sem_alloc : memref<!tpu.dma_semaphore, #tpu.memory_space<semaphore_mem>>
      %dma_start3A = arith.constant 0 : i32
      %dma_start3A_23 = tpu.memref_slice %arg14[%mul3A_8, %dma_start3A] : memref<10000x64xf32, #tpu.memory_space<vmem_shared>> -> memref<625x64xf32, #tpu.memory_space<vmem_shared>>
      %dma_start3A_24 = arith.constant 0 : i32
      %dma_start3A_25 = tpu.memref_slice %arg2[%add3A, %dma_start3A_24] : memref<20000x64xf32, #tpu.memory_space<hbm>> -> memref<625x64xf32, #tpu.memory_space<hbm>>
      tpu.enqueue_dma source(%dma_start3A_25 : memref<625x64xf32, #tpu.memory_space<hbm>>) target(%dma_start3A_23 : memref<625x64xf32, #tpu.memory_space<vmem_shared>>) target_semaphore(%run_scoped3A : memref<!tpu.dma_semaphore, #tpu.memory_space<semaphore_mem>>)
      %dma_wait3A = arith.constant 0 : i32
      %dma_wait3A_26 = tpu.memref_slice %arg14[%mul3A_8, %dma_wait3A] : memref<10000x64xf32, #tpu.memory_space<vmem_shared>> -> memref<625x64xf32, #tpu.memory_space<vmem_shared>>
      %dma_wait3A_27 = arith.constant 0 : i32
      %dma_wait3A_28 = tpu.memref_slice %arg2[%add3A, %dma_wait3A_27] : memref<20000x64xf32, #tpu.memory_space<hbm>> -> memref<625x64xf32, #tpu.memory_space<hbm>>
      tpu.wait_dma2 semaphore(%run_scoped3A : memref<!tpu.dma_semaphore, #tpu.memory_space<semaphore_mem>>) src(%dma_wait3A_28 : memref<625x64xf32, #tpu.memory_space<hbm>>) dst(%dma_wait3A_26 : memref<625x64xf32, #tpu.memory_space<vmem_shared>>)
      tpu.yield
    }) : () -> ()
    %mul3A_9 = arith.constant 160 : i32
    %mul3A_10 = arith.muli %arg1, %mul3A_9 : i32
    %barrier3A = arith.constant 0 : index
    tpu.barrier barrier_id(%barrier3A)
    %scan3A = arith.constant 0 : i32
    %scan3A_11 = arith.constant 4 : i32
    %scan3A_12 = arith.addi %scan3A, %scan3A_11 : i32
    %scan3A_13 = arith.constant 1 : i32
    scf.for %scan3A_23 = %scan3A to %scan3A_12 step %scan3A_13  : i32 {
      %mul3A_24 = arith.constant 1 : i32
      %mul3A_25 = arith.muli %scan3A_23, %mul3A_24 : i32
      %add3A_26 = arith.constant 0 : i32
      %add3A_27 = arith.addi %add3A_26, %mul3A_25 : i32
      %mul3A_28 = arith.constant 40 : i32
      %mul3A_29 = arith.muli %add3A_27, %mul3A_28 : i32
      %add3A_30 = arith.addi %mul3A_10, %mul3A_29 : i32
      "tpu.region"() ({
        %run_scoped3A = tpu.sem_alloc : memref<!tpu.dma_semaphore, #tpu.memory_space<semaphore_mem>>
        %dma_start3A_146 = arith.constant 0 : i32
        %dma_start3A_147 = tpu.memref_slice %arg3[%add3A_30, %dma_start3A_146] : memref<2560x128xi32, #tpu.memory_space<hbm>> -> memref<40x128xi32, #tpu.memory_space<hbm>>
        %dma_start3A_148 = arith.constant 0 : i32
        %dma_start3A_149 = tpu.memref_slice %arg3[%add3A_30, %dma_start3A_148] : memref<2560x128xi32, #tpu.memory_space<hbm>> -> memref<40x128xi32, #tpu.memory_space<hbm>>
        tpu.enqueue_dma source(%dma_start3A_149 : memref<40x128xi32, #tpu.memory_space<hbm>>) target(%arg7 : memref<40x128xi32, #tpu.memory_space<vmem>>) target_semaphore(%run_scoped3A : memref<!tpu.dma_semaphore, #tpu.memory_space<semaphore_mem>>)
        %dma_wait3A_150 = arith.constant 0 : i32
        %dma_wait3A_151 = tpu.memref_slice %arg3[%add3A_30, %dma_wait3A_150] : memref<2560x128xi32, #tpu.memory_space<hbm>> -> memref<40x128xi32, #tpu.memory_space<hbm>>
        %dma_wait3A_152 = arith.constant 0 : i32
        %dma_wait3A_153 = tpu.memref_slice %arg3[%add3A_30, %dma_wait3A_152] : memref<2560x128xi32, #tpu.memory_space<hbm>> -> memref<40x128xi32, #tpu.memory_space<hbm>>
        tpu.wait_dma2 semaphore(%run_scoped3A : memref<!tpu.dma_semaphore, #tpu.memory_space<semaphore_mem>>) src(%dma_wait3A_153 : memref<40x128xi32, #tpu.memory_space<hbm>>) dst(%arg7 : memref<40x128xi32, #tpu.memory_space<vmem>>)
        tpu.yield
      }) : () -> ()
      "tpu.region"() ({
        %run_scoped3A = tpu.sem_alloc : memref<!tpu.dma_semaphore, #tpu.memory_space<semaphore_mem>>
        %dma_start3A_146 = arith.constant 0 : i32
        %dma_start3A_147 = tpu.memref_slice %arg4[%add3A_30, %dma_start3A_146] : memref<2560x128xi32, #tpu.memory_space<hbm>> -> memref<40x128xi32, #tpu.memory_space<hbm>>
        %dma_start3A_148 = arith.constant 0 : i32
        %dma_start3A_149 = tpu.memref_slice %arg4[%add3A_30, %dma_start3A_148] : memref<2560x128xi32, #tpu.memory_space<hbm>> -> memref<40x128xi32, #tpu.memory_space<hbm>>
        tpu.enqueue_dma source(%dma_start3A_149 : memref<40x128xi32, #tpu.memory_space<hbm>>) target(%arg8 : memref<40x128xi32, #tpu.memory_space<vmem>>) target_semaphore(%run_scoped3A : memref<!tpu.dma_semaphore, #tpu.memory_space<semaphore_mem>>)
        %dma_wait3A_150 = arith.constant 0 : i32
        %dma_wait3A_151 = tpu.memref_slice %arg4[%add3A_30, %dma_wait3A_150] : memref<2560x128xi32, #tpu.memory_space<hbm>> -> memref<40x128xi32, #tpu.memory_space<hbm>>
        %dma_wait3A_152 = arith.constant 0 : i32
        %dma_wait3A_153 = tpu.memref_slice %arg4[%add3A_30, %dma_wait3A_152] : memref<2560x128xi32, #tpu.memory_space<hbm>> -> memref<40x128xi32, #tpu.memory_space<hbm>>
        tpu.wait_dma2 semaphore(%run_scoped3A : memref<!tpu.dma_semaphore, #tpu.memory_space<semaphore_mem>>) src(%dma_wait3A_153 : memref<40x128xi32, #tpu.memory_space<hbm>>) dst(%arg8 : memref<40x128xi32, #tpu.memory_space<vmem>>)
        tpu.yield
      }) : () -> ()
      %dma_start3A = arith.constant 0 : i32
      %dma_start3A_31 = arith.constant 0 : i32
      %dma_start3A_32 = tpu.memref_slice %arg7[%dma_start3A, %dma_start3A_31] : memref<40x128xi32, #tpu.memory_space<vmem>> -> memref<1x128xi32, #tpu.memory_space<vmem>>
      %dma_start3A_33 = tpu.memref_squeeze %dma_start3A_32 : memref<1x128xi32, #tpu.memory_space<vmem>> -> memref<128xi32, #tpu.memory_space<vmem>>
      %dma_start3A_34 = arith.constant 0 : i32
      %dma_start3A_35 = arith.constant 0 : i32
      %dma_start3A_36 = tpu.memref_slice %arg14[%dma_start3A_34, %dma_start3A_35] : memref<10000x64xf32, #tpu.memory_space<vmem_shared>> -> memref<10000x64xf32, #tpu.memory_space<vmem_shared>>
      tpu.enqueue_indirect_dma source(%dma_start3A_36 : memref<10000x64xf32, #tpu.memory_space<vmem_shared>>) target(%arg9 : memref<128x64xf32, #tpu.memory_space<vmem>>) offsets(%dma_start3A_33 : memref<128xi32, #tpu.memory_space<vmem>>) semaphore(%arg15 : memref<!tpu.dma_semaphore, #tpu.memory_space<semaphore_mem>>)
      %dma_start3A_37 = arith.constant 1 : i32
      %dma_start3A_38 = arith.constant 0 : i32
      %dma_start3A_39 = tpu.memref_slice %arg7[%dma_start3A_37, %dma_start3A_38] : memref<40x128xi32, #tpu.memory_space<vmem>> -> memref<1x128xi32, #tpu.memory_space<vmem>>
      %dma_start3A_40 = tpu.memref_squeeze %dma_start3A_39 : memref<1x128xi32, #tpu.memory_space<vmem>> -> memref<128xi32, #tpu.memory_space<vmem>>
      %dma_start3A_41 = arith.constant 0 : i32
      %dma_start3A_42 = arith.constant 0 : i32
      %dma_start3A_43 = tpu.memref_slice %arg14[%dma_start3A_41, %dma_start3A_42] : memref<10000x64xf32, #tpu.memory_space<vmem_shared>> -> memref<10000x64xf32, #tpu.memory_space<vmem_shared>>
      tpu.enqueue_indirect_dma source(%dma_start3A_43 : memref<10000x64xf32, #tpu.memory_space<vmem_shared>>) target(%arg10 : memref<128x64xf32, #tpu.memory_space<vmem>>) offsets(%dma_start3A_40 : memref<128xi32, #tpu.memory_space<vmem>>) semaphore(%arg16 : memref<!tpu.dma_semaphore, #tpu.memory_space<semaphore_mem>>)
      %dma_start3A_44 = arith.constant 2 : i32
      %dma_start3A_45 = arith.constant 0 : i32
      %dma_start3A_46 = tpu.memref_slice %arg7[%dma_start3A_44, %dma_start3A_45] : memref<40x128xi32, #tpu.memory_space<vmem>> -> memref<1x128xi32, #tpu.memory_space<vmem>>
      %dma_start3A_47 = tpu.memref_squeeze %dma_start3A_46 : memref<1x128xi32, #tpu.memory_space<vmem>> -> memref<128xi32, #tpu.memory_space<vmem>>
      %dma_start3A_48 = arith.constant 0 : i32
      %dma_start3A_49 = arith.constant 0 : i32
      %dma_start3A_50 = tpu.memref_slice %arg14[%dma_start3A_48, %dma_start3A_49] : memref<10000x64xf32, #tpu.memory_space<vmem_shared>> -> memref<10000x64xf32, #tpu.memory_space<vmem_shared>>
      tpu.enqueue_indirect_dma source(%dma_start3A_50 : memref<10000x64xf32, #tpu.memory_space<vmem_shared>>) target(%arg11 : memref<128x64xf32, #tpu.memory_space<vmem>>) offsets(%dma_start3A_47 : memref<128xi32, #tpu.memory_space<vmem>>) semaphore(%arg17 : memref<!tpu.dma_semaphore, #tpu.memory_space<semaphore_mem>>)
      %dma_start3A_51 = arith.constant 3 : i32
      %dma_start3A_52 = arith.constant 0 : i32
      %dma_start3A_53 = tpu.memref_slice %arg7[%dma_start3A_51, %dma_start3A_52] : memref<40x128xi32, #tpu.memory_space<vmem>> -> memref<1x128xi32, #tpu.memory_space<vmem>>
      %dma_start3A_54 = tpu.memref_squeeze %dma_start3A_53 : memref<1x128xi32, #tpu.memory_space<vmem>> -> memref<128xi32, #tpu.memory_space<vmem>>
      %dma_start3A_55 = arith.constant 0 : i32
      %dma_start3A_56 = arith.constant 0 : i32
      %dma_start3A_57 = tpu.memref_slice %arg14[%dma_start3A_55, %dma_start3A_56] : memref<10000x64xf32, #tpu.memory_space<vmem_shared>> -> memref<10000x64xf32, #tpu.memory_space<vmem_shared>>
      tpu.enqueue_indirect_dma source(%dma_start3A_57 : memref<10000x64xf32, #tpu.memory_space<vmem_shared>>) target(%arg12 : memref<128x64xf32, #tpu.memory_space<vmem>>) offsets(%dma_start3A_54 : memref<128xi32, #tpu.memory_space<vmem>>) semaphore(%arg18 : memref<!tpu.dma_semaphore, #tpu.memory_space<semaphore_mem>>)
      %scan3A_58 = arith.constant 0 : i32
      %scan3A_59 = arith.constant 9 : i32
      %scan3A_60 = arith.addi %scan3A_58, %scan3A_59 : i32
      %scan3A_61 = arith.constant 1 : i32
      scf.for %scan3A_146 = %scan3A_58 to %scan3A_60 step %scan3A_61  : i32 {
        %mul3A_147 = arith.constant 4 : i32
        %mul3A_148 = arith.muli %scan3A_146, %mul3A_147 : i32
        %add3A_149 = arith.constant 0 : i32
        %add3A_150 = arith.addi %add3A_149, %mul3A_148 : i32
        %dma_wait3A_151 = arith.constant 0 : i32
        %dma_wait3A_152 = arith.constant 0 : i32
        %dma_wait3A_153 = tpu.memref_slice %arg7[%dma_wait3A_151, %dma_wait3A_152] : memref<40x128xi32, #tpu.memory_space<vmem>> -> memref<1x128xi32, #tpu.memory_space<vmem>>
        %dma_wait3A_154 = tpu.memref_squeeze %dma_wait3A_153 : memref<1x128xi32, #tpu.memory_space<vmem>> -> memref<128xi32, #tpu.memory_space<vmem>>
        %dma_wait3A_155 = arith.constant 0 : i32
        %dma_wait3A_156 = arith.constant 0 : i32
        %dma_wait3A_157 = tpu.memref_slice %arg14[%dma_wait3A_155, %dma_wait3A_156] : memref<10000x64xf32, #tpu.memory_space<vmem_shared>> -> memref<10000x64xf32, #tpu.memory_space<vmem_shared>>
        tpu.wait_indirect_dma semaphore(%arg15 : memref<!tpu.dma_semaphore, #tpu.memory_space<semaphore_mem>>) src(%dma_wait3A_157 : memref<10000x64xf32, #tpu.memory_space<vmem_shared>>) dst(%arg9 : memref<128x64xf32, #tpu.memory_space<vmem>>)
        %add3A_158 = arith.constant 0 : i32
        %add3A_159 = arith.addi %add3A_150, %add3A_158 : i32
        %dma_start3A_160 = arith.constant 0 : i32
        %dma_start3A_161 = tpu.memref_slice %arg8[%add3A_159, %dma_start3A_160] : memref<40x128xi32, #tpu.memory_space<vmem>> -> memref<1x128xi32, #tpu.memory_space<vmem>>
        %dma_start3A_162 = tpu.memref_squeeze %dma_start3A_161 : memref<1x128xi32, #tpu.memory_space<vmem>> -> memref<128xi32, #tpu.memory_space<vmem>>
        %dma_start3A_163 = arith.constant 0 : i32
        %dma_start3A_164 = arith.constant 0 : i32
        %dma_start3A_165 = tpu.memref_slice %arg13[%dma_start3A_163, %dma_start3A_164] : memref<10112x64xf32, #tpu.memory_space<vmem_shared>> -> memref<10112x64xf32, #tpu.memory_space<vmem_shared>>
        tpu.enqueue_indirect_dma source(%arg9 : memref<128x64xf32, #tpu.memory_space<vmem>>) target(%dma_start3A_165 : memref<10112x64xf32, #tpu.memory_space<vmem_shared>>) offsets(%dma_start3A_162 : memref<128xi32, #tpu.memory_space<vmem>>) semaphore(%arg19 : memref<!tpu.dma_semaphore, #tpu.memory_space<semaphore_mem>>) {add = true}
        %dma_wait3A_166 = arith.constant 0 : i32
        %dma_wait3A_167 = arith.constant 0 : i32
        %dma_wait3A_168 = tpu.memref_slice %arg7[%dma_wait3A_166, %dma_wait3A_167] : memref<40x128xi32, #tpu.memory_space<vmem>> -> memref<1x128xi32, #tpu.memory_space<vmem>>
        %dma_wait3A_169 = tpu.memref_squeeze %dma_wait3A_168 : memref<1x128xi32, #tpu.memory_space<vmem>> -> memref<128xi32, #tpu.memory_space<vmem>>
        %dma_wait3A_170 = arith.constant 0 : i32
        %dma_wait3A_171 = arith.constant 0 : i32
        %dma_wait3A_172 = tpu.memref_slice %arg14[%dma_wait3A_170, %dma_wait3A_171] : memref<10000x64xf32, #tpu.memory_space<vmem_shared>> -> memref<10000x64xf32, #tpu.memory_space<vmem_shared>>
        tpu.wait_indirect_dma semaphore(%arg16 : memref<!tpu.dma_semaphore, #tpu.memory_space<semaphore_mem>>) src(%dma_wait3A_172 : memref<10000x64xf32, #tpu.memory_space<vmem_shared>>) dst(%arg10 : memref<128x64xf32, #tpu.memory_space<vmem>>)
        %add3A_173 = arith.constant 1 : i32
        %add3A_174 = arith.addi %add3A_150, %add3A_173 : i32
        %dma_start3A_175 = arith.constant 0 : i32
        %dma_start3A_176 = tpu.memref_slice %arg8[%add3A_174, %dma_start3A_175] : memref<40x128xi32, #tpu.memory_space<vmem>> -> memref<1x128xi32, #tpu.memory_space<vmem>>
        %dma_start3A_177 = tpu.memref_squeeze %dma_start3A_176 : memref<1x128xi32, #tpu.memory_space<vmem>> -> memref<128xi32, #tpu.memory_space<vmem>>
        %dma_start3A_178 = arith.constant 0 : i32
        %dma_start3A_179 = arith.constant 0 : i32
        %dma_start3A_180 = tpu.memref_slice %arg13[%dma_start3A_178, %dma_start3A_179] : memref<10112x64xf32, #tpu.memory_space<vmem_shared>> -> memref<10112x64xf32, #tpu.memory_space<vmem_shared>>
        tpu.enqueue_indirect_dma source(%arg10 : memref<128x64xf32, #tpu.memory_space<vmem>>) target(%dma_start3A_180 : memref<10112x64xf32, #tpu.memory_space<vmem_shared>>) offsets(%dma_start3A_177 : memref<128xi32, #tpu.memory_space<vmem>>) semaphore(%arg20 : memref<!tpu.dma_semaphore, #tpu.memory_space<semaphore_mem>>) {add = true}
        %dma_wait3A_181 = arith.constant 0 : i32
        %dma_wait3A_182 = arith.constant 0 : i32
        %dma_wait3A_183 = tpu.memref_slice %arg7[%dma_wait3A_181, %dma_wait3A_182] : memref<40x128xi32, #tpu.memory_space<vmem>> -> memref<1x128xi32, #tpu.memory_space<vmem>>
        %dma_wait3A_184 = tpu.memref_squeeze %dma_wait3A_183 : memref<1x128xi32, #tpu.memory_space<vmem>> -> memref<128xi32, #tpu.memory_space<vmem>>
        %dma_wait3A_185 = arith.constant 0 : i32
        %dma_wait3A_186 = arith.constant 0 : i32
        %dma_wait3A_187 = tpu.memref_slice %arg14[%dma_wait3A_185, %dma_wait3A_186] : memref<10000x64xf32, #tpu.memory_space<vmem_shared>> -> memref<10000x64xf32, #tpu.memory_space<vmem_shared>>
        tpu.wait_indirect_dma semaphore(%arg17 : memref<!tpu.dma_semaphore, #tpu.memory_space<semaphore_mem>>) src(%dma_wait3A_187 : memref<10000x64xf32, #tpu.memory_space<vmem_shared>>) dst(%arg11 : memref<128x64xf32, #tpu.memory_space<vmem>>)
        %add3A_188 = arith.constant 2 : i32
        %add3A_189 = arith.addi %add3A_150, %add3A_188 : i32
        %dma_start3A_190 = arith.constant 0 : i32
        %dma_start3A_191 = tpu.memref_slice %arg8[%add3A_189, %dma_start3A_190] : memref<40x128xi32, #tpu.memory_space<vmem>> -> memref<1x128xi32, #tpu.memory_space<vmem>>
        %dma_start3A_192 = tpu.memref_squeeze %dma_start3A_191 : memref<1x128xi32, #tpu.memory_space<vmem>> -> memref<128xi32, #tpu.memory_space<vmem>>
        %dma_start3A_193 = arith.constant 0 : i32
        %dma_start3A_194 = arith.constant 0 : i32
        %dma_start3A_195 = tpu.memref_slice %arg13[%dma_start3A_193, %dma_start3A_194] : memref<10112x64xf32, #tpu.memory_space<vmem_shared>> -> memref<10112x64xf32, #tpu.memory_space<vmem_shared>>
        tpu.enqueue_indirect_dma source(%arg11 : memref<128x64xf32, #tpu.memory_space<vmem>>) target(%dma_start3A_195 : memref<10112x64xf32, #tpu.memory_space<vmem_shared>>) offsets(%dma_start3A_192 : memref<128xi32, #tpu.memory_space<vmem>>) semaphore(%arg21 : memref<!tpu.dma_semaphore, #tpu.memory_space<semaphore_mem>>) {add = true}
        %dma_wait3A_196 = arith.constant 0 : i32
        %dma_wait3A_197 = arith.constant 0 : i32
        %dma_wait3A_198 = tpu.memref_slice %arg7[%dma_wait3A_196, %dma_wait3A_197] : memref<40x128xi32, #tpu.memory_space<vmem>> -> memref<1x128xi32, #tpu.memory_space<vmem>>
        %dma_wait3A_199 = tpu.memref_squeeze %dma_wait3A_198 : memref<1x128xi32, #tpu.memory_space<vmem>> -> memref<128xi32, #tpu.memory_space<vmem>>
        %dma_wait3A_200 = arith.constant 0 : i32
        %dma_wait3A_201 = arith.constant 0 : i32
        %dma_wait3A_202 = tpu.memref_slice %arg14[%dma_wait3A_200, %dma_wait3A_201] : memref<10000x64xf32, #tpu.memory_space<vmem_shared>> -> memref<10000x64xf32, #tpu.memory_space<vmem_shared>>
        tpu.wait_indirect_dma semaphore(%arg18 : memref<!tpu.dma_semaphore, #tpu.memory_space<semaphore_mem>>) src(%dma_wait3A_202 : memref<10000x64xf32, #tpu.memory_space<vmem_shared>>) dst(%arg12 : memref<128x64xf32, #tpu.memory_space<vmem>>)
        %add3A_203 = arith.constant 3 : i32
        %add3A_204 = arith.addi %add3A_150, %add3A_203 : i32
        %dma_start3A_205 = arith.constant 0 : i32
        %dma_start3A_206 = tpu.memref_slice %arg8[%add3A_204, %dma_start3A_205] : memref<40x128xi32, #tpu.memory_space<vmem>> -> memref<1x128xi32, #tpu.memory_space<vmem>>
        %dma_start3A_207 = tpu.memref_squeeze %dma_start3A_206 : memref<1x128xi32, #tpu.memory_space<vmem>> -> memref<128xi32, #tpu.memory_space<vmem>>
        %dma_start3A_208 = arith.constant 0 : i32
        %dma_start3A_209 = arith.constant 0 : i32
        %dma_start3A_210 = tpu.memref_slice %arg13[%dma_start3A_208, %dma_start3A_209] : memref<10112x64xf32, #tpu.memory_space<vmem_shared>> -> memref<10112x64xf32, #tpu.memory_space<vmem_shared>>
        tpu.enqueue_indirect_dma source(%arg12 : memref<128x64xf32, #tpu.memory_space<vmem>>) target(%dma_start3A_210 : memref<10112x64xf32, #tpu.memory_space<vmem_shared>>) offsets(%dma_start3A_207 : memref<128xi32, #tpu.memory_space<vmem>>) semaphore(%arg22 : memref<!tpu.dma_semaphore, #tpu.memory_space<semaphore_mem>>) {add = true}
        %dma_wait3A_211 = arith.constant 0 : i32
        %dma_wait3A_212 = arith.constant 0 : i32
        %dma_wait3A_213 = tpu.memref_slice %arg7[%dma_wait3A_211, %dma_wait3A_212] : memref<40x128xi32, #tpu.memory_space<vmem>> -> memref<1x128xi32, #tpu.memory_space<vmem>>
        %dma_wait3A_214 = tpu.memref_squeeze %dma_wait3A_213 : memref<1x128xi32, #tpu.memory_space<vmem>> -> memref<128xi32, #tpu.memory_space<vmem>>
        %dma_wait3A_215 = arith.constant 0 : i32
        %dma_wait3A_216 = arith.constant 0 : i32
        %dma_wait3A_217 = tpu.memref_slice %arg2[%dma_wait3A_215, %dma_wait3A_216] : memref<20000x64xf32, #tpu.memory_space<hbm>> -> memref<20000x64xf32, #tpu.memory_space<hbm>>
        tpu.wait_indirect_dma semaphore(%arg19 : memref<!tpu.dma_semaphore, #tpu.memory_space<semaphore_mem>>) src(%dma_wait3A_217 : memref<20000x64xf32, #tpu.memory_space<hbm>>) dst(%arg9 : memref<128x64xf32, #tpu.memory_space<vmem>>)
        %add3A_218 = arith.constant 4 : i32
        %add3A_219 = arith.addi %add3A_150, %add3A_218 : i32
        %add3A_220 = arith.constant 0 : i32
        %add3A_221 = arith.addi %add3A_219, %add3A_220 : i32
        %dma_start3A_222 = arith.constant 0 : i32
        %dma_start3A_223 = tpu.memref_slice %arg7[%add3A_221, %dma_start3A_222] : memref<40x128xi32, #tpu.memory_space<vmem>> -> memref<1x128xi32, #tpu.memory_space<vmem>>
        %dma_start3A_224 = tpu.memref_squeeze %dma_start3A_223 : memref<1x128xi32, #tpu.memory_space<vmem>> -> memref<128xi32, #tpu.memory_space<vmem>>
        %dma_start3A_225 = arith.constant 0 : i32
        %dma_start3A_226 = arith.constant 0 : i32
        %dma_start3A_227 = tpu.memref_slice %arg14[%dma_start3A_225, %dma_start3A_226] : memref<10000x64xf32, #tpu.memory_space<vmem_shared>> -> memref<10000x64xf32, #tpu.memory_space<vmem_shared>>
        tpu.enqueue_indirect_dma source(%dma_start3A_227 : memref<10000x64xf32, #tpu.memory_space<vmem_shared>>) target(%arg9 : memref<128x64xf32, #tpu.memory_space<vmem>>) offsets(%dma_start3A_224 : memref<128xi32, #tpu.memory_space<vmem>>) semaphore(%arg15 : memref<!tpu.dma_semaphore, #tpu.memory_space<semaphore_mem>>)
        %dma_wait3A_228 = arith.constant 0 : i32
        %dma_wait3A_229 = arith.constant 0 : i32
        %dma_wait3A_230 = tpu.memref_slice %arg7[%dma_wait3A_228, %dma_wait3A_229] : memref<40x128xi32, #tpu.memory_space<vmem>> -> memref<1x128xi32, #tpu.memory_space<vmem>>
        %dma_wait3A_231 = tpu.memref_squeeze %dma_wait3A_230 : memref<1x128xi32, #tpu.memory_space<vmem>> -> memref<128xi32, #tpu.memory_space<vmem>>
        %dma_wait3A_232 = arith.constant 0 : i32
        %dma_wait3A_233 = arith.constant 0 : i32
        %dma_wait3A_234 = tpu.memref_slice %arg2[%dma_wait3A_232, %dma_wait3A_233] : memref<20000x64xf32, #tpu.memory_space<hbm>> -> memref<20000x64xf32, #tpu.memory_space<hbm>>
        tpu.wait_indirect_dma semaphore(%arg20 : memref<!tpu.dma_semaphore, #tpu.memory_space<semaphore_mem>>) src(%dma_wait3A_234 : memref<20000x64xf32, #tpu.memory_space<hbm>>) dst(%arg10 : memref<128x64xf32, #tpu.memory_space<vmem>>)
        %add3A_235 = arith.constant 4 : i32
        %add3A_236 = arith.addi %add3A_150, %add3A_235 : i32
        %add3A_237 = arith.constant 1 : i32
        %add3A_238 = arith.addi %add3A_236, %add3A_237 : i32
        %dma_start3A_239 = arith.constant 0 : i32
        %dma_start3A_240 = tpu.memref_slice %arg7[%add3A_238, %dma_start3A_239] : memref<40x128xi32, #tpu.memory_space<vmem>> -> memref<1x128xi32, #tpu.memory_space<vmem>>
        %dma_start3A_241 = tpu.memref_squeeze %dma_start3A_240 : memref<1x128xi32, #tpu.memory_space<vmem>> -> memref<128xi32, #tpu.memory_space<vmem>>
        %dma_start3A_242 = arith.constant 0 : i32
        %dma_start3A_243 = arith.constant 0 : i32
        %dma_start3A_244 = tpu.memref_slice %arg14[%dma_start3A_242, %dma_start3A_243] : memref<10000x64xf32, #tpu.memory_space<vmem_shared>> -> memref<10000x64xf32, #tpu.memory_space<vmem_shared>>
        tpu.enqueue_indirect_dma source(%dma_start3A_244 : memref<10000x64xf32, #tpu.memory_space<vmem_shared>>) target(%arg10 : memref<128x64xf32, #tpu.memory_space<vmem>>) offsets(%dma_start3A_241 : memref<128xi32, #tpu.memory_space<vmem>>) semaphore(%arg16 : memref<!tpu.dma_semaphore, #tpu.memory_space<semaphore_mem>>)
        %dma_wait3A_245 = arith.constant 0 : i32
        %dma_wait3A_246 = arith.constant 0 : i32
        %dma_wait3A_247 = tpu.memref_slice %arg7[%dma_wait3A_245, %dma_wait3A_246] : memref<40x128xi32, #tpu.memory_space<vmem>> -> memref<1x128xi32, #tpu.memory_space<vmem>>
        %dma_wait3A_248 = tpu.memref_squeeze %dma_wait3A_247 : memref<1x128xi32, #tpu.memory_space<vmem>> -> memref<128xi32, #tpu.memory_space<vmem>>
        %dma_wait3A_249 = arith.constant 0 : i32
        %dma_wait3A_250 = arith.constant 0 : i32
        %dma_wait3A_251 = tpu.memref_slice %arg2[%dma_wait3A_249, %dma_wait3A_250] : memref<20000x64xf32, #tpu.memory_space<hbm>> -> memref<20000x64xf32, #tpu.memory_space<hbm>>
        tpu.wait_indirect_dma semaphore(%arg21 : memref<!tpu.dma_semaphore, #tpu.memory_space<semaphore_mem>>) src(%dma_wait3A_251 : memref<20000x64xf32, #tpu.memory_space<hbm>>) dst(%arg11 : memref<128x64xf32, #tpu.memory_space<vmem>>)
        %add3A_252 = arith.constant 4 : i32
        %add3A_253 = arith.addi %add3A_150, %add3A_252 : i32
        %add3A_254 = arith.constant 2 : i32
        %add3A_255 = arith.addi %add3A_253, %add3A_254 : i32
        %dma_start3A_256 = arith.constant 0 : i32
        %dma_start3A_257 = tpu.memref_slice %arg7[%add3A_255, %dma_start3A_256] : memref<40x128xi32, #tpu.memory_space<vmem>> -> memref<1x128xi32, #tpu.memory_space<vmem>>
        %dma_start3A_258 = tpu.memref_squeeze %dma_start3A_257 : memref<1x128xi32, #tpu.memory_space<vmem>> -> memref<128xi32, #tpu.memory_space<vmem>>
        %dma_start3A_259 = arith.constant 0 : i32
        %dma_start3A_260 = arith.constant 0 : i32
        %dma_start3A_261 = tpu.memref_slice %arg14[%dma_start3A_259, %dma_start3A_260] : memref<10000x64xf32, #tpu.memory_space<vmem_shared>> -> memref<10000x64xf32, #tpu.memory_space<vmem_shared>>
        tpu.enqueue_indirect_dma source(%dma_start3A_261 : memref<10000x64xf32, #tpu.memory_space<vmem_shared>>) target(%arg11 : memref<128x64xf32, #tpu.memory_space<vmem>>) offsets(%dma_start3A_258 : memref<128xi32, #tpu.memory_space<vmem>>) semaphore(%arg17 : memref<!tpu.dma_semaphore, #tpu.memory_space<semaphore_mem>>)
        %dma_wait3A_262 = arith.constant 0 : i32
        %dma_wait3A_263 = arith.constant 0 : i32
        %dma_wait3A_264 = tpu.memref_slice %arg7[%dma_wait3A_262, %dma_wait3A_263] : memref<40x128xi32, #tpu.memory_space<vmem>> -> memref<1x128xi32, #tpu.memory_space<vmem>>
        %dma_wait3A_265 = tpu.memref_squeeze %dma_wait3A_264 : memref<1x128xi32, #tpu.memory_space<vmem>> -> memref<128xi32, #tpu.memory_space<vmem>>
        %dma_wait3A_266 = arith.constant 0 : i32
        %dma_wait3A_267 = arith.constant 0 : i32
        %dma_wait3A_268 = tpu.memref_slice %arg2[%dma_wait3A_266, %dma_wait3A_267] : memref<20000x64xf32, #tpu.memory_space<hbm>> -> memref<20000x64xf32, #tpu.memory_space<hbm>>
        tpu.wait_indirect_dma semaphore(%arg22 : memref<!tpu.dma_semaphore, #tpu.memory_space<semaphore_mem>>) src(%dma_wait3A_268 : memref<20000x64xf32, #tpu.memory_space<hbm>>) dst(%arg12 : memref<128x64xf32, #tpu.memory_space<vmem>>)
        %add3A_269 = arith.constant 4 : i32
        %add3A_270 = arith.addi %add3A_150, %add3A_269 : i32
        %add3A_271 = arith.constant 3 : i32
        %add3A_272 = arith.addi %add3A_270, %add3A_271 : i32
        %dma_start3A_273 = arith.constant 0 : i32
        %dma_start3A_274 = tpu.memref_slice %arg7[%add3A_272, %dma_start3A_273] : memref<40x128xi32, #tpu.memory_space<vmem>> -> memref<1x128xi32, #tpu.memory_space<vmem>>
        %dma_start3A_275 = tpu.memref_squeeze %dma_start3A_274 : memref<1x128xi32, #tpu.memory_space<vmem>> -> memref<128xi32, #tpu.memory_space<vmem>>
        %dma_start3A_276 = arith.constant 0 : i32
        %dma_start3A_277 = arith.constant 0 : i32
        %dma_start3A_278 = tpu.memref_slice %arg14[%dma_start3A_276, %dma_start3A_277] : memref<10000x64xf32, #tpu.memory_space<vmem_shared>> -> memref<10000x64xf32, #tpu.memory_space<vmem_shared>>
        tpu.enqueue_indirect_dma source(%dma_start3A_278 : memref<10000x64xf32, #tpu.memory_space<vmem_shared>>) target(%arg12 : memref<128x64xf32, #tpu.memory_space<vmem>>) offsets(%dma_start3A_275 : memref<128xi32, #tpu.memory_space<vmem>>) semaphore(%arg18 : memref<!tpu.dma_semaphore, #tpu.memory_space<semaphore_mem>>)
      }
      %scan3A_62 = arith.constant 9 : i32
      %dma_wait3A = arith.constant 0 : i32
      %dma_wait3A_63 = arith.constant 0 : i32
      %dma_wait3A_64 = tpu.memref_slice %arg7[%dma_wait3A, %dma_wait3A_63] : memref<40x128xi32, #tpu.memory_space<vmem>> -> memref<1x128xi32, #tpu.memory_space<vmem>>
      %dma_wait3A_65 = tpu.memref_squeeze %dma_wait3A_64 : memref<1x128xi32, #tpu.memory_space<vmem>> -> memref<128xi32, #tpu.memory_space<vmem>>
      %dma_wait3A_66 = arith.constant 0 : i32
      %dma_wait3A_67 = arith.constant 0 : i32
      %dma_wait3A_68 = tpu.memref_slice %arg14[%dma_wait3A_66, %dma_wait3A_67] : memref<10000x64xf32, #tpu.memory_space<vmem_shared>> -> memref<10000x64xf32, #tpu.memory_space<vmem_shared>>
      tpu.wait_indirect_dma semaphore(%arg15 : memref<!tpu.dma_semaphore, #tpu.memory_space<semaphore_mem>>) src(%dma_wait3A_68 : memref<10000x64xf32, #tpu.memory_space<vmem_shared>>) dst(%arg9 : memref<128x64xf32, #tpu.memory_space<vmem>>)
      %dma_start3A_69 = arith.constant 36 : i32
      %dma_start3A_70 = arith.constant 0 : i32
      %dma_start3A_71 = tpu.memref_slice %arg8[%dma_start3A_69, %dma_start3A_70] : memref<40x128xi32, #tpu.memory_space<vmem>> -> memref<1x128xi32, #tpu.memory_space<vmem>>
      %dma_start3A_72 = tpu.memref_squeeze %dma_start3A_71 : memref<1x128xi32, #tpu.memory_space<vmem>> -> memref<128xi32, #tpu.memory_space<vmem>>
      %dma_start3A_73 = arith.constant 0 : i32
      %dma_start3A_74 = arith.constant 0 : i32
      %dma_start3A_75 = tpu.memref_slice %arg13[%dma_start3A_73, %dma_start3A_74] : memref<10112x64xf32, #tpu.memory_space<vmem_shared>> -> memref<10112x64xf32, #tpu.memory_space<vmem_shared>>
      tpu.enqueue_indirect_dma source(%arg9 : memref<128x64xf32, #tpu.memory_space<vmem>>) target(%dma_start3A_75 : memref<10112x64xf32, #tpu.memory_space<vmem_shared>>) offsets(%dma_start3A_72 : memref<128xi32, #tpu.memory_space<vmem>>) semaphore(%arg19 : memref<!tpu.dma_semaphore, #tpu.memory_space<semaphore_mem>>) {add = true}
      %dma_wait3A_76 = arith.constant 0 : i32
      %dma_wait3A_77 = arith.constant 0 : i32
      %dma_wait3A_78 = tpu.memref_slice %arg7[%dma_wait3A_76, %dma_wait3A_77] : memref<40x128xi32, #tpu.memory_space<vmem>> -> memref<1x128xi32, #tpu.memory_space<vmem>>
      %dma_wait3A_79 = tpu.memref_squeeze %dma_wait3A_78 : memref<1x128xi32, #tpu.memory_space<vmem>> -> memref<128xi32, #tpu.memory_space<vmem>>
      %dma_wait3A_80 = arith.constant 0 : i32
      %dma_wait3A_81 = arith.constant 0 : i32
      %dma_wait3A_82 = tpu.memref_slice %arg14[%dma_wait3A_80, %dma_wait3A_81] : memref<10000x64xf32, #tpu.memory_space<vmem_shared>> -> memref<10000x64xf32, #tpu.memory_space<vmem_shared>>
      tpu.wait_indirect_dma semaphore(%arg16 : memref<!tpu.dma_semaphore, #tpu.memory_space<semaphore_mem>>) src(%dma_wait3A_82 : memref<10000x64xf32, #tpu.memory_space<vmem_shared>>) dst(%arg10 : memref<128x64xf32, #tpu.memory_space<vmem>>)
      %dma_start3A_83 = arith.constant 37 : i32
      %dma_start3A_84 = arith.constant 0 : i32
      %dma_start3A_85 = tpu.memref_slice %arg8[%dma_start3A_83, %dma_start3A_84] : memref<40x128xi32, #tpu.memory_space<vmem>> -> memref<1x128xi32, #tpu.memory_space<vmem>>
      %dma_start3A_86 = tpu.memref_squeeze %dma_start3A_85 : memref<1x128xi32, #tpu.memory_space<vmem>> -> memref<128xi32, #tpu.memory_space<vmem>>
      %dma_start3A_87 = arith.constant 0 : i32
      %dma_start3A_88 = arith.constant 0 : i32
      %dma_start3A_89 = tpu.memref_slice %arg13[%dma_start3A_87, %dma_start3A_88] : memref<10112x64xf32, #tpu.memory_space<vmem_shared>> -> memref<10112x64xf32, #tpu.memory_space<vmem_shared>>
      tpu.enqueue_indirect_dma source(%arg10 : memref<128x64xf32, #tpu.memory_space<vmem>>) target(%dma_start3A_89 : memref<10112x64xf32, #tpu.memory_space<vmem_shared>>) offsets(%dma_start3A_86 : memref<128xi32, #tpu.memory_space<vmem>>) semaphore(%arg20 : memref<!tpu.dma_semaphore, #tpu.memory_space<semaphore_mem>>) {add = true}
      %dma_wait3A_90 = arith.constant 0 : i32
      %dma_wait3A_91 = arith.constant 0 : i32
      %dma_wait3A_92 = tpu.memref_slice %arg7[%dma_wait3A_90, %dma_wait3A_91] : memref<40x128xi32, #tpu.memory_space<vmem>> -> memref<1x128xi32, #tpu.memory_space<vmem>>
      %dma_wait3A_93 = tpu.memref_squeeze %dma_wait3A_92 : memref<1x128xi32, #tpu.memory_space<vmem>> -> memref<128xi32, #tpu.memory_space<vmem>>
      %dma_wait3A_94 = arith.constant 0 : i32
      %dma_wait3A_95 = arith.constant 0 : i32
      %dma_wait3A_96 = tpu.memref_slice %arg14[%dma_wait3A_94, %dma_wait3A_95] : memref<10000x64xf32, #tpu.memory_space<vmem_shared>> -> memref<10000x64xf32, #tpu.memory_space<vmem_shared>>
      tpu.wait_indirect_dma semaphore(%arg17 : memref<!tpu.dma_semaphore, #tpu.memory_space<semaphore_mem>>) src(%dma_wait3A_96 : memref<10000x64xf32, #tpu.memory_space<vmem_shared>>) dst(%arg11 : memref<128x64xf32, #tpu.memory_space<vmem>>)
      %dma_start3A_97 = arith.constant 38 : i32
      %dma_start3A_98 = arith.constant 0 : i32
      %dma_start3A_99 = tpu.memref_slice %arg8[%dma_start3A_97, %dma_start3A_98] : memref<40x128xi32, #tpu.memory_space<vmem>> -> memref<1x128xi32, #tpu.memory_space<vmem>>
      %dma_start3A_100 = tpu.memref_squeeze %dma_start3A_99 : memref<1x128xi32, #tpu.memory_space<vmem>> -> memref<128xi32, #tpu.memory_space<vmem>>
      %dma_start3A_101 = arith.constant 0 : i32
      %dma_start3A_102 = arith.constant 0 : i32
      %dma_start3A_103 = tpu.memref_slice %arg13[%dma_start3A_101, %dma_start3A_102] : memref<10112x64xf32, #tpu.memory_space<vmem_shared>> -> memref<10112x64xf32, #tpu.memory_space<vmem_shared>>
      tpu.enqueue_indirect_dma source(%arg11 : memref<128x64xf32, #tpu.memory_space<vmem>>) target(%dma_start3A_103 : memref<10112x64xf32, #tpu.memory_space<vmem_shared>>) offsets(%dma_start3A_100 : memref<128xi32, #tpu.memory_space<vmem>>) semaphore(%arg21 : memref<!tpu.dma_semaphore, #tpu.memory_space<semaphore_mem>>) {add = true}
      %dma_wait3A_104 = arith.constant 0 : i32
      %dma_wait3A_105 = arith.constant 0 : i32
      %dma_wait3A_106 = tpu.memref_slice %arg7[%dma_wait3A_104, %dma_wait3A_105] : memref<40x128xi32, #tpu.memory_space<vmem>> -> memref<1x128xi32, #tpu.memory_space<vmem>>
      %dma_wait3A_107 = tpu.memref_squeeze %dma_wait3A_106 : memref<1x128xi32, #tpu.memory_space<vmem>> -> memref<128xi32, #tpu.memory_space<vmem>>
      %dma_wait3A_108 = arith.constant 0 : i32
      %dma_wait3A_109 = arith.constant 0 : i32
      %dma_wait3A_110 = tpu.memref_slice %arg14[%dma_wait3A_108, %dma_wait3A_109] : memref<10000x64xf32, #tpu.memory_space<vmem_shared>> -> memref<10000x64xf32, #tpu.memory_space<vmem_shared>>
      tpu.wait_indirect_dma semaphore(%arg18 : memref<!tpu.dma_semaphore, #tpu.memory_space<semaphore_mem>>) src(%dma_wait3A_110 : memref<10000x64xf32, #tpu.memory_space<vmem_shared>>) dst(%arg12 : memref<128x64xf32, #tpu.memory_space<vmem>>)
      %dma_start3A_111 = arith.constant 39 : i32
      %dma_start3A_112 = arith.constant 0 : i32
      %dma_start3A_113 = tpu.memref_slice %arg8[%dma_start3A_111, %dma_start3A_112] : memref<40x128xi32, #tpu.memory_space<vmem>> -> memref<1x128xi32, #tpu.memory_space<vmem>>
      %dma_start3A_114 = tpu.memref_squeeze %dma_start3A_113 : memref<1x128xi32, #tpu.memory_space<vmem>> -> memref<128xi32, #tpu.memory_space<vmem>>
      %dma_start3A_115 = arith.constant 0 : i32
      %dma_start3A_116 = arith.constant 0 : i32
      %dma_start3A_117 = tpu.memref_slice %arg13[%dma_start3A_115, %dma_start3A_116] : memref<10112x64xf32, #tpu.memory_space<vmem_shared>> -> memref<10112x64xf32, #tpu.memory_space<vmem_shared>>
      tpu.enqueue_indirect_dma source(%arg12 : memref<128x64xf32, #tpu.memory_space<vmem>>) target(%dma_start3A_117 : memref<10112x64xf32, #tpu.memory_space<vmem_shared>>) offsets(%dma_start3A_114 : memref<128xi32, #tpu.memory_space<vmem>>) semaphore(%arg22 : memref<!tpu.dma_semaphore, #tpu.memory_space<semaphore_mem>>) {add = true}
      %dma_wait3A_118 = arith.constant 0 : i32
      %dma_wait3A_119 = arith.constant 0 : i32
      %dma_wait3A_120 = tpu.memref_slice %arg7[%dma_wait3A_118, %dma_wait3A_119] : memref<40x128xi32, #tpu.memory_space<vmem>> -> memref<1x128xi32, #tpu.memory_space<vmem>>
      %dma_wait3A_121 = tpu.memref_squeeze %dma_wait3A_120 : memref<1x128xi32, #tpu.memory_space<vmem>> -> memref<128xi32, #tpu.memory_space<vmem>>
      %dma_wait3A_122 = arith.constant 0 : i32
      %dma_wait3A_123 = arith.constant 0 : i32
      %dma_wait3A_124 = tpu.memref_slice %arg2[%dma_wait3A_122, %dma_wait3A_123] : memref<20000x64xf32, #tpu.memory_space<hbm>> -> memref<20000x64xf32, #tpu.memory_space<hbm>>
      tpu.wait_indirect_dma semaphore(%arg19 : memref<!tpu.dma_semaphore, #tpu.memory_space<semaphore_mem>>) src(%dma_wait3A_124 : memref<20000x64xf32, #tpu.memory_space<hbm>>) dst(%arg9 : memref<128x64xf32, #tpu.memory_space<vmem>>)
      %dma_wait3A_125 = arith.constant 0 : i32
      %dma_wait3A_126 = arith.constant 0 : i32
      %dma_wait3A_127 = tpu.memref_slice %arg7[%dma_wait3A_125, %dma_wait3A_126] : memref<40x128xi32, #tpu.memory_space<vmem>> -> memref<1x128xi32, #tpu.memory_space<vmem>>
      %dma_wait3A_128 = tpu.memref_squeeze %dma_wait3A_127 : memref<1x128xi32, #tpu.memory_space<vmem>> -> memref<128xi32, #tpu.memory_space<vmem>>
      %dma_wait3A_129 = arith.constant 0 : i32
      %dma_wait3A_130 = arith.constant 0 : i32
      %dma_wait3A_131 = tpu.memref_slice %arg2[%dma_wait3A_129, %dma_wait3A_130] : memref<20000x64xf32, #tpu.memory_space<hbm>> -> memref<20000x64xf32, #tpu.memory_space<hbm>>
      tpu.wait_indirect_dma semaphore(%arg20 : memref<!tpu.dma_semaphore, #tpu.memory_space<semaphore_mem>>) src(%dma_wait3A_131 : memref<20000x64xf32, #tpu.memory_space<hbm>>) dst(%arg10 : memref<128x64xf32, #tpu.memory_space<vmem>>)
      %dma_wait3A_132 = arith.constant 0 : i32
      %dma_wait3A_133 = arith.constant 0 : i32
      %dma_wait3A_134 = tpu.memref_slice %arg7[%dma_wait3A_132, %dma_wait3A_133] : memref<40x128xi32, #tpu.memory_space<vmem>> -> memref<1x128xi32, #tpu.memory_space<vmem>>
      %dma_wait3A_135 = tpu.memref_squeeze %dma_wait3A_134 : memref<1x128xi32, #tpu.memory_space<vmem>> -> memref<128xi32, #tpu.memory_space<vmem>>
      %dma_wait3A_136 = arith.constant 0 : i32
      %dma_wait3A_137 = arith.constant 0 : i32
      %dma_wait3A_138 = tpu.memref_slice %arg2[%dma_wait3A_136, %dma_wait3A_137] : memref<20000x64xf32, #tpu.memory_space<hbm>> -> memref<20000x64xf32, #tpu.memory_space<hbm>>
      tpu.wait_indirect_dma semaphore(%arg21 : memref<!tpu.dma_semaphore, #tpu.memory_space<semaphore_mem>>) src(%dma_wait3A_138 : memref<20000x64xf32, #tpu.memory_space<hbm>>) dst(%arg11 : memref<128x64xf32, #tpu.memory_space<vmem>>)
      %dma_wait3A_139 = arith.constant 0 : i32
      %dma_wait3A_140 = arith.constant 0 : i32
      %dma_wait3A_141 = tpu.memref_slice %arg7[%dma_wait3A_139, %dma_wait3A_140] : memref<40x128xi32, #tpu.memory_space<vmem>> -> memref<1x128xi32, #tpu.memory_space<vmem>>
      %dma_wait3A_142 = tpu.memref_squeeze %dma_wait3A_141 : memref<1x128xi32, #tpu.memory_space<vmem>> -> memref<128xi32, #tpu.memory_space<vmem>>
      %dma_wait3A_143 = arith.constant 0 : i32
      %dma_wait3A_144 = arith.constant 0 : i32
      %dma_wait3A_145 = tpu.memref_slice %arg2[%dma_wait3A_143, %dma_wait3A_144] : memref<20000x64xf32, #tpu.memory_space<hbm>> -> memref<20000x64xf32, #tpu.memory_space<hbm>>
      tpu.wait_indirect_dma semaphore(%arg22 : memref<!tpu.dma_semaphore, #tpu.memory_space<semaphore_mem>>) src(%dma_wait3A_145 : memref<20000x64xf32, #tpu.memory_space<hbm>>) dst(%arg12 : memref<128x64xf32, #tpu.memory_space<vmem>>)
    }
    %scan3A_14 = arith.constant 4 : i32
    %barrier3A_15 = arith.constant 0 : index
    tpu.barrier barrier_id(%barrier3A_15)
    %mul3A_16 = arith.constant 632 : i32
    %mul3A_17 = arith.muli %arg1, %mul3A_16 : i32
    %mul3A_18 = arith.constant 10112 : i32
    %mul3A_19 = arith.muli %arg0, %mul3A_18 : i32
    %mul3A_20 = arith.constant 632 : i32
    %mul3A_21 = arith.muli %arg1, %mul3A_20 : i32
    %add3A_22 = arith.addi %mul3A_19, %mul3A_21 : i32
    "tpu.region"() ({
      %run_scoped3A = tpu.sem_alloc : memref<!tpu.dma_semaphore, #tpu.memory_space<semaphore_mem>>
      %dma_start3A = arith.constant 0 : i32
      %dma_start3A_23 = tpu.memref_slice %arg6[%add3A_22, %dma_start3A] : memref<20224x64xf32, #tpu.memory_space<hbm>> -> memref<632x64xf32, #tpu.memory_space<hbm>>
      %dma_start3A_24 = arith.constant 0 : i32
      %dma_start3A_25 = tpu.memref_slice %arg13[%mul3A_17, %dma_start3A_24] : memref<10112x64xf32, #tpu.memory_space<vmem_shared>> -> memref<632x64xf32, #tpu.memory_space<vmem_shared>>
      tpu.enqueue_dma source(%dma_start3A_25 : memref<632x64xf32, #tpu.memory_space<vmem_shared>>) target(%dma_start3A_23 : memref<632x64xf32, #tpu.memory_space<hbm>>) target_semaphore(%run_scoped3A : memref<!tpu.dma_semaphore, #tpu.memory_space<semaphore_mem>>)
      %dma_wait3A = arith.constant 0 : i32
      %dma_wait3A_26 = tpu.memref_slice %arg6[%add3A_22, %dma_wait3A] : memref<20224x64xf32, #tpu.memory_space<hbm>> -> memref<632x64xf32, #tpu.memory_space<hbm>>
      %dma_wait3A_27 = arith.constant 0 : i32
      %dma_wait3A_28 = tpu.memref_slice %arg13[%mul3A_17, %dma_wait3A_27] : memref<10112x64xf32, #tpu.memory_space<vmem_shared>> -> memref<632x64xf32, #tpu.memory_space<vmem_shared>>
      tpu.wait_dma2 semaphore(%run_scoped3A : memref<!tpu.dma_semaphore, #tpu.memory_space<semaphore_mem>>) src(%dma_wait3A_28 : memref<632x64xf32, #tpu.memory_space<vmem_shared>>) dst(%dma_wait3A_26 : memref<632x64xf32, #tpu.memory_space<hbm>>)
      tpu.yield
    }) : () -> ()
    return
  }
}

#map = affine_map<(d0, d1) -> (0, 0)>
module attributes {stable_mosaic.version = 14 : i64} {
  func.func @k(%arg0: i32, %arg1: i32, %arg2: memref<2560x128xi32, #tpu.memory_space<hbm>>, %arg3: memref<10112x16xf32, #tpu.memory_space<hbm>>, %arg4: memref<128x16xf32, #tpu.memory_space<hbm>>, %arg5: memref<20224x16xf32, #tpu.memory_space<hbm>>, %arg6: memref<80x128xi32, #tpu.memory_space<vmem>>, %arg7: memref<128x16xf32, #tpu.memory_space<vmem>>, %arg8: memref<10112x16xf32, #tpu.memory_space<vmem_shared>>) attributes {dimension_semantics = [#tpu.dimension_semantics<core_parallel>, #tpu.dimension_semantics<subcore_parallel>], iteration_bounds = array<i64: 2, 16>, scalar_prefetch = 0 : i64, scratch_operands = 3 : i64, tpu.core_type = #tpu.core_type<sc_vector_subcore>, window_params = [{transform_indices = #map}, {transform_indices = #map}, {transform_indices = #map}, {transform_indices = #map}]} {
    %mul3A = arith.constant 2 : i32
    %mul3A_0 = arith.muli %arg1, %mul3A : i32
    %add3A = arith.addi %mul3A_0, %arg0 : i32
    %mul3A_1 = arith.constant 632 : i32
    %mul3A_2 = arith.muli %arg1, %mul3A_1 : i32
    %mul3A_3 = arith.constant 632 : i32
    %mul3A_4 = arith.muli %arg1, %mul3A_3 : i32
    "tpu.region"() ({
      %run_scoped3A = tpu.sem_alloc : memref<!tpu.dma_semaphore, #tpu.memory_space<semaphore_mem>>
      %dma_start3A = arith.constant 0 : i32
      %dma_start3A_19 = tpu.memref_slice %arg8[%mul3A_4, %dma_start3A] : memref<10112x16xf32, #tpu.memory_space<vmem_shared>> -> memref<632x16xf32, #tpu.memory_space<vmem_shared>>
      %dma_start3A_20 = arith.constant 0 : i32
      %dma_start3A_21 = tpu.memref_slice %arg3[%mul3A_2, %dma_start3A_20] : memref<10112x16xf32, #tpu.memory_space<hbm>> -> memref<632x16xf32, #tpu.memory_space<hbm>>
      tpu.enqueue_dma source(%dma_start3A_21 : memref<632x16xf32, #tpu.memory_space<hbm>>) target(%dma_start3A_19 : memref<632x16xf32, #tpu.memory_space<vmem_shared>>) target_semaphore(%run_scoped3A : memref<!tpu.dma_semaphore, #tpu.memory_space<semaphore_mem>>)
      %dma_wait3A = arith.constant 0 : i32
      %dma_wait3A_22 = tpu.memref_slice %arg8[%mul3A_4, %dma_wait3A] : memref<10112x16xf32, #tpu.memory_space<vmem_shared>> -> memref<632x16xf32, #tpu.memory_space<vmem_shared>>
      %dma_wait3A_23 = arith.constant 0 : i32
      %dma_wait3A_24 = tpu.memref_slice %arg3[%mul3A_2, %dma_wait3A_23] : memref<10112x16xf32, #tpu.memory_space<hbm>> -> memref<632x16xf32, #tpu.memory_space<hbm>>
      tpu.wait_dma2 semaphore(%run_scoped3A : memref<!tpu.dma_semaphore, #tpu.memory_space<semaphore_mem>>) src(%dma_wait3A_24 : memref<632x16xf32, #tpu.memory_space<hbm>>) dst(%dma_wait3A_22 : memref<632x16xf32, #tpu.memory_space<vmem_shared>>)
      tpu.yield
    }) : () -> ()
    "tpu.region"() ({
      %run_scoped3A = tpu.sem_alloc : memref<!tpu.dma_semaphore, #tpu.memory_space<semaphore_mem>>
      tpu.enqueue_dma source(%arg4 : memref<128x16xf32, #tpu.memory_space<hbm>>) target(%arg7 : memref<128x16xf32, #tpu.memory_space<vmem>>) target_semaphore(%run_scoped3A : memref<!tpu.dma_semaphore, #tpu.memory_space<semaphore_mem>>)
      tpu.wait_dma2 semaphore(%run_scoped3A : memref<!tpu.dma_semaphore, #tpu.memory_space<semaphore_mem>>) src(%arg4 : memref<128x16xf32, #tpu.memory_space<hbm>>) dst(%arg7 : memref<128x16xf32, #tpu.memory_space<vmem>>)
      tpu.yield
    }) : () -> ()
    %mul3A_5 = arith.constant 80 : i32
    %mul3A_6 = arith.muli %add3A, %mul3A_5 : i32
    "tpu.region"() ({
      %run_scoped3A = tpu.sem_alloc : memref<!tpu.dma_semaphore, #tpu.memory_space<semaphore_mem>>
      %dma_start3A = arith.constant 0 : i32
      %dma_start3A_19 = tpu.memref_slice %arg2[%mul3A_6, %dma_start3A] : memref<2560x128xi32, #tpu.memory_space<hbm>> -> memref<80x128xi32, #tpu.memory_space<hbm>>
      %dma_start3A_20 = arith.constant 0 : i32
      %dma_start3A_21 = tpu.memref_slice %arg2[%mul3A_6, %dma_start3A_20] : memref<2560x128xi32, #tpu.memory_space<hbm>> -> memref<80x128xi32, #tpu.memory_space<hbm>>
      tpu.enqueue_dma source(%dma_start3A_21 : memref<80x128xi32, #tpu.memory_space<hbm>>) target(%arg6 : memref<80x128xi32, #tpu.memory_space<vmem>>) target_semaphore(%run_scoped3A : memref<!tpu.dma_semaphore, #tpu.memory_space<semaphore_mem>>)
      %dma_wait3A = arith.constant 0 : i32
      %dma_wait3A_22 = tpu.memref_slice %arg2[%mul3A_6, %dma_wait3A] : memref<2560x128xi32, #tpu.memory_space<hbm>> -> memref<80x128xi32, #tpu.memory_space<hbm>>
      %dma_wait3A_23 = arith.constant 0 : i32
      %dma_wait3A_24 = tpu.memref_slice %arg2[%mul3A_6, %dma_wait3A_23] : memref<2560x128xi32, #tpu.memory_space<hbm>> -> memref<80x128xi32, #tpu.memory_space<hbm>>
      tpu.wait_dma2 semaphore(%run_scoped3A : memref<!tpu.dma_semaphore, #tpu.memory_space<semaphore_mem>>) src(%dma_wait3A_24 : memref<80x128xi32, #tpu.memory_space<hbm>>) dst(%arg6 : memref<80x128xi32, #tpu.memory_space<vmem>>)
      tpu.yield
    }) : () -> ()
    %barrier3A = arith.constant 0 : index
    tpu.barrier barrier_id(%barrier3A)
    %scan3A = arith.constant 0 : i32
    %scan3A_7 = arith.constant 80 : i32
    %scan3A_8 = arith.addi %scan3A, %scan3A_7 : i32
    %scan3A_9 = arith.constant 1 : i32
    scf.for %scan3A_19 = %scan3A to %scan3A_8 step %scan3A_9  : i32 {
      %mul3A_20 = arith.constant 1 : i32
      %mul3A_21 = arith.muli %scan3A_19, %mul3A_20 : i32
      %add3A_22 = arith.constant 0 : i32
      %add3A_23 = arith.addi %add3A_22, %mul3A_21 : i32
      "tpu.region"() ({
        %run_scoped3A = tpu.sem_alloc : memref<!tpu.dma_semaphore, #tpu.memory_space<semaphore_mem>>
        %dma_start3A = arith.constant 0 : i32
        %dma_start3A_24 = tpu.memref_slice %arg6[%add3A_23, %dma_start3A] : memref<80x128xi32, #tpu.memory_space<vmem>> -> memref<1x128xi32, #tpu.memory_space<vmem>>
        %dma_start3A_25 = tpu.memref_squeeze %dma_start3A_24 : memref<1x128xi32, #tpu.memory_space<vmem>> -> memref<128xi32, #tpu.memory_space<vmem>>
        %dma_start3A_26 = arith.constant 0 : i32
        %dma_start3A_27 = arith.constant 0 : i32
        %dma_start3A_28 = tpu.memref_slice %arg8[%dma_start3A_26, %dma_start3A_27] : memref<10112x16xf32, #tpu.memory_space<vmem_shared>> -> memref<10112x16xf32, #tpu.memory_space<vmem_shared>>
        tpu.enqueue_indirect_dma source(%arg7 : memref<128x16xf32, #tpu.memory_space<vmem>>) target(%dma_start3A_28 : memref<10112x16xf32, #tpu.memory_space<vmem_shared>>) offsets(%dma_start3A_25 : memref<128xi32, #tpu.memory_space<vmem>>) semaphore(%run_scoped3A : memref<!tpu.dma_semaphore, #tpu.memory_space<semaphore_mem>>) {add = true}
        %dma_wait3A = arith.constant 0 : i32
        %dma_wait3A_29 = tpu.memref_slice %arg6[%add3A_23, %dma_wait3A] : memref<80x128xi32, #tpu.memory_space<vmem>> -> memref<1x128xi32, #tpu.memory_space<vmem>>
        %dma_wait3A_30 = tpu.memref_squeeze %dma_wait3A_29 : memref<1x128xi32, #tpu.memory_space<vmem>> -> memref<128xi32, #tpu.memory_space<vmem>>
        %dma_wait3A_31 = arith.constant 0 : i32
        %dma_wait3A_32 = arith.constant 0 : i32
        %dma_wait3A_33 = tpu.memref_slice %arg8[%dma_wait3A_31, %dma_wait3A_32] : memref<10112x16xf32, #tpu.memory_space<vmem_shared>> -> memref<10112x16xf32, #tpu.memory_space<vmem_shared>>
        tpu.wait_indirect_dma semaphore(%run_scoped3A : memref<!tpu.dma_semaphore, #tpu.memory_space<semaphore_mem>>) src(%arg7 : memref<128x16xf32, #tpu.memory_space<vmem>>) dst(%dma_wait3A_33 : memref<10112x16xf32, #tpu.memory_space<vmem_shared>>)
        tpu.yield
      }) : () -> ()
    }
    %scan3A_10 = arith.constant 80 : i32
    %barrier3A_11 = arith.constant 0 : index
    tpu.barrier barrier_id(%barrier3A_11)
    %mul3A_12 = arith.constant 632 : i32
    %mul3A_13 = arith.muli %arg1, %mul3A_12 : i32
    %mul3A_14 = arith.constant 10112 : i32
    %mul3A_15 = arith.muli %arg0, %mul3A_14 : i32
    %mul3A_16 = arith.constant 632 : i32
    %mul3A_17 = arith.muli %arg1, %mul3A_16 : i32
    %add3A_18 = arith.addi %mul3A_15, %mul3A_17 : i32
    "tpu.region"() ({
      %run_scoped3A = tpu.sem_alloc : memref<!tpu.dma_semaphore, #tpu.memory_space<semaphore_mem>>
      %dma_start3A = arith.constant 0 : i32
      %dma_start3A_19 = tpu.memref_slice %arg5[%add3A_18, %dma_start3A] : memref<20224x16xf32, #tpu.memory_space<hbm>> -> memref<632x16xf32, #tpu.memory_space<hbm>>
      %dma_start3A_20 = arith.constant 0 : i32
      %dma_start3A_21 = tpu.memref_slice %arg8[%mul3A_13, %dma_start3A_20] : memref<10112x16xf32, #tpu.memory_space<vmem_shared>> -> memref<632x16xf32, #tpu.memory_space<vmem_shared>>
      tpu.enqueue_dma source(%dma_start3A_21 : memref<632x16xf32, #tpu.memory_space<vmem_shared>>) target(%dma_start3A_19 : memref<632x16xf32, #tpu.memory_space<hbm>>) target_semaphore(%run_scoped3A : memref<!tpu.dma_semaphore, #tpu.memory_space<semaphore_mem>>)
      %dma_wait3A = arith.constant 0 : i32
      %dma_wait3A_22 = tpu.memref_slice %arg5[%add3A_18, %dma_wait3A] : memref<20224x16xf32, #tpu.memory_space<hbm>> -> memref<632x16xf32, #tpu.memory_space<hbm>>
      %dma_wait3A_23 = arith.constant 0 : i32
      %dma_wait3A_24 = tpu.memref_slice %arg8[%mul3A_13, %dma_wait3A_23] : memref<10112x16xf32, #tpu.memory_space<vmem_shared>> -> memref<632x16xf32, #tpu.memory_space<vmem_shared>>
      tpu.wait_dma2 semaphore(%run_scoped3A : memref<!tpu.dma_semaphore, #tpu.memory_space<semaphore_mem>>) src(%dma_wait3A_24 : memref<632x16xf32, #tpu.memory_space<vmem_shared>>) dst(%dma_wait3A_22 : memref<632x16xf32, #tpu.memory_space<hbm>>)
      tpu.yield
    }) : () -> ()
    return
  }
}

#map = affine_map<(d0, d1) -> (0, 0)>
module attributes {stable_mosaic.version = 14 : i64} {
  func.func @k(%arg0: i32, %arg1: i32, %arg2: memref<10000x64xf32, #tpu.memory_space<hbm>>, %arg3: memref<2560x128xi32, #tpu.memory_space<hbm>>, %arg4: memref<2560x128xi32, #tpu.memory_space<hbm>>, %arg5: memref<10112x64xf32, #tpu.memory_space<hbm>>, %arg6: memref<20224x64xf32, #tpu.memory_space<hbm>>, %arg7: memref<40x128xi32, #tpu.memory_space<vmem>>, %arg8: memref<40x128xi32, #tpu.memory_space<vmem>>, %arg9: memref<128x64xf32, #tpu.memory_space<vmem>>, %arg10: memref<128x64xf32, #tpu.memory_space<vmem>>, %arg11: memref<128x64xf32, #tpu.memory_space<vmem>>, %arg12: memref<128x64xf32, #tpu.memory_space<vmem>>, %arg13: memref<10112x64xf32, #tpu.memory_space<vmem_shared>>, %arg14: memref<10000x64xf32, #tpu.memory_space<vmem_shared>>, %arg15: memref<!tpu.dma_semaphore, #tpu.memory_space<semaphore_mem>>, %arg16: memref<!tpu.dma_semaphore, #tpu.memory_space<semaphore_mem>>, %arg17: memref<!tpu.dma_semaphore, #tpu.memory_space<semaphore_mem>>, %arg18: memref<!tpu.dma_semaphore, #tpu.memory_space<semaphore_mem>>, %arg19: memref<!tpu.dma_semaphore, #tpu.memory_space<semaphore_mem>>, %arg20: memref<!tpu.dma_semaphore, #tpu.memory_space<semaphore_mem>>, %arg21: memref<!tpu.dma_semaphore, #tpu.memory_space<semaphore_mem>>, %arg22: memref<!tpu.dma_semaphore, #tpu.memory_space<semaphore_mem>>) attributes {dimension_semantics = [#tpu.dimension_semantics<core_parallel>, #tpu.dimension_semantics<subcore_parallel>], iteration_bounds = array<i64: 2, 16>, scalar_prefetch = 0 : i64, scratch_operands = 16 : i64, tpu.core_type = #tpu.core_type<sc_vector_subcore>, window_params = [{transform_indices = #map}, {transform_indices = #map}, {transform_indices = #map}, {transform_indices = #map}, {transform_indices = #map}]} {
    %mul3A = arith.constant 632 : i32
    %mul3A_0 = arith.muli %arg1, %mul3A : i32
    %mul3A_1 = arith.constant 632 : i32
    %mul3A_2 = arith.muli %arg1, %mul3A_1 : i32
    "tpu.region"() ({
      %run_scoped3A = tpu.sem_alloc : memref<!tpu.dma_semaphore, #tpu.memory_space<semaphore_mem>>
      %dma_start3A = arith.constant 0 : i32
      %dma_start3A_58 = tpu.memref_slice %arg13[%mul3A_2, %dma_start3A] : memref<10112x64xf32, #tpu.memory_space<vmem_shared>> -> memref<632x64xf32, #tpu.memory_space<vmem_shared>>
      %dma_start3A_59 = arith.constant 0 : i32
      %dma_start3A_60 = tpu.memref_slice %arg5[%mul3A_0, %dma_start3A_59] : memref<10112x64xf32, #tpu.memory_space<hbm>> -> memref<632x64xf32, #tpu.memory_space<hbm>>
      tpu.enqueue_dma source(%dma_start3A_60 : memref<632x64xf32, #tpu.memory_space<hbm>>) target(%dma_start3A_58 : memref<632x64xf32, #tpu.memory_space<vmem_shared>>) target_semaphore(%run_scoped3A : memref<!tpu.dma_semaphore, #tpu.memory_space<semaphore_mem>>)
      %dma_wait3A = arith.constant 0 : i32
      %dma_wait3A_61 = tpu.memref_slice %arg13[%mul3A_2, %dma_wait3A] : memref<10112x64xf32, #tpu.memory_space<vmem_shared>> -> memref<632x64xf32, #tpu.memory_space<vmem_shared>>
      %dma_wait3A_62 = arith.constant 0 : i32
      %dma_wait3A_63 = tpu.memref_slice %arg5[%mul3A_0, %dma_wait3A_62] : memref<10112x64xf32, #tpu.memory_space<hbm>> -> memref<632x64xf32, #tpu.memory_space<hbm>>
      tpu.wait_dma2 semaphore(%run_scoped3A : memref<!tpu.dma_semaphore, #tpu.memory_space<semaphore_mem>>) src(%dma_wait3A_63 : memref<632x64xf32, #tpu.memory_space<hbm>>) dst(%dma_wait3A_61 : memref<632x64xf32, #tpu.memory_space<vmem_shared>>)
      tpu.yield
    }) : () -> ()
    %mul3A_3 = arith.constant 625 : i32
    %mul3A_4 = arith.muli %arg1, %mul3A_3 : i32
    %add3A = arith.constant 0 : i32
    %add3A_5 = arith.addi %add3A, %mul3A_4 : i32
    %mul3A_6 = arith.constant 625 : i32
    %mul3A_7 = arith.muli %arg1, %mul3A_6 : i32
    "tpu.region"() ({
      %run_scoped3A = tpu.sem_alloc : memref<!tpu.dma_semaphore, #tpu.memory_space<semaphore_mem>>
      %dma_start3A = arith.constant 0 : i32
      %dma_start3A_58 = tpu.memref_slice %arg14[%mul3A_7, %dma_start3A] : memref<10000x64xf32, #tpu.memory_space<vmem_shared>> -> memref<625x64xf32, #tpu.memory_space<vmem_shared>>
      %dma_start3A_59 = arith.constant 0 : i32
      %dma_start3A_60 = tpu.memref_slice %arg2[%add3A_5, %dma_start3A_59] : memref<10000x64xf32, #tpu.memory_space<hbm>> -> memref<625x64xf32, #tpu.memory_space<hbm>>
      tpu.enqueue_dma source(%dma_start3A_60 : memref<625x64xf32, #tpu.memory_space<hbm>>) target(%dma_start3A_58 : memref<625x64xf32, #tpu.memory_space<vmem_shared>>) target_semaphore(%run_scoped3A : memref<!tpu.dma_semaphore, #tpu.memory_space<semaphore_mem>>)
      %dma_wait3A = arith.constant 0 : i32
      %dma_wait3A_61 = tpu.memref_slice %arg14[%mul3A_7, %dma_wait3A] : memref<10000x64xf32, #tpu.memory_space<vmem_shared>> -> memref<625x64xf32, #tpu.memory_space<vmem_shared>>
      %dma_wait3A_62 = arith.constant 0 : i32
      %dma_wait3A_63 = tpu.memref_slice %arg2[%add3A_5, %dma_wait3A_62] : memref<10000x64xf32, #tpu.memory_space<hbm>> -> memref<625x64xf32, #tpu.memory_space<hbm>>
      tpu.wait_dma2 semaphore(%run_scoped3A : memref<!tpu.dma_semaphore, #tpu.memory_space<semaphore_mem>>) src(%dma_wait3A_63 : memref<625x64xf32, #tpu.memory_space<hbm>>) dst(%dma_wait3A_61 : memref<625x64xf32, #tpu.memory_space<vmem_shared>>)
      tpu.yield
    }) : () -> ()
    %eq3A = arith.constant 0 : i32
    %eq3A_8 = arith.cmpi eq, %arg0, %eq3A : i32
    %jit3A = arith.constant 80 : i32
    %jit3A_9 = arith.constant 80 : i32
    %select_n3A = arith.select %eq3A_8, %jit3A, %jit3A_9 : i32
    %mul3A_10 = arith.constant 1280 : i32
    %mul3A_11 = arith.muli %arg0, %mul3A_10 : i32
    %mul3A_12 = arith.muli %arg1, %select_n3A : i32
    %add3A_13 = arith.addi %mul3A_11, %mul3A_12 : i32
    %jit3A_14 = arith.constant 40 : i32
    %div3A = arith.divsi %select_n3A, %jit3A_14 : i32
    %sign3A = arith.constant 0 : i32
    %sign3A_15 = arith.cmpi sgt, %select_n3A, %sign3A : i32
    %sign3A_16 = arith.extui %sign3A_15 : i1 to i32
    %sign3A_17 = arith.constant 0 : i32
    %sign3A_18 = arith.cmpi slt, %select_n3A, %sign3A_17 : i32
    %sign3A_19 = arith.extui %sign3A_18 : i1 to i32
    %sign3A_20 = arith.subi %sign3A_16, %sign3A_19 : i32
    %sign3A_21 = arith.constant 0 : i32
    %sign3A_22 = arith.cmpi sgt, %jit3A_14, %sign3A_21 : i32
    %sign3A_23 = arith.extui %sign3A_22 : i1 to i32
    %sign3A_24 = arith.constant 0 : i32
    %sign3A_25 = arith.cmpi slt, %jit3A_14, %sign3A_24 : i32
    %sign3A_26 = arith.extui %sign3A_25 : i1 to i32
    %sign3A_27 = arith.subi %sign3A_23, %sign3A_26 : i32
    %ne3A = arith.cmpi ne, %sign3A_20, %sign3A_27 : i32
    %rem3A = arith.remsi %select_n3A, %jit3A_14 : i32
    %ne3A_28 = arith.constant 0 : i32
    %ne3A_29 = arith.cmpi ne, %rem3A, %ne3A_28 : i32
    %and3A = arith.andi %ne3A, %ne3A_29 : i1
    %sub3A = arith.constant 1 : i32
    %sub3A_30 = arith.subi %div3A, %sub3A : i32
    %select_n3A_31 = arith.select %and3A, %sub3A_30, %div3A : i32
    %barrier3A = arith.constant 0 : index
    tpu.barrier barrier_id(%barrier3A)
    %sub3A_32 = arith.constant 0 : i32
    %sub3A_33 = arith.subi %select_n3A_31, %sub3A_32 : i32
    %sub3A_34 = arith.constant 1 : i32
    %sub3A_35 = arith.constant 1 : i32
    %sub3A_36 = arith.subi %sub3A_34, %sub3A_35 : i32
    %add3A_37 = arith.addi %sub3A_33, %sub3A_36 : i32
    %div3A_38 = arith.constant 1 : i32
    %div3A_39 = arith.divsi %add3A_37, %div3A_38 : i32
    %while3A = arith.constant 1 : i32
    %while3A_40 = arith.constant 0 : i32
    %while3A_41 = arith.constant 0 : i32
    %while3A_42 = arith.subi %div3A_39, %while3A_41 : i32
    %while3A_43 = arith.addi %while3A_41, %while3A_42 : i32
    %while3A_44 = arith.constant 1 : i32
    %while3A_45 = arith.divsi %while3A_42, %while3A_44 : i32
    %while3A_46 = arith.muli %while3A_45, %while3A_44 : i32
    %while3A_47 = arith.addi %while3A_41, %while3A_46 : i32
    %while3A_48 = arith.constant 1 : i32
    scf.for %while3A_58 = %while3A_41 to %while3A_47 step %while3A_48  : i32 {
      %mul3A_59 = arith.muli %while3A_58, %while3A : i32
      %add3A_60 = arith.addi %while3A_40, %mul3A_59 : i32
      %mul3A_61 = arith.constant 40 : i32
      %mul3A_62 = arith.muli %add3A_60, %mul3A_61 : i32
      %add3A_63 = arith.addi %add3A_13, %mul3A_62 : i32
      "tpu.region"() ({
        %run_scoped3A = tpu.sem_alloc : memref<!tpu.dma_semaphore, #tpu.memory_space<semaphore_mem>>
        %dma_start3A_178 = arith.constant 0 : i32
        %dma_start3A_179 = tpu.memref_slice %arg3[%add3A_63, %dma_start3A_178] : memref<2560x128xi32, #tpu.memory_space<hbm>> -> memref<40x128xi32, #tpu.memory_space<hbm>>
        %dma_start3A_180 = arith.constant 0 : i32
        %dma_start3A_181 = tpu.memref_slice %arg3[%add3A_63, %dma_start3A_180] : memref<2560x128xi32, #tpu.memory_space<hbm>> -> memref<40x128xi32, #tpu.memory_space<hbm>>
        tpu.enqueue_dma source(%dma_start3A_181 : memref<40x128xi32, #tpu.memory_space<hbm>>) target(%arg7 : memref<40x128xi32, #tpu.memory_space<vmem>>) target_semaphore(%run_scoped3A : memref<!tpu.dma_semaphore, #tpu.memory_space<semaphore_mem>>)
        %dma_wait3A_182 = arith.constant 0 : i32
        %dma_wait3A_183 = tpu.memref_slice %arg3[%add3A_63, %dma_wait3A_182] : memref<2560x128xi32, #tpu.memory_space<hbm>> -> memref<40x128xi32, #tpu.memory_space<hbm>>
        %dma_wait3A_184 = arith.constant 0 : i32
        %dma_wait3A_185 = tpu.memref_slice %arg3[%add3A_63, %dma_wait3A_184] : memref<2560x128xi32, #tpu.memory_space<hbm>> -> memref<40x128xi32, #tpu.memory_space<hbm>>
        tpu.wait_dma2 semaphore(%run_scoped3A : memref<!tpu.dma_semaphore, #tpu.memory_space<semaphore_mem>>) src(%dma_wait3A_185 : memref<40x128xi32, #tpu.memory_space<hbm>>) dst(%arg7 : memref<40x128xi32, #tpu.memory_space<vmem>>)
        tpu.yield
      }) : () -> ()
      "tpu.region"() ({
        %run_scoped3A = tpu.sem_alloc : memref<!tpu.dma_semaphore, #tpu.memory_space<semaphore_mem>>
        %dma_start3A_178 = arith.constant 0 : i32
        %dma_start3A_179 = tpu.memref_slice %arg4[%add3A_63, %dma_start3A_178] : memref<2560x128xi32, #tpu.memory_space<hbm>> -> memref<40x128xi32, #tpu.memory_space<hbm>>
        %dma_start3A_180 = arith.constant 0 : i32
        %dma_start3A_181 = tpu.memref_slice %arg4[%add3A_63, %dma_start3A_180] : memref<2560x128xi32, #tpu.memory_space<hbm>> -> memref<40x128xi32, #tpu.memory_space<hbm>>
        tpu.enqueue_dma source(%dma_start3A_181 : memref<40x128xi32, #tpu.memory_space<hbm>>) target(%arg8 : memref<40x128xi32, #tpu.memory_space<vmem>>) target_semaphore(%run_scoped3A : memref<!tpu.dma_semaphore, #tpu.memory_space<semaphore_mem>>)
        %dma_wait3A_182 = arith.constant 0 : i32
        %dma_wait3A_183 = tpu.memref_slice %arg4[%add3A_63, %dma_wait3A_182] : memref<2560x128xi32, #tpu.memory_space<hbm>> -> memref<40x128xi32, #tpu.memory_space<hbm>>
        %dma_wait3A_184 = arith.constant 0 : i32
        %dma_wait3A_185 = tpu.memref_slice %arg4[%add3A_63, %dma_wait3A_184] : memref<2560x128xi32, #tpu.memory_space<hbm>> -> memref<40x128xi32, #tpu.memory_space<hbm>>
        tpu.wait_dma2 semaphore(%run_scoped3A : memref<!tpu.dma_semaphore, #tpu.memory_space<semaphore_mem>>) src(%dma_wait3A_185 : memref<40x128xi32, #tpu.memory_space<hbm>>) dst(%arg8 : memref<40x128xi32, #tpu.memory_space<vmem>>)
        tpu.yield
      }) : () -> ()
      %dma_start3A = arith.constant 0 : i32
      %dma_start3A_64 = arith.constant 0 : i32
      %dma_start3A_65 = tpu.memref_slice %arg7[%dma_start3A, %dma_start3A_64] : memref<40x128xi32, #tpu.memory_space<vmem>> -> memref<1x128xi32, #tpu.memory_space<vmem>>
      %dma_start3A_66 = tpu.memref_squeeze %dma_start3A_65 : memref<1x128xi32, #tpu.memory_space<vmem>> -> memref<128xi32, #tpu.memory_space<vmem>>
      %dma_start3A_67 = arith.constant 0 : i32
      %dma_start3A_68 = arith.constant 0 : i32
      %dma_start3A_69 = tpu.memref_slice %arg14[%dma_start3A_67, %dma_start3A_68] : memref<10000x64xf32, #tpu.memory_space<vmem_shared>> -> memref<10000x64xf32, #tpu.memory_space<vmem_shared>>
      tpu.enqueue_indirect_dma source(%dma_start3A_69 : memref<10000x64xf32, #tpu.memory_space<vmem_shared>>) target(%arg9 : memref<128x64xf32, #tpu.memory_space<vmem>>) offsets(%dma_start3A_66 : memref<128xi32, #tpu.memory_space<vmem>>) semaphore(%arg15 : memref<!tpu.dma_semaphore, #tpu.memory_space<semaphore_mem>>)
      %dma_start3A_70 = arith.constant 1 : i32
      %dma_start3A_71 = arith.constant 0 : i32
      %dma_start3A_72 = tpu.memref_slice %arg7[%dma_start3A_70, %dma_start3A_71] : memref<40x128xi32, #tpu.memory_space<vmem>> -> memref<1x128xi32, #tpu.memory_space<vmem>>
      %dma_start3A_73 = tpu.memref_squeeze %dma_start3A_72 : memref<1x128xi32, #tpu.memory_space<vmem>> -> memref<128xi32, #tpu.memory_space<vmem>>
      %dma_start3A_74 = arith.constant 0 : i32
      %dma_start3A_75 = arith.constant 0 : i32
      %dma_start3A_76 = tpu.memref_slice %arg14[%dma_start3A_74, %dma_start3A_75] : memref<10000x64xf32, #tpu.memory_space<vmem_shared>> -> memref<10000x64xf32, #tpu.memory_space<vmem_shared>>
      tpu.enqueue_indirect_dma source(%dma_start3A_76 : memref<10000x64xf32, #tpu.memory_space<vmem_shared>>) target(%arg10 : memref<128x64xf32, #tpu.memory_space<vmem>>) offsets(%dma_start3A_73 : memref<128xi32, #tpu.memory_space<vmem>>) semaphore(%arg16 : memref<!tpu.dma_semaphore, #tpu.memory_space<semaphore_mem>>)
      %dma_start3A_77 = arith.constant 2 : i32
      %dma_start3A_78 = arith.constant 0 : i32
      %dma_start3A_79 = tpu.memref_slice %arg7[%dma_start3A_77, %dma_start3A_78] : memref<40x128xi32, #tpu.memory_space<vmem>> -> memref<1x128xi32, #tpu.memory_space<vmem>>
      %dma_start3A_80 = tpu.memref_squeeze %dma_start3A_79 : memref<1x128xi32, #tpu.memory_space<vmem>> -> memref<128xi32, #tpu.memory_space<vmem>>
      %dma_start3A_81 = arith.constant 0 : i32
      %dma_start3A_82 = arith.constant 0 : i32
      %dma_start3A_83 = tpu.memref_slice %arg14[%dma_start3A_81, %dma_start3A_82] : memref<10000x64xf32, #tpu.memory_space<vmem_shared>> -> memref<10000x64xf32, #tpu.memory_space<vmem_shared>>
      tpu.enqueue_indirect_dma source(%dma_start3A_83 : memref<10000x64xf32, #tpu.memory_space<vmem_shared>>) target(%arg11 : memref<128x64xf32, #tpu.memory_space<vmem>>) offsets(%dma_start3A_80 : memref<128xi32, #tpu.memory_space<vmem>>) semaphore(%arg17 : memref<!tpu.dma_semaphore, #tpu.memory_space<semaphore_mem>>)
      %dma_start3A_84 = arith.constant 3 : i32
      %dma_start3A_85 = arith.constant 0 : i32
      %dma_start3A_86 = tpu.memref_slice %arg7[%dma_start3A_84, %dma_start3A_85] : memref<40x128xi32, #tpu.memory_space<vmem>> -> memref<1x128xi32, #tpu.memory_space<vmem>>
      %dma_start3A_87 = tpu.memref_squeeze %dma_start3A_86 : memref<1x128xi32, #tpu.memory_space<vmem>> -> memref<128xi32, #tpu.memory_space<vmem>>
      %dma_start3A_88 = arith.constant 0 : i32
      %dma_start3A_89 = arith.constant 0 : i32
      %dma_start3A_90 = tpu.memref_slice %arg14[%dma_start3A_88, %dma_start3A_89] : memref<10000x64xf32, #tpu.memory_space<vmem_shared>> -> memref<10000x64xf32, #tpu.memory_space<vmem_shared>>
      tpu.enqueue_indirect_dma source(%dma_start3A_90 : memref<10000x64xf32, #tpu.memory_space<vmem_shared>>) target(%arg12 : memref<128x64xf32, #tpu.memory_space<vmem>>) offsets(%dma_start3A_87 : memref<128xi32, #tpu.memory_space<vmem>>) semaphore(%arg18 : memref<!tpu.dma_semaphore, #tpu.memory_space<semaphore_mem>>)
      %scan3A = arith.constant 0 : i32
      %scan3A_91 = arith.constant 9 : i32
      %scan3A_92 = arith.addi %scan3A, %scan3A_91 : i32
      %scan3A_93 = arith.constant 1 : i32
      scf.for %scan3A_178 = %scan3A to %scan3A_92 step %scan3A_93  : i32 {
        %mul3A_179 = arith.constant 4 : i32
        %mul3A_180 = arith.muli %scan3A_178, %mul3A_179 : i32
        %add3A_181 = arith.constant 0 : i32
        %add3A_182 = arith.addi %add3A_181, %mul3A_180 : i32
        %dma_wait3A_183 = arith.constant 0 : i32
        %dma_wait3A_184 = arith.constant 0 : i32
        %dma_wait3A_185 = tpu.memref_slice %arg7[%dma_wait3A_183, %dma_wait3A_184] : memref<40x128xi32, #tpu.memory_space<vmem>> -> memref<1x128xi32, #tpu.memory_space<vmem>>
        %dma_wait3A_186 = tpu.memref_squeeze %dma_wait3A_185 : memref<1x128xi32, #tpu.memory_space<vmem>> -> memref<128xi32, #tpu.memory_space<vmem>>
        %dma_wait3A_187 = arith.constant 0 : i32
        %dma_wait3A_188 = arith.constant 0 : i32
        %dma_wait3A_189 = tpu.memref_slice %arg14[%dma_wait3A_187, %dma_wait3A_188] : memref<10000x64xf32, #tpu.memory_space<vmem_shared>> -> memref<10000x64xf32, #tpu.memory_space<vmem_shared>>
        tpu.wait_indirect_dma semaphore(%arg15 : memref<!tpu.dma_semaphore, #tpu.memory_space<semaphore_mem>>) src(%dma_wait3A_189 : memref<10000x64xf32, #tpu.memory_space<vmem_shared>>) dst(%arg9 : memref<128x64xf32, #tpu.memory_space<vmem>>)
        %add3A_190 = arith.constant 0 : i32
        %add3A_191 = arith.addi %add3A_182, %add3A_190 : i32
        %dma_start3A_192 = arith.constant 0 : i32
        %dma_start3A_193 = tpu.memref_slice %arg8[%add3A_191, %dma_start3A_192] : memref<40x128xi32, #tpu.memory_space<vmem>> -> memref<1x128xi32, #tpu.memory_space<vmem>>
        %dma_start3A_194 = tpu.memref_squeeze %dma_start3A_193 : memref<1x128xi32, #tpu.memory_space<vmem>> -> memref<128xi32, #tpu.memory_space<vmem>>
        %dma_start3A_195 = arith.constant 0 : i32
        %dma_start3A_196 = arith.constant 0 : i32
        %dma_start3A_197 = tpu.memref_slice %arg13[%dma_start3A_195, %dma_start3A_196] : memref<10112x64xf32, #tpu.memory_space<vmem_shared>> -> memref<10112x64xf32, #tpu.memory_space<vmem_shared>>
        tpu.enqueue_indirect_dma source(%arg9 : memref<128x64xf32, #tpu.memory_space<vmem>>) target(%dma_start3A_197 : memref<10112x64xf32, #tpu.memory_space<vmem_shared>>) offsets(%dma_start3A_194 : memref<128xi32, #tpu.memory_space<vmem>>) semaphore(%arg19 : memref<!tpu.dma_semaphore, #tpu.memory_space<semaphore_mem>>) {add = true}
        %dma_wait3A_198 = arith.constant 0 : i32
        %dma_wait3A_199 = arith.constant 0 : i32
        %dma_wait3A_200 = tpu.memref_slice %arg7[%dma_wait3A_198, %dma_wait3A_199] : memref<40x128xi32, #tpu.memory_space<vmem>> -> memref<1x128xi32, #tpu.memory_space<vmem>>
        %dma_wait3A_201 = tpu.memref_squeeze %dma_wait3A_200 : memref<1x128xi32, #tpu.memory_space<vmem>> -> memref<128xi32, #tpu.memory_space<vmem>>
        %dma_wait3A_202 = arith.constant 0 : i32
        %dma_wait3A_203 = arith.constant 0 : i32
        %dma_wait3A_204 = tpu.memref_slice %arg14[%dma_wait3A_202, %dma_wait3A_203] : memref<10000x64xf32, #tpu.memory_space<vmem_shared>> -> memref<10000x64xf32, #tpu.memory_space<vmem_shared>>
        tpu.wait_indirect_dma semaphore(%arg16 : memref<!tpu.dma_semaphore, #tpu.memory_space<semaphore_mem>>) src(%dma_wait3A_204 : memref<10000x64xf32, #tpu.memory_space<vmem_shared>>) dst(%arg10 : memref<128x64xf32, #tpu.memory_space<vmem>>)
        %add3A_205 = arith.constant 1 : i32
        %add3A_206 = arith.addi %add3A_182, %add3A_205 : i32
        %dma_start3A_207 = arith.constant 0 : i32
        %dma_start3A_208 = tpu.memref_slice %arg8[%add3A_206, %dma_start3A_207] : memref<40x128xi32, #tpu.memory_space<vmem>> -> memref<1x128xi32, #tpu.memory_space<vmem>>
        %dma_start3A_209 = tpu.memref_squeeze %dma_start3A_208 : memref<1x128xi32, #tpu.memory_space<vmem>> -> memref<128xi32, #tpu.memory_space<vmem>>
        %dma_start3A_210 = arith.constant 0 : i32
        %dma_start3A_211 = arith.constant 0 : i32
        %dma_start3A_212 = tpu.memref_slice %arg13[%dma_start3A_210, %dma_start3A_211] : memref<10112x64xf32, #tpu.memory_space<vmem_shared>> -> memref<10112x64xf32, #tpu.memory_space<vmem_shared>>
        tpu.enqueue_indirect_dma source(%arg10 : memref<128x64xf32, #tpu.memory_space<vmem>>) target(%dma_start3A_212 : memref<10112x64xf32, #tpu.memory_space<vmem_shared>>) offsets(%dma_start3A_209 : memref<128xi32, #tpu.memory_space<vmem>>) semaphore(%arg20 : memref<!tpu.dma_semaphore, #tpu.memory_space<semaphore_mem>>) {add = true}
        %dma_wait3A_213 = arith.constant 0 : i32
        %dma_wait3A_214 = arith.constant 0 : i32
        %dma_wait3A_215 = tpu.memref_slice %arg7[%dma_wait3A_213, %dma_wait3A_214] : memref<40x128xi32, #tpu.memory_space<vmem>> -> memref<1x128xi32, #tpu.memory_space<vmem>>
        %dma_wait3A_216 = tpu.memref_squeeze %dma_wait3A_215 : memref<1x128xi32, #tpu.memory_space<vmem>> -> memref<128xi32, #tpu.memory_space<vmem>>
        %dma_wait3A_217 = arith.constant 0 : i32
        %dma_wait3A_218 = arith.constant 0 : i32
        %dma_wait3A_219 = tpu.memref_slice %arg14[%dma_wait3A_217, %dma_wait3A_218] : memref<10000x64xf32, #tpu.memory_space<vmem_shared>> -> memref<10000x64xf32, #tpu.memory_space<vmem_shared>>
        tpu.wait_indirect_dma semaphore(%arg17 : memref<!tpu.dma_semaphore, #tpu.memory_space<semaphore_mem>>) src(%dma_wait3A_219 : memref<10000x64xf32, #tpu.memory_space<vmem_shared>>) dst(%arg11 : memref<128x64xf32, #tpu.memory_space<vmem>>)
        %add3A_220 = arith.constant 2 : i32
        %add3A_221 = arith.addi %add3A_182, %add3A_220 : i32
        %dma_start3A_222 = arith.constant 0 : i32
        %dma_start3A_223 = tpu.memref_slice %arg8[%add3A_221, %dma_start3A_222] : memref<40x128xi32, #tpu.memory_space<vmem>> -> memref<1x128xi32, #tpu.memory_space<vmem>>
        %dma_start3A_224 = tpu.memref_squeeze %dma_start3A_223 : memref<1x128xi32, #tpu.memory_space<vmem>> -> memref<128xi32, #tpu.memory_space<vmem>>
        %dma_start3A_225 = arith.constant 0 : i32
        %dma_start3A_226 = arith.constant 0 : i32
        %dma_start3A_227 = tpu.memref_slice %arg13[%dma_start3A_225, %dma_start3A_226] : memref<10112x64xf32, #tpu.memory_space<vmem_shared>> -> memref<10112x64xf32, #tpu.memory_space<vmem_shared>>
        tpu.enqueue_indirect_dma source(%arg11 : memref<128x64xf32, #tpu.memory_space<vmem>>) target(%dma_start3A_227 : memref<10112x64xf32, #tpu.memory_space<vmem_shared>>) offsets(%dma_start3A_224 : memref<128xi32, #tpu.memory_space<vmem>>) semaphore(%arg21 : memref<!tpu.dma_semaphore, #tpu.memory_space<semaphore_mem>>) {add = true}
        %dma_wait3A_228 = arith.constant 0 : i32
        %dma_wait3A_229 = arith.constant 0 : i32
        %dma_wait3A_230 = tpu.memref_slice %arg7[%dma_wait3A_228, %dma_wait3A_229] : memref<40x128xi32, #tpu.memory_space<vmem>> -> memref<1x128xi32, #tpu.memory_space<vmem>>
        %dma_wait3A_231 = tpu.memref_squeeze %dma_wait3A_230 : memref<1x128xi32, #tpu.memory_space<vmem>> -> memref<128xi32, #tpu.memory_space<vmem>>
        %dma_wait3A_232 = arith.constant 0 : i32
        %dma_wait3A_233 = arith.constant 0 : i32
        %dma_wait3A_234 = tpu.memref_slice %arg14[%dma_wait3A_232, %dma_wait3A_233] : memref<10000x64xf32, #tpu.memory_space<vmem_shared>> -> memref<10000x64xf32, #tpu.memory_space<vmem_shared>>
        tpu.wait_indirect_dma semaphore(%arg18 : memref<!tpu.dma_semaphore, #tpu.memory_space<semaphore_mem>>) src(%dma_wait3A_234 : memref<10000x64xf32, #tpu.memory_space<vmem_shared>>) dst(%arg12 : memref<128x64xf32, #tpu.memory_space<vmem>>)
        %add3A_235 = arith.constant 3 : i32
        %add3A_236 = arith.addi %add3A_182, %add3A_235 : i32
        %dma_start3A_237 = arith.constant 0 : i32
        %dma_start3A_238 = tpu.memref_slice %arg8[%add3A_236, %dma_start3A_237] : memref<40x128xi32, #tpu.memory_space<vmem>> -> memref<1x128xi32, #tpu.memory_space<vmem>>
        %dma_start3A_239 = tpu.memref_squeeze %dma_start3A_238 : memref<1x128xi32, #tpu.memory_space<vmem>> -> memref<128xi32, #tpu.memory_space<vmem>>
        %dma_start3A_240 = arith.constant 0 : i32
        %dma_start3A_241 = arith.constant 0 : i32
        %dma_start3A_242 = tpu.memref_slice %arg13[%dma_start3A_240, %dma_start3A_241] : memref<10112x64xf32, #tpu.memory_space<vmem_shared>> -> memref<10112x64xf32, #tpu.memory_space<vmem_shared>>
        tpu.enqueue_indirect_dma source(%arg12 : memref<128x64xf32, #tpu.memory_space<vmem>>) target(%dma_start3A_242 : memref<10112x64xf32, #tpu.memory_space<vmem_shared>>) offsets(%dma_start3A_239 : memref<128xi32, #tpu.memory_space<vmem>>) semaphore(%arg22 : memref<!tpu.dma_semaphore, #tpu.memory_space<semaphore_mem>>) {add = true}
        %dma_wait3A_243 = arith.constant 0 : i32
        %dma_wait3A_244 = arith.constant 0 : i32
        %dma_wait3A_245 = tpu.memref_slice %arg7[%dma_wait3A_243, %dma_wait3A_244] : memref<40x128xi32, #tpu.memory_space<vmem>> -> memref<1x128xi32, #tpu.memory_space<vmem>>
        %dma_wait3A_246 = tpu.memref_squeeze %dma_wait3A_245 : memref<1x128xi32, #tpu.memory_space<vmem>> -> memref<128xi32, #tpu.memory_space<vmem>>
        %dma_wait3A_247 = arith.constant 0 : i32
        %dma_wait3A_248 = arith.constant 0 : i32
        %dma_wait3A_249 = tpu.memref_slice %arg2[%dma_wait3A_247, %dma_wait3A_248] : memref<10000x64xf32, #tpu.memory_space<hbm>> -> memref<10000x64xf32, #tpu.memory_space<hbm>>
        tpu.wait_indirect_dma semaphore(%arg19 : memref<!tpu.dma_semaphore, #tpu.memory_space<semaphore_mem>>) src(%dma_wait3A_249 : memref<10000x64xf32, #tpu.memory_space<hbm>>) dst(%arg9 : memref<128x64xf32, #tpu.memory_space<vmem>>)
        %add3A_250 = arith.constant 4 : i32
        %add3A_251 = arith.addi %add3A_182, %add3A_250 : i32
        %add3A_252 = arith.constant 0 : i32
        %add3A_253 = arith.addi %add3A_251, %add3A_252 : i32
        %dma_start3A_254 = arith.constant 0 : i32
        %dma_start3A_255 = tpu.memref_slice %arg7[%add3A_253, %dma_start3A_254] : memref<40x128xi32, #tpu.memory_space<vmem>> -> memref<1x128xi32, #tpu.memory_space<vmem>>
        %dma_start3A_256 = tpu.memref_squeeze %dma_start3A_255 : memref<1x128xi32, #tpu.memory_space<vmem>> -> memref<128xi32, #tpu.memory_space<vmem>>
        %dma_start3A_257 = arith.constant 0 : i32
        %dma_start3A_258 = arith.constant 0 : i32
        %dma_start3A_259 = tpu.memref_slice %arg14[%dma_start3A_257, %dma_start3A_258] : memref<10000x64xf32, #tpu.memory_space<vmem_shared>> -> memref<10000x64xf32, #tpu.memory_space<vmem_shared>>
        tpu.enqueue_indirect_dma source(%dma_start3A_259 : memref<10000x64xf32, #tpu.memory_space<vmem_shared>>) target(%arg9 : memref<128x64xf32, #tpu.memory_space<vmem>>) offsets(%dma_start3A_256 : memref<128xi32, #tpu.memory_space<vmem>>) semaphore(%arg15 : memref<!tpu.dma_semaphore, #tpu.memory_space<semaphore_mem>>)
        %dma_wait3A_260 = arith.constant 0 : i32
        %dma_wait3A_261 = arith.constant 0 : i32
        %dma_wait3A_262 = tpu.memref_slice %arg7[%dma_wait3A_260, %dma_wait3A_261] : memref<40x128xi32, #tpu.memory_space<vmem>> -> memref<1x128xi32, #tpu.memory_space<vmem>>
        %dma_wait3A_263 = tpu.memref_squeeze %dma_wait3A_262 : memref<1x128xi32, #tpu.memory_space<vmem>> -> memref<128xi32, #tpu.memory_space<vmem>>
        %dma_wait3A_264 = arith.constant 0 : i32
        %dma_wait3A_265 = arith.constant 0 : i32
        %dma_wait3A_266 = tpu.memref_slice %arg2[%dma_wait3A_264, %dma_wait3A_265] : memref<10000x64xf32, #tpu.memory_space<hbm>> -> memref<10000x64xf32, #tpu.memory_space<hbm>>
        tpu.wait_indirect_dma semaphore(%arg20 : memref<!tpu.dma_semaphore, #tpu.memory_space<semaphore_mem>>) src(%dma_wait3A_266 : memref<10000x64xf32, #tpu.memory_space<hbm>>) dst(%arg10 : memref<128x64xf32, #tpu.memory_space<vmem>>)
        %add3A_267 = arith.constant 4 : i32
        %add3A_268 = arith.addi %add3A_182, %add3A_267 : i32
        %add3A_269 = arith.constant 1 : i32
        %add3A_270 = arith.addi %add3A_268, %add3A_269 : i32
        %dma_start3A_271 = arith.constant 0 : i32
        %dma_start3A_272 = tpu.memref_slice %arg7[%add3A_270, %dma_start3A_271] : memref<40x128xi32, #tpu.memory_space<vmem>> -> memref<1x128xi32, #tpu.memory_space<vmem>>
        %dma_start3A_273 = tpu.memref_squeeze %dma_start3A_272 : memref<1x128xi32, #tpu.memory_space<vmem>> -> memref<128xi32, #tpu.memory_space<vmem>>
        %dma_start3A_274 = arith.constant 0 : i32
        %dma_start3A_275 = arith.constant 0 : i32
        %dma_start3A_276 = tpu.memref_slice %arg14[%dma_start3A_274, %dma_start3A_275] : memref<10000x64xf32, #tpu.memory_space<vmem_shared>> -> memref<10000x64xf32, #tpu.memory_space<vmem_shared>>
        tpu.enqueue_indirect_dma source(%dma_start3A_276 : memref<10000x64xf32, #tpu.memory_space<vmem_shared>>) target(%arg10 : memref<128x64xf32, #tpu.memory_space<vmem>>) offsets(%dma_start3A_273 : memref<128xi32, #tpu.memory_space<vmem>>) semaphore(%arg16 : memref<!tpu.dma_semaphore, #tpu.memory_space<semaphore_mem>>)
        %dma_wait3A_277 = arith.constant 0 : i32
        %dma_wait3A_278 = arith.constant 0 : i32
        %dma_wait3A_279 = tpu.memref_slice %arg7[%dma_wait3A_277, %dma_wait3A_278] : memref<40x128xi32, #tpu.memory_space<vmem>> -> memref<1x128xi32, #tpu.memory_space<vmem>>
        %dma_wait3A_280 = tpu.memref_squeeze %dma_wait3A_279 : memref<1x128xi32, #tpu.memory_space<vmem>> -> memref<128xi32, #tpu.memory_space<vmem>>
        %dma_wait3A_281 = arith.constant 0 : i32
        %dma_wait3A_282 = arith.constant 0 : i32
        %dma_wait3A_283 = tpu.memref_slice %arg2[%dma_wait3A_281, %dma_wait3A_282] : memref<10000x64xf32, #tpu.memory_space<hbm>> -> memref<10000x64xf32, #tpu.memory_space<hbm>>
        tpu.wait_indirect_dma semaphore(%arg21 : memref<!tpu.dma_semaphore, #tpu.memory_space<semaphore_mem>>) src(%dma_wait3A_283 : memref<10000x64xf32, #tpu.memory_space<hbm>>) dst(%arg11 : memref<128x64xf32, #tpu.memory_space<vmem>>)
        %add3A_284 = arith.constant 4 : i32
        %add3A_285 = arith.addi %add3A_182, %add3A_284 : i32
        %add3A_286 = arith.constant 2 : i32
        %add3A_287 = arith.addi %add3A_285, %add3A_286 : i32
        %dma_start3A_288 = arith.constant 0 : i32
        %dma_start3A_289 = tpu.memref_slice %arg7[%add3A_287, %dma_start3A_288] : memref<40x128xi32, #tpu.memory_space<vmem>> -> memref<1x128xi32, #tpu.memory_space<vmem>>
        %dma_start3A_290 = tpu.memref_squeeze %dma_start3A_289 : memref<1x128xi32, #tpu.memory_space<vmem>> -> memref<128xi32, #tpu.memory_space<vmem>>
        %dma_start3A_291 = arith.constant 0 : i32
        %dma_start3A_292 = arith.constant 0 : i32
        %dma_start3A_293 = tpu.memref_slice %arg14[%dma_start3A_291, %dma_start3A_292] : memref<10000x64xf32, #tpu.memory_space<vmem_shared>> -> memref<10000x64xf32, #tpu.memory_space<vmem_shared>>
        tpu.enqueue_indirect_dma source(%dma_start3A_293 : memref<10000x64xf32, #tpu.memory_space<vmem_shared>>) target(%arg11 : memref<128x64xf32, #tpu.memory_space<vmem>>) offsets(%dma_start3A_290 : memref<128xi32, #tpu.memory_space<vmem>>) semaphore(%arg17 : memref<!tpu.dma_semaphore, #tpu.memory_space<semaphore_mem>>)
        %dma_wait3A_294 = arith.constant 0 : i32
        %dma_wait3A_295 = arith.constant 0 : i32
        %dma_wait3A_296 = tpu.memref_slice %arg7[%dma_wait3A_294, %dma_wait3A_295] : memref<40x128xi32, #tpu.memory_space<vmem>> -> memref<1x128xi32, #tpu.memory_space<vmem>>
        %dma_wait3A_297 = tpu.memref_squeeze %dma_wait3A_296 : memref<1x128xi32, #tpu.memory_space<vmem>> -> memref<128xi32, #tpu.memory_space<vmem>>
        %dma_wait3A_298 = arith.constant 0 : i32
        %dma_wait3A_299 = arith.constant 0 : i32
        %dma_wait3A_300 = tpu.memref_slice %arg2[%dma_wait3A_298, %dma_wait3A_299] : memref<10000x64xf32, #tpu.memory_space<hbm>> -> memref<10000x64xf32, #tpu.memory_space<hbm>>
        tpu.wait_indirect_dma semaphore(%arg22 : memref<!tpu.dma_semaphore, #tpu.memory_space<semaphore_mem>>) src(%dma_wait3A_300 : memref<10000x64xf32, #tpu.memory_space<hbm>>) dst(%arg12 : memref<128x64xf32, #tpu.memory_space<vmem>>)
        %add3A_301 = arith.constant 4 : i32
        %add3A_302 = arith.addi %add3A_182, %add3A_301 : i32
        %add3A_303 = arith.constant 3 : i32
        %add3A_304 = arith.addi %add3A_302, %add3A_303 : i32
        %dma_start3A_305 = arith.constant 0 : i32
        %dma_start3A_306 = tpu.memref_slice %arg7[%add3A_304, %dma_start3A_305] : memref<40x128xi32, #tpu.memory_space<vmem>> -> memref<1x128xi32, #tpu.memory_space<vmem>>
        %dma_start3A_307 = tpu.memref_squeeze %dma_start3A_306 : memref<1x128xi32, #tpu.memory_space<vmem>> -> memref<128xi32, #tpu.memory_space<vmem>>
        %dma_start3A_308 = arith.constant 0 : i32
        %dma_start3A_309 = arith.constant 0 : i32
        %dma_start3A_310 = tpu.memref_slice %arg14[%dma_start3A_308, %dma_start3A_309] : memref<10000x64xf32, #tpu.memory_space<vmem_shared>> -> memref<10000x64xf32, #tpu.memory_space<vmem_shared>>
        tpu.enqueue_indirect_dma source(%dma_start3A_310 : memref<10000x64xf32, #tpu.memory_space<vmem_shared>>) target(%arg12 : memref<128x64xf32, #tpu.memory_space<vmem>>) offsets(%dma_start3A_307 : memref<128xi32, #tpu.memory_space<vmem>>) semaphore(%arg18 : memref<!tpu.dma_semaphore, #tpu.memory_space<semaphore_mem>>)
      }
      %scan3A_94 = arith.constant 9 : i32
      %dma_wait3A = arith.constant 0 : i32
      %dma_wait3A_95 = arith.constant 0 : i32
      %dma_wait3A_96 = tpu.memref_slice %arg7[%dma_wait3A, %dma_wait3A_95] : memref<40x128xi32, #tpu.memory_space<vmem>> -> memref<1x128xi32, #tpu.memory_space<vmem>>
      %dma_wait3A_97 = tpu.memref_squeeze %dma_wait3A_96 : memref<1x128xi32, #tpu.memory_space<vmem>> -> memref<128xi32, #tpu.memory_space<vmem>>
      %dma_wait3A_98 = arith.constant 0 : i32
      %dma_wait3A_99 = arith.constant 0 : i32
      %dma_wait3A_100 = tpu.memref_slice %arg14[%dma_wait3A_98, %dma_wait3A_99] : memref<10000x64xf32, #tpu.memory_space<vmem_shared>> -> memref<10000x64xf32, #tpu.memory_space<vmem_shared>>
      tpu.wait_indirect_dma semaphore(%arg15 : memref<!tpu.dma_semaphore, #tpu.memory_space<semaphore_mem>>) src(%dma_wait3A_100 : memref<10000x64xf32, #tpu.memory_space<vmem_shared>>) dst(%arg9 : memref<128x64xf32, #tpu.memory_space<vmem>>)
      %dma_start3A_101 = arith.constant 36 : i32
      %dma_start3A_102 = arith.constant 0 : i32
      %dma_start3A_103 = tpu.memref_slice %arg8[%dma_start3A_101, %dma_start3A_102] : memref<40x128xi32, #tpu.memory_space<vmem>> -> memref<1x128xi32, #tpu.memory_space<vmem>>
      %dma_start3A_104 = tpu.memref_squeeze %dma_start3A_103 : memref<1x128xi32, #tpu.memory_space<vmem>> -> memref<128xi32, #tpu.memory_space<vmem>>
      %dma_start3A_105 = arith.constant 0 : i32
      %dma_start3A_106 = arith.constant 0 : i32
      %dma_start3A_107 = tpu.memref_slice %arg13[%dma_start3A_105, %dma_start3A_106] : memref<10112x64xf32, #tpu.memory_space<vmem_shared>> -> memref<10112x64xf32, #tpu.memory_space<vmem_shared>>
      tpu.enqueue_indirect_dma source(%arg9 : memref<128x64xf32, #tpu.memory_space<vmem>>) target(%dma_start3A_107 : memref<10112x64xf32, #tpu.memory_space<vmem_shared>>) offsets(%dma_start3A_104 : memref<128xi32, #tpu.memory_space<vmem>>) semaphore(%arg19 : memref<!tpu.dma_semaphore, #tpu.memory_space<semaphore_mem>>) {add = true}
      %dma_wait3A_108 = arith.constant 0 : i32
      %dma_wait3A_109 = arith.constant 0 : i32
      %dma_wait3A_110 = tpu.memref_slice %arg7[%dma_wait3A_108, %dma_wait3A_109] : memref<40x128xi32, #tpu.memory_space<vmem>> -> memref<1x128xi32, #tpu.memory_space<vmem>>
      %dma_wait3A_111 = tpu.memref_squeeze %dma_wait3A_110 : memref<1x128xi32, #tpu.memory_space<vmem>> -> memref<128xi32, #tpu.memory_space<vmem>>
      %dma_wait3A_112 = arith.constant 0 : i32
      %dma_wait3A_113 = arith.constant 0 : i32
      %dma_wait3A_114 = tpu.memref_slice %arg14[%dma_wait3A_112, %dma_wait3A_113] : memref<10000x64xf32, #tpu.memory_space<vmem_shared>> -> memref<10000x64xf32, #tpu.memory_space<vmem_shared>>
      tpu.wait_indirect_dma semaphore(%arg16 : memref<!tpu.dma_semaphore, #tpu.memory_space<semaphore_mem>>) src(%dma_wait3A_114 : memref<10000x64xf32, #tpu.memory_space<vmem_shared>>) dst(%arg10 : memref<128x64xf32, #tpu.memory_space<vmem>>)
      %dma_start3A_115 = arith.constant 37 : i32
      %dma_start3A_116 = arith.constant 0 : i32
      %dma_start3A_117 = tpu.memref_slice %arg8[%dma_start3A_115, %dma_start3A_116] : memref<40x128xi32, #tpu.memory_space<vmem>> -> memref<1x128xi32, #tpu.memory_space<vmem>>
      %dma_start3A_118 = tpu.memref_squeeze %dma_start3A_117 : memref<1x128xi32, #tpu.memory_space<vmem>> -> memref<128xi32, #tpu.memory_space<vmem>>
      %dma_start3A_119 = arith.constant 0 : i32
      %dma_start3A_120 = arith.constant 0 : i32
      %dma_start3A_121 = tpu.memref_slice %arg13[%dma_start3A_119, %dma_start3A_120] : memref<10112x64xf32, #tpu.memory_space<vmem_shared>> -> memref<10112x64xf32, #tpu.memory_space<vmem_shared>>
      tpu.enqueue_indirect_dma source(%arg10 : memref<128x64xf32, #tpu.memory_space<vmem>>) target(%dma_start3A_121 : memref<10112x64xf32, #tpu.memory_space<vmem_shared>>) offsets(%dma_start3A_118 : memref<128xi32, #tpu.memory_space<vmem>>) semaphore(%arg20 : memref<!tpu.dma_semaphore, #tpu.memory_space<semaphore_mem>>) {add = true}
      %dma_wait3A_122 = arith.constant 0 : i32
      %dma_wait3A_123 = arith.constant 0 : i32
      %dma_wait3A_124 = tpu.memref_slice %arg7[%dma_wait3A_122, %dma_wait3A_123] : memref<40x128xi32, #tpu.memory_space<vmem>> -> memref<1x128xi32, #tpu.memory_space<vmem>>
      %dma_wait3A_125 = tpu.memref_squeeze %dma_wait3A_124 : memref<1x128xi32, #tpu.memory_space<vmem>> -> memref<128xi32, #tpu.memory_space<vmem>>
      %dma_wait3A_126 = arith.constant 0 : i32
      %dma_wait3A_127 = arith.constant 0 : i32
      %dma_wait3A_128 = tpu.memref_slice %arg14[%dma_wait3A_126, %dma_wait3A_127] : memref<10000x64xf32, #tpu.memory_space<vmem_shared>> -> memref<10000x64xf32, #tpu.memory_space<vmem_shared>>
      tpu.wait_indirect_dma semaphore(%arg17 : memref<!tpu.dma_semaphore, #tpu.memory_space<semaphore_mem>>) src(%dma_wait3A_128 : memref<10000x64xf32, #tpu.memory_space<vmem_shared>>) dst(%arg11 : memref<128x64xf32, #tpu.memory_space<vmem>>)
      %dma_start3A_129 = arith.constant 38 : i32
      %dma_start3A_130 = arith.constant 0 : i32
      %dma_start3A_131 = tpu.memref_slice %arg8[%dma_start3A_129, %dma_start3A_130] : memref<40x128xi32, #tpu.memory_space<vmem>> -> memref<1x128xi32, #tpu.memory_space<vmem>>
      %dma_start3A_132 = tpu.memref_squeeze %dma_start3A_131 : memref<1x128xi32, #tpu.memory_space<vmem>> -> memref<128xi32, #tpu.memory_space<vmem>>
      %dma_start3A_133 = arith.constant 0 : i32
      %dma_start3A_134 = arith.constant 0 : i32
      %dma_start3A_135 = tpu.memref_slice %arg13[%dma_start3A_133, %dma_start3A_134] : memref<10112x64xf32, #tpu.memory_space<vmem_shared>> -> memref<10112x64xf32, #tpu.memory_space<vmem_shared>>
      tpu.enqueue_indirect_dma source(%arg11 : memref<128x64xf32, #tpu.memory_space<vmem>>) target(%dma_start3A_135 : memref<10112x64xf32, #tpu.memory_space<vmem_shared>>) offsets(%dma_start3A_132 : memref<128xi32, #tpu.memory_space<vmem>>) semaphore(%arg21 : memref<!tpu.dma_semaphore, #tpu.memory_space<semaphore_mem>>) {add = true}
      %dma_wait3A_136 = arith.constant 0 : i32
      %dma_wait3A_137 = arith.constant 0 : i32
      %dma_wait3A_138 = tpu.memref_slice %arg7[%dma_wait3A_136, %dma_wait3A_137] : memref<40x128xi32, #tpu.memory_space<vmem>> -> memref<1x128xi32, #tpu.memory_space<vmem>>
      %dma_wait3A_139 = tpu.memref_squeeze %dma_wait3A_138 : memref<1x128xi32, #tpu.memory_space<vmem>> -> memref<128xi32, #tpu.memory_space<vmem>>
      %dma_wait3A_140 = arith.constant 0 : i32
      %dma_wait3A_141 = arith.constant 0 : i32
      %dma_wait3A_142 = tpu.memref_slice %arg14[%dma_wait3A_140, %dma_wait3A_141] : memref<10000x64xf32, #tpu.memory_space<vmem_shared>> -> memref<10000x64xf32, #tpu.memory_space<vmem_shared>>
      tpu.wait_indirect_dma semaphore(%arg18 : memref<!tpu.dma_semaphore, #tpu.memory_space<semaphore_mem>>) src(%dma_wait3A_142 : memref<10000x64xf32, #tpu.memory_space<vmem_shared>>) dst(%arg12 : memref<128x64xf32, #tpu.memory_space<vmem>>)
      %dma_start3A_143 = arith.constant 39 : i32
      %dma_start3A_144 = arith.constant 0 : i32
      %dma_start3A_145 = tpu.memref_slice %arg8[%dma_start3A_143, %dma_start3A_144] : memref<40x128xi32, #tpu.memory_space<vmem>> -> memref<1x128xi32, #tpu.memory_space<vmem>>
      %dma_start3A_146 = tpu.memref_squeeze %dma_start3A_145 : memref<1x128xi32, #tpu.memory_space<vmem>> -> memref<128xi32, #tpu.memory_space<vmem>>
      %dma_start3A_147 = arith.constant 0 : i32
      %dma_start3A_148 = arith.constant 0 : i32
      %dma_start3A_149 = tpu.memref_slice %arg13[%dma_start3A_147, %dma_start3A_148] : memref<10112x64xf32, #tpu.memory_space<vmem_shared>> -> memref<10112x64xf32, #tpu.memory_space<vmem_shared>>
      tpu.enqueue_indirect_dma source(%arg12 : memref<128x64xf32, #tpu.memory_space<vmem>>) target(%dma_start3A_149 : memref<10112x64xf32, #tpu.memory_space<vmem_shared>>) offsets(%dma_start3A_146 : memref<128xi32, #tpu.memory_space<vmem>>) semaphore(%arg22 : memref<!tpu.dma_semaphore, #tpu.memory_space<semaphore_mem>>) {add = true}
      %dma_wait3A_150 = arith.constant 0 : i32
      %dma_wait3A_151 = arith.constant 0 : i32
      %dma_wait3A_152 = tpu.memref_slice %arg7[%dma_wait3A_150, %dma_wait3A_151] : memref<40x128xi32, #tpu.memory_space<vmem>> -> memref<1x128xi32, #tpu.memory_space<vmem>>
      %dma_wait3A_153 = tpu.memref_squeeze %dma_wait3A_152 : memref<1x128xi32, #tpu.memory_space<vmem>> -> memref<128xi32, #tpu.memory_space<vmem>>
      %dma_wait3A_154 = arith.constant 0 : i32
      %dma_wait3A_155 = arith.constant 0 : i32
      %dma_wait3A_156 = tpu.memref_slice %arg2[%dma_wait3A_154, %dma_wait3A_155] : memref<10000x64xf32, #tpu.memory_space<hbm>> -> memref<10000x64xf32, #tpu.memory_space<hbm>>
      tpu.wait_indirect_dma semaphore(%arg19 : memref<!tpu.dma_semaphore, #tpu.memory_space<semaphore_mem>>) src(%dma_wait3A_156 : memref<10000x64xf32, #tpu.memory_space<hbm>>) dst(%arg9 : memref<128x64xf32, #tpu.memory_space<vmem>>)
      %dma_wait3A_157 = arith.constant 0 : i32
      %dma_wait3A_158 = arith.constant 0 : i32
      %dma_wait3A_159 = tpu.memref_slice %arg7[%dma_wait3A_157, %dma_wait3A_158] : memref<40x128xi32, #tpu.memory_space<vmem>> -> memref<1x128xi32, #tpu.memory_space<vmem>>
      %dma_wait3A_160 = tpu.memref_squeeze %dma_wait3A_159 : memref<1x128xi32, #tpu.memory_space<vmem>> -> memref<128xi32, #tpu.memory_space<vmem>>
      %dma_wait3A_161 = arith.constant 0 : i32
      %dma_wait3A_162 = arith.constant 0 : i32
      %dma_wait3A_163 = tpu.memref_slice %arg2[%dma_wait3A_161, %dma_wait3A_162] : memref<10000x64xf32, #tpu.memory_space<hbm>> -> memref<10000x64xf32, #tpu.memory_space<hbm>>
      tpu.wait_indirect_dma semaphore(%arg20 : memref<!tpu.dma_semaphore, #tpu.memory_space<semaphore_mem>>) src(%dma_wait3A_163 : memref<10000x64xf32, #tpu.memory_space<hbm>>) dst(%arg10 : memref<128x64xf32, #tpu.memory_space<vmem>>)
      %dma_wait3A_164 = arith.constant 0 : i32
      %dma_wait3A_165 = arith.constant 0 : i32
      %dma_wait3A_166 = tpu.memref_slice %arg7[%dma_wait3A_164, %dma_wait3A_165] : memref<40x128xi32, #tpu.memory_space<vmem>> -> memref<1x128xi32, #tpu.memory_space<vmem>>
      %dma_wait3A_167 = tpu.memref_squeeze %dma_wait3A_166 : memref<1x128xi32, #tpu.memory_space<vmem>> -> memref<128xi32, #tpu.memory_space<vmem>>
      %dma_wait3A_168 = arith.constant 0 : i32
      %dma_wait3A_169 = arith.constant 0 : i32
      %dma_wait3A_170 = tpu.memref_slice %arg2[%dma_wait3A_168, %dma_wait3A_169] : memref<10000x64xf32, #tpu.memory_space<hbm>> -> memref<10000x64xf32, #tpu.memory_space<hbm>>
      tpu.wait_indirect_dma semaphore(%arg21 : memref<!tpu.dma_semaphore, #tpu.memory_space<semaphore_mem>>) src(%dma_wait3A_170 : memref<10000x64xf32, #tpu.memory_space<hbm>>) dst(%arg11 : memref<128x64xf32, #tpu.memory_space<vmem>>)
      %dma_wait3A_171 = arith.constant 0 : i32
      %dma_wait3A_172 = arith.constant 0 : i32
      %dma_wait3A_173 = tpu.memref_slice %arg7[%dma_wait3A_171, %dma_wait3A_172] : memref<40x128xi32, #tpu.memory_space<vmem>> -> memref<1x128xi32, #tpu.memory_space<vmem>>
      %dma_wait3A_174 = tpu.memref_squeeze %dma_wait3A_173 : memref<1x128xi32, #tpu.memory_space<vmem>> -> memref<128xi32, #tpu.memory_space<vmem>>
      %dma_wait3A_175 = arith.constant 0 : i32
      %dma_wait3A_176 = arith.constant 0 : i32
      %dma_wait3A_177 = tpu.memref_slice %arg2[%dma_wait3A_175, %dma_wait3A_176] : memref<10000x64xf32, #tpu.memory_space<hbm>> -> memref<10000x64xf32, #tpu.memory_space<hbm>>
      tpu.wait_indirect_dma semaphore(%arg22 : memref<!tpu.dma_semaphore, #tpu.memory_space<semaphore_mem>>) src(%dma_wait3A_177 : memref<10000x64xf32, #tpu.memory_space<hbm>>) dst(%arg12 : memref<128x64xf32, #tpu.memory_space<vmem>>)
    }
    %while3A_49 = arith.constant 1 : i32
    scf.for %while3A_58 = %while3A_47 to %while3A_43 step %while3A_49  : i32 {
      %mul3A_59 = arith.muli %while3A_58, %while3A : i32
      %add3A_60 = arith.addi %while3A_40, %mul3A_59 : i32
      %mul3A_61 = arith.constant 40 : i32
      %mul3A_62 = arith.muli %add3A_60, %mul3A_61 : i32
      %add3A_63 = arith.addi %add3A_13, %mul3A_62 : i32
      "tpu.region"() ({
        %run_scoped3A = tpu.sem_alloc : memref<!tpu.dma_semaphore, #tpu.memory_space<semaphore_mem>>
        %dma_start3A_178 = arith.constant 0 : i32
        %dma_start3A_179 = tpu.memref_slice %arg3[%add3A_63, %dma_start3A_178] : memref<2560x128xi32, #tpu.memory_space<hbm>> -> memref<40x128xi32, #tpu.memory_space<hbm>>
        %dma_start3A_180 = arith.constant 0 : i32
        %dma_start3A_181 = tpu.memref_slice %arg3[%add3A_63, %dma_start3A_180] : memref<2560x128xi32, #tpu.memory_space<hbm>> -> memref<40x128xi32, #tpu.memory_space<hbm>>
        tpu.enqueue_dma source(%dma_start3A_181 : memref<40x128xi32, #tpu.memory_space<hbm>>) target(%arg7 : memref<40x128xi32, #tpu.memory_space<vmem>>) target_semaphore(%run_scoped3A : memref<!tpu.dma_semaphore, #tpu.memory_space<semaphore_mem>>)
        %dma_wait3A_182 = arith.constant 0 : i32
        %dma_wait3A_183 = tpu.memref_slice %arg3[%add3A_63, %dma_wait3A_182] : memref<2560x128xi32, #tpu.memory_space<hbm>> -> memref<40x128xi32, #tpu.memory_space<hbm>>
        %dma_wait3A_184 = arith.constant 0 : i32
        %dma_wait3A_185 = tpu.memref_slice %arg3[%add3A_63, %dma_wait3A_184] : memref<2560x128xi32, #tpu.memory_space<hbm>> -> memref<40x128xi32, #tpu.memory_space<hbm>>
        tpu.wait_dma2 semaphore(%run_scoped3A : memref<!tpu.dma_semaphore, #tpu.memory_space<semaphore_mem>>) src(%dma_wait3A_185 : memref<40x128xi32, #tpu.memory_space<hbm>>) dst(%arg7 : memref<40x128xi32, #tpu.memory_space<vmem>>)
        tpu.yield
      }) : () -> ()
      "tpu.region"() ({
        %run_scoped3A = tpu.sem_alloc : memref<!tpu.dma_semaphore, #tpu.memory_space<semaphore_mem>>
        %dma_start3A_178 = arith.constant 0 : i32
        %dma_start3A_179 = tpu.memref_slice %arg4[%add3A_63, %dma_start3A_178] : memref<2560x128xi32, #tpu.memory_space<hbm>> -> memref<40x128xi32, #tpu.memory_space<hbm>>
        %dma_start3A_180 = arith.constant 0 : i32
        %dma_start3A_181 = tpu.memref_slice %arg4[%add3A_63, %dma_start3A_180] : memref<2560x128xi32, #tpu.memory_space<hbm>> -> memref<40x128xi32, #tpu.memory_space<hbm>>
        tpu.enqueue_dma source(%dma_start3A_181 : memref<40x128xi32, #tpu.memory_space<hbm>>) target(%arg8 : memref<40x128xi32, #tpu.memory_space<vmem>>) target_semaphore(%run_scoped3A : memref<!tpu.dma_semaphore, #tpu.memory_space<semaphore_mem>>)
        %dma_wait3A_182 = arith.constant 0 : i32
        %dma_wait3A_183 = tpu.memref_slice %arg4[%add3A_63, %dma_wait3A_182] : memref<2560x128xi32, #tpu.memory_space<hbm>> -> memref<40x128xi32, #tpu.memory_space<hbm>>
        %dma_wait3A_184 = arith.constant 0 : i32
        %dma_wait3A_185 = tpu.memref_slice %arg4[%add3A_63, %dma_wait3A_184] : memref<2560x128xi32, #tpu.memory_space<hbm>> -> memref<40x128xi32, #tpu.memory_space<hbm>>
        tpu.wait_dma2 semaphore(%run_scoped3A : memref<!tpu.dma_semaphore, #tpu.memory_space<semaphore_mem>>) src(%dma_wait3A_185 : memref<40x128xi32, #tpu.memory_space<hbm>>) dst(%arg8 : memref<40x128xi32, #tpu.memory_space<vmem>>)
        tpu.yield
      }) : () -> ()
      %dma_start3A = arith.constant 0 : i32
      %dma_start3A_64 = arith.constant 0 : i32
      %dma_start3A_65 = tpu.memref_slice %arg7[%dma_start3A, %dma_start3A_64] : memref<40x128xi32, #tpu.memory_space<vmem>> -> memref<1x128xi32, #tpu.memory_space<vmem>>
      %dma_start3A_66 = tpu.memref_squeeze %dma_start3A_65 : memref<1x128xi32, #tpu.memory_space<vmem>> -> memref<128xi32, #tpu.memory_space<vmem>>
      %dma_start3A_67 = arith.constant 0 : i32
      %dma_start3A_68 = arith.constant 0 : i32
      %dma_start3A_69 = tpu.memref_slice %arg14[%dma_start3A_67, %dma_start3A_68] : memref<10000x64xf32, #tpu.memory_space<vmem_shared>> -> memref<10000x64xf32, #tpu.memory_space<vmem_shared>>
      tpu.enqueue_indirect_dma source(%dma_start3A_69 : memref<10000x64xf32, #tpu.memory_space<vmem_shared>>) target(%arg9 : memref<128x64xf32, #tpu.memory_space<vmem>>) offsets(%dma_start3A_66 : memref<128xi32, #tpu.memory_space<vmem>>) semaphore(%arg15 : memref<!tpu.dma_semaphore, #tpu.memory_space<semaphore_mem>>)
      %dma_start3A_70 = arith.constant 1 : i32
      %dma_start3A_71 = arith.constant 0 : i32
      %dma_start3A_72 = tpu.memref_slice %arg7[%dma_start3A_70, %dma_start3A_71] : memref<40x128xi32, #tpu.memory_space<vmem>> -> memref<1x128xi32, #tpu.memory_space<vmem>>
      %dma_start3A_73 = tpu.memref_squeeze %dma_start3A_72 : memref<1x128xi32, #tpu.memory_space<vmem>> -> memref<128xi32, #tpu.memory_space<vmem>>
      %dma_start3A_74 = arith.constant 0 : i32
      %dma_start3A_75 = arith.constant 0 : i32
      %dma_start3A_76 = tpu.memref_slice %arg14[%dma_start3A_74, %dma_start3A_75] : memref<10000x64xf32, #tpu.memory_space<vmem_shared>> -> memref<10000x64xf32, #tpu.memory_space<vmem_shared>>
      tpu.enqueue_indirect_dma source(%dma_start3A_76 : memref<10000x64xf32, #tpu.memory_space<vmem_shared>>) target(%arg10 : memref<128x64xf32, #tpu.memory_space<vmem>>) offsets(%dma_start3A_73 : memref<128xi32, #tpu.memory_space<vmem>>) semaphore(%arg16 : memref<!tpu.dma_semaphore, #tpu.memory_space<semaphore_mem>>)
      %dma_start3A_77 = arith.constant 2 : i32
      %dma_start3A_78 = arith.constant 0 : i32
      %dma_start3A_79 = tpu.memref_slice %arg7[%dma_start3A_77, %dma_start3A_78] : memref<40x128xi32, #tpu.memory_space<vmem>> -> memref<1x128xi32, #tpu.memory_space<vmem>>
      %dma_start3A_80 = tpu.memref_squeeze %dma_start3A_79 : memref<1x128xi32, #tpu.memory_space<vmem>> -> memref<128xi32, #tpu.memory_space<vmem>>
      %dma_start3A_81 = arith.constant 0 : i32
      %dma_start3A_82 = arith.constant 0 : i32
      %dma_start3A_83 = tpu.memref_slice %arg14[%dma_start3A_81, %dma_start3A_82] : memref<10000x64xf32, #tpu.memory_space<vmem_shared>> -> memref<10000x64xf32, #tpu.memory_space<vmem_shared>>
      tpu.enqueue_indirect_dma source(%dma_start3A_83 : memref<10000x64xf32, #tpu.memory_space<vmem_shared>>) target(%arg11 : memref<128x64xf32, #tpu.memory_space<vmem>>) offsets(%dma_start3A_80 : memref<128xi32, #tpu.memory_space<vmem>>) semaphore(%arg17 : memref<!tpu.dma_semaphore, #tpu.memory_space<semaphore_mem>>)
      %dma_start3A_84 = arith.constant 3 : i32
      %dma_start3A_85 = arith.constant 0 : i32
      %dma_start3A_86 = tpu.memref_slice %arg7[%dma_start3A_84, %dma_start3A_85] : memref<40x128xi32, #tpu.memory_space<vmem>> -> memref<1x128xi32, #tpu.memory_space<vmem>>
      %dma_start3A_87 = tpu.memref_squeeze %dma_start3A_86 : memref<1x128xi32, #tpu.memory_space<vmem>> -> memref<128xi32, #tpu.memory_space<vmem>>
      %dma_start3A_88 = arith.constant 0 : i32
      %dma_start3A_89 = arith.constant 0 : i32
      %dma_start3A_90 = tpu.memref_slice %arg14[%dma_start3A_88, %dma_start3A_89] : memref<10000x64xf32, #tpu.memory_space<vmem_shared>> -> memref<10000x64xf32, #tpu.memory_space<vmem_shared>>
      tpu.enqueue_indirect_dma source(%dma_start3A_90 : memref<10000x64xf32, #tpu.memory_space<vmem_shared>>) target(%arg12 : memref<128x64xf32, #tpu.memory_space<vmem>>) offsets(%dma_start3A_87 : memref<128xi32, #tpu.memory_space<vmem>>) semaphore(%arg18 : memref<!tpu.dma_semaphore, #tpu.memory_space<semaphore_mem>>)
      %scan3A = arith.constant 0 : i32
      %scan3A_91 = arith.constant 9 : i32
      %scan3A_92 = arith.addi %scan3A, %scan3A_91 : i32
      %scan3A_93 = arith.constant 1 : i32
      scf.for %scan3A_178 = %scan3A to %scan3A_92 step %scan3A_93  : i32 {
        %mul3A_179 = arith.constant 4 : i32
        %mul3A_180 = arith.muli %scan3A_178, %mul3A_179 : i32
        %add3A_181 = arith.constant 0 : i32
        %add3A_182 = arith.addi %add3A_181, %mul3A_180 : i32
        %dma_wait3A_183 = arith.constant 0 : i32
        %dma_wait3A_184 = arith.constant 0 : i32
        %dma_wait3A_185 = tpu.memref_slice %arg7[%dma_wait3A_183, %dma_wait3A_184] : memref<40x128xi32, #tpu.memory_space<vmem>> -> memref<1x128xi32, #tpu.memory_space<vmem>>
        %dma_wait3A_186 = tpu.memref_squeeze %dma_wait3A_185 : memref<1x128xi32, #tpu.memory_space<vmem>> -> memref<128xi32, #tpu.memory_space<vmem>>
        %dma_wait3A_187 = arith.constant 0 : i32
        %dma_wait3A_188 = arith.constant 0 : i32
        %dma_wait3A_189 = tpu.memref_slice %arg14[%dma_wait3A_187, %dma_wait3A_188] : memref<10000x64xf32, #tpu.memory_space<vmem_shared>> -> memref<10000x64xf32, #tpu.memory_space<vmem_shared>>
        tpu.wait_indirect_dma semaphore(%arg15 : memref<!tpu.dma_semaphore, #tpu.memory_space<semaphore_mem>>) src(%dma_wait3A_189 : memref<10000x64xf32, #tpu.memory_space<vmem_shared>>) dst(%arg9 : memref<128x64xf32, #tpu.memory_space<vmem>>)
        %add3A_190 = arith.constant 0 : i32
        %add3A_191 = arith.addi %add3A_182, %add3A_190 : i32
        %dma_start3A_192 = arith.constant 0 : i32
        %dma_start3A_193 = tpu.memref_slice %arg8[%add3A_191, %dma_start3A_192] : memref<40x128xi32, #tpu.memory_space<vmem>> -> memref<1x128xi32, #tpu.memory_space<vmem>>
        %dma_start3A_194 = tpu.memref_squeeze %dma_start3A_193 : memref<1x128xi32, #tpu.memory_space<vmem>> -> memref<128xi32, #tpu.memory_space<vmem>>
        %dma_start3A_195 = arith.constant 0 : i32
        %dma_start3A_196 = arith.constant 0 : i32
        %dma_start3A_197 = tpu.memref_slice %arg13[%dma_start3A_195, %dma_start3A_196] : memref<10112x64xf32, #tpu.memory_space<vmem_shared>> -> memref<10112x64xf32, #tpu.memory_space<vmem_shared>>
        tpu.enqueue_indirect_dma source(%arg9 : memref<128x64xf32, #tpu.memory_space<vmem>>) target(%dma_start3A_197 : memref<10112x64xf32, #tpu.memory_space<vmem_shared>>) offsets(%dma_start3A_194 : memref<128xi32, #tpu.memory_space<vmem>>) semaphore(%arg19 : memref<!tpu.dma_semaphore, #tpu.memory_space<semaphore_mem>>) {add = true}
        %dma_wait3A_198 = arith.constant 0 : i32
        %dma_wait3A_199 = arith.constant 0 : i32
        %dma_wait3A_200 = tpu.memref_slice %arg7[%dma_wait3A_198, %dma_wait3A_199] : memref<40x128xi32, #tpu.memory_space<vmem>> -> memref<1x128xi32, #tpu.memory_space<vmem>>
        %dma_wait3A_201 = tpu.memref_squeeze %dma_wait3A_200 : memref<1x128xi32, #tpu.memory_space<vmem>> -> memref<128xi32, #tpu.memory_space<vmem>>
        %dma_wait3A_202 = arith.constant 0 : i32
        %dma_wait3A_203 = arith.constant 0 : i32
        %dma_wait3A_204 = tpu.memref_slice %arg14[%dma_wait3A_202, %dma_wait3A_203] : memref<10000x64xf32, #tpu.memory_space<vmem_shared>> -> memref<10000x64xf32, #tpu.memory_space<vmem_shared>>
        tpu.wait_indirect_dma semaphore(%arg16 : memref<!tpu.dma_semaphore, #tpu.memory_space<semaphore_mem>>) src(%dma_wait3A_204 : memref<10000x64xf32, #tpu.memory_space<vmem_shared>>) dst(%arg10 : memref<128x64xf32, #tpu.memory_space<vmem>>)
        %add3A_205 = arith.constant 1 : i32
        %add3A_206 = arith.addi %add3A_182, %add3A_205 : i32
        %dma_start3A_207 = arith.constant 0 : i32
        %dma_start3A_208 = tpu.memref_slice %arg8[%add3A_206, %dma_start3A_207] : memref<40x128xi32, #tpu.memory_space<vmem>> -> memref<1x128xi32, #tpu.memory_space<vmem>>
        %dma_start3A_209 = tpu.memref_squeeze %dma_start3A_208 : memref<1x128xi32, #tpu.memory_space<vmem>> -> memref<128xi32, #tpu.memory_space<vmem>>
        %dma_start3A_210 = arith.constant 0 : i32
        %dma_start3A_211 = arith.constant 0 : i32
        %dma_start3A_212 = tpu.memref_slice %arg13[%dma_start3A_210, %dma_start3A_211] : memref<10112x64xf32, #tpu.memory_space<vmem_shared>> -> memref<10112x64xf32, #tpu.memory_space<vmem_shared>>
        tpu.enqueue_indirect_dma source(%arg10 : memref<128x64xf32, #tpu.memory_space<vmem>>) target(%dma_start3A_212 : memref<10112x64xf32, #tpu.memory_space<vmem_shared>>) offsets(%dma_start3A_209 : memref<128xi32, #tpu.memory_space<vmem>>) semaphore(%arg20 : memref<!tpu.dma_semaphore, #tpu.memory_space<semaphore_mem>>) {add = true}
        %dma_wait3A_213 = arith.constant 0 : i32
        %dma_wait3A_214 = arith.constant 0 : i32
        %dma_wait3A_215 = tpu.memref_slice %arg7[%dma_wait3A_213, %dma_wait3A_214] : memref<40x128xi32, #tpu.memory_space<vmem>> -> memref<1x128xi32, #tpu.memory_space<vmem>>
        %dma_wait3A_216 = tpu.memref_squeeze %dma_wait3A_215 : memref<1x128xi32, #tpu.memory_space<vmem>> -> memref<128xi32, #tpu.memory_space<vmem>>
        %dma_wait3A_217 = arith.constant 0 : i32
        %dma_wait3A_218 = arith.constant 0 : i32
        %dma_wait3A_219 = tpu.memref_slice %arg14[%dma_wait3A_217, %dma_wait3A_218] : memref<10000x64xf32, #tpu.memory_space<vmem_shared>> -> memref<10000x64xf32, #tpu.memory_space<vmem_shared>>
        tpu.wait_indirect_dma semaphore(%arg17 : memref<!tpu.dma_semaphore, #tpu.memory_space<semaphore_mem>>) src(%dma_wait3A_219 : memref<10000x64xf32, #tpu.memory_space<vmem_shared>>) dst(%arg11 : memref<128x64xf32, #tpu.memory_space<vmem>>)
        %add3A_220 = arith.constant 2 : i32
        %add3A_221 = arith.addi %add3A_182, %add3A_220 : i32
        %dma_start3A_222 = arith.constant 0 : i32
        %dma_start3A_223 = tpu.memref_slice %arg8[%add3A_221, %dma_start3A_222] : memref<40x128xi32, #tpu.memory_space<vmem>> -> memref<1x128xi32, #tpu.memory_space<vmem>>
        %dma_start3A_224 = tpu.memref_squeeze %dma_start3A_223 : memref<1x128xi32, #tpu.memory_space<vmem>> -> memref<128xi32, #tpu.memory_space<vmem>>
        %dma_start3A_225 = arith.constant 0 : i32
        %dma_start3A_226 = arith.constant 0 : i32
        %dma_start3A_227 = tpu.memref_slice %arg13[%dma_start3A_225, %dma_start3A_226] : memref<10112x64xf32, #tpu.memory_space<vmem_shared>> -> memref<10112x64xf32, #tpu.memory_space<vmem_shared>>
        tpu.enqueue_indirect_dma source(%arg11 : memref<128x64xf32, #tpu.memory_space<vmem>>) target(%dma_start3A_227 : memref<10112x64xf32, #tpu.memory_space<vmem_shared>>) offsets(%dma_start3A_224 : memref<128xi32, #tpu.memory_space<vmem>>) semaphore(%arg21 : memref<!tpu.dma_semaphore, #tpu.memory_space<semaphore_mem>>) {add = true}
        %dma_wait3A_228 = arith.constant 0 : i32
        %dma_wait3A_229 = arith.constant 0 : i32
        %dma_wait3A_230 = tpu.memref_slice %arg7[%dma_wait3A_228, %dma_wait3A_229] : memref<40x128xi32, #tpu.memory_space<vmem>> -> memref<1x128xi32, #tpu.memory_space<vmem>>
        %dma_wait3A_231 = tpu.memref_squeeze %dma_wait3A_230 : memref<1x128xi32, #tpu.memory_space<vmem>> -> memref<128xi32, #tpu.memory_space<vmem>>
        %dma_wait3A_232 = arith.constant 0 : i32
        %dma_wait3A_233 = arith.constant 0 : i32
        %dma_wait3A_234 = tpu.memref_slice %arg14[%dma_wait3A_232, %dma_wait3A_233] : memref<10000x64xf32, #tpu.memory_space<vmem_shared>> -> memref<10000x64xf32, #tpu.memory_space<vmem_shared>>
        tpu.wait_indirect_dma semaphore(%arg18 : memref<!tpu.dma_semaphore, #tpu.memory_space<semaphore_mem>>) src(%dma_wait3A_234 : memref<10000x64xf32, #tpu.memory_space<vmem_shared>>) dst(%arg12 : memref<128x64xf32, #tpu.memory_space<vmem>>)
        %add3A_235 = arith.constant 3 : i32
        %add3A_236 = arith.addi %add3A_182, %add3A_235 : i32
        %dma_start3A_237 = arith.constant 0 : i32
        %dma_start3A_238 = tpu.memref_slice %arg8[%add3A_236, %dma_start3A_237] : memref<40x128xi32, #tpu.memory_space<vmem>> -> memref<1x128xi32, #tpu.memory_space<vmem>>
        %dma_start3A_239 = tpu.memref_squeeze %dma_start3A_238 : memref<1x128xi32, #tpu.memory_space<vmem>> -> memref<128xi32, #tpu.memory_space<vmem>>
        %dma_start3A_240 = arith.constant 0 : i32
        %dma_start3A_241 = arith.constant 0 : i32
        %dma_start3A_242 = tpu.memref_slice %arg13[%dma_start3A_240, %dma_start3A_241] : memref<10112x64xf32, #tpu.memory_space<vmem_shared>> -> memref<10112x64xf32, #tpu.memory_space<vmem_shared>>
        tpu.enqueue_indirect_dma source(%arg12 : memref<128x64xf32, #tpu.memory_space<vmem>>) target(%dma_start3A_242 : memref<10112x64xf32, #tpu.memory_space<vmem_shared>>) offsets(%dma_start3A_239 : memref<128xi32, #tpu.memory_space<vmem>>) semaphore(%arg22 : memref<!tpu.dma_semaphore, #tpu.memory_space<semaphore_mem>>) {add = true}
        %dma_wait3A_243 = arith.constant 0 : i32
        %dma_wait3A_244 = arith.constant 0 : i32
        %dma_wait3A_245 = tpu.memref_slice %arg7[%dma_wait3A_243, %dma_wait3A_244] : memref<40x128xi32, #tpu.memory_space<vmem>> -> memref<1x128xi32, #tpu.memory_space<vmem>>
        %dma_wait3A_246 = tpu.memref_squeeze %dma_wait3A_245 : memref<1x128xi32, #tpu.memory_space<vmem>> -> memref<128xi32, #tpu.memory_space<vmem>>
        %dma_wait3A_247 = arith.constant 0 : i32
        %dma_wait3A_248 = arith.constant 0 : i32
        %dma_wait3A_249 = tpu.memref_slice %arg2[%dma_wait3A_247, %dma_wait3A_248] : memref<10000x64xf32, #tpu.memory_space<hbm>> -> memref<10000x64xf32, #tpu.memory_space<hbm>>
        tpu.wait_indirect_dma semaphore(%arg19 : memref<!tpu.dma_semaphore, #tpu.memory_space<semaphore_mem>>) src(%dma_wait3A_249 : memref<10000x64xf32, #tpu.memory_space<hbm>>) dst(%arg9 : memref<128x64xf32, #tpu.memory_space<vmem>>)
        %add3A_250 = arith.constant 4 : i32
        %add3A_251 = arith.addi %add3A_182, %add3A_250 : i32
        %add3A_252 = arith.constant 0 : i32
        %add3A_253 = arith.addi %add3A_251, %add3A_252 : i32
        %dma_start3A_254 = arith.constant 0 : i32
        %dma_start3A_255 = tpu.memref_slice %arg7[%add3A_253, %dma_start3A_254] : memref<40x128xi32, #tpu.memory_space<vmem>> -> memref<1x128xi32, #tpu.memory_space<vmem>>
        %dma_start3A_256 = tpu.memref_squeeze %dma_start3A_255 : memref<1x128xi32, #tpu.memory_space<vmem>> -> memref<128xi32, #tpu.memory_space<vmem>>
        %dma_start3A_257 = arith.constant 0 : i32
        %dma_start3A_258 = arith.constant 0 : i32
        %dma_start3A_259 = tpu.memref_slice %arg14[%dma_start3A_257, %dma_start3A_258] : memref<10000x64xf32, #tpu.memory_space<vmem_shared>> -> memref<10000x64xf32, #tpu.memory_space<vmem_shared>>
        tpu.enqueue_indirect_dma source(%dma_start3A_259 : memref<10000x64xf32, #tpu.memory_space<vmem_shared>>) target(%arg9 : memref<128x64xf32, #tpu.memory_space<vmem>>) offsets(%dma_start3A_256 : memref<128xi32, #tpu.memory_space<vmem>>) semaphore(%arg15 : memref<!tpu.dma_semaphore, #tpu.memory_space<semaphore_mem>>)
        %dma_wait3A_260 = arith.constant 0 : i32
        %dma_wait3A_261 = arith.constant 0 : i32
        %dma_wait3A_262 = tpu.memref_slice %arg7[%dma_wait3A_260, %dma_wait3A_261] : memref<40x128xi32, #tpu.memory_space<vmem>> -> memref<1x128xi32, #tpu.memory_space<vmem>>
        %dma_wait3A_263 = tpu.memref_squeeze %dma_wait3A_262 : memref<1x128xi32, #tpu.memory_space<vmem>> -> memref<128xi32, #tpu.memory_space<vmem>>
        %dma_wait3A_264 = arith.constant 0 : i32
        %dma_wait3A_265 = arith.constant 0 : i32
        %dma_wait3A_266 = tpu.memref_slice %arg2[%dma_wait3A_264, %dma_wait3A_265] : memref<10000x64xf32, #tpu.memory_space<hbm>> -> memref<10000x64xf32, #tpu.memory_space<hbm>>
        tpu.wait_indirect_dma semaphore(%arg20 : memref<!tpu.dma_semaphore, #tpu.memory_space<semaphore_mem>>) src(%dma_wait3A_266 : memref<10000x64xf32, #tpu.memory_space<hbm>>) dst(%arg10 : memref<128x64xf32, #tpu.memory_space<vmem>>)
        %add3A_267 = arith.constant 4 : i32
        %add3A_268 = arith.addi %add3A_182, %add3A_267 : i32
        %add3A_269 = arith.constant 1 : i32
        %add3A_270 = arith.addi %add3A_268, %add3A_269 : i32
        %dma_start3A_271 = arith.constant 0 : i32
        %dma_start3A_272 = tpu.memref_slice %arg7[%add3A_270, %dma_start3A_271] : memref<40x128xi32, #tpu.memory_space<vmem>> -> memref<1x128xi32, #tpu.memory_space<vmem>>
        %dma_start3A_273 = tpu.memref_squeeze %dma_start3A_272 : memref<1x128xi32, #tpu.memory_space<vmem>> -> memref<128xi32, #tpu.memory_space<vmem>>
        %dma_start3A_274 = arith.constant 0 : i32
        %dma_start3A_275 = arith.constant 0 : i32
        %dma_start3A_276 = tpu.memref_slice %arg14[%dma_start3A_274, %dma_start3A_275] : memref<10000x64xf32, #tpu.memory_space<vmem_shared>> -> memref<10000x64xf32, #tpu.memory_space<vmem_shared>>
        tpu.enqueue_indirect_dma source(%dma_start3A_276 : memref<10000x64xf32, #tpu.memory_space<vmem_shared>>) target(%arg10 : memref<128x64xf32, #tpu.memory_space<vmem>>) offsets(%dma_start3A_273 : memref<128xi32, #tpu.memory_space<vmem>>) semaphore(%arg16 : memref<!tpu.dma_semaphore, #tpu.memory_space<semaphore_mem>>)
        %dma_wait3A_277 = arith.constant 0 : i32
        %dma_wait3A_278 = arith.constant 0 : i32
        %dma_wait3A_279 = tpu.memref_slice %arg7[%dma_wait3A_277, %dma_wait3A_278] : memref<40x128xi32, #tpu.memory_space<vmem>> -> memref<1x128xi32, #tpu.memory_space<vmem>>
        %dma_wait3A_280 = tpu.memref_squeeze %dma_wait3A_279 : memref<1x128xi32, #tpu.memory_space<vmem>> -> memref<128xi32, #tpu.memory_space<vmem>>
        %dma_wait3A_281 = arith.constant 0 : i32
        %dma_wait3A_282 = arith.constant 0 : i32
        %dma_wait3A_283 = tpu.memref_slice %arg2[%dma_wait3A_281, %dma_wait3A_282] : memref<10000x64xf32, #tpu.memory_space<hbm>> -> memref<10000x64xf32, #tpu.memory_space<hbm>>
        tpu.wait_indirect_dma semaphore(%arg21 : memref<!tpu.dma_semaphore, #tpu.memory_space<semaphore_mem>>) src(%dma_wait3A_283 : memref<10000x64xf32, #tpu.memory_space<hbm>>) dst(%arg11 : memref<128x64xf32, #tpu.memory_space<vmem>>)
        %add3A_284 = arith.constant 4 : i32
        %add3A_285 = arith.addi %add3A_182, %add3A_284 : i32
        %add3A_286 = arith.constant 2 : i32
        %add3A_287 = arith.addi %add3A_285, %add3A_286 : i32
        %dma_start3A_288 = arith.constant 0 : i32
        %dma_start3A_289 = tpu.memref_slice %arg7[%add3A_287, %dma_start3A_288] : memref<40x128xi32, #tpu.memory_space<vmem>> -> memref<1x128xi32, #tpu.memory_space<vmem>>
        %dma_start3A_290 = tpu.memref_squeeze %dma_start3A_289 : memref<1x128xi32, #tpu.memory_space<vmem>> -> memref<128xi32, #tpu.memory_space<vmem>>
        %dma_start3A_291 = arith.constant 0 : i32
        %dma_start3A_292 = arith.constant 0 : i32
        %dma_start3A_293 = tpu.memref_slice %arg14[%dma_start3A_291, %dma_start3A_292] : memref<10000x64xf32, #tpu.memory_space<vmem_shared>> -> memref<10000x64xf32, #tpu.memory_space<vmem_shared>>
        tpu.enqueue_indirect_dma source(%dma_start3A_293 : memref<10000x64xf32, #tpu.memory_space<vmem_shared>>) target(%arg11 : memref<128x64xf32, #tpu.memory_space<vmem>>) offsets(%dma_start3A_290 : memref<128xi32, #tpu.memory_space<vmem>>) semaphore(%arg17 : memref<!tpu.dma_semaphore, #tpu.memory_space<semaphore_mem>>)
        %dma_wait3A_294 = arith.constant 0 : i32
        %dma_wait3A_295 = arith.constant 0 : i32
        %dma_wait3A_296 = tpu.memref_slice %arg7[%dma_wait3A_294, %dma_wait3A_295] : memref<40x128xi32, #tpu.memory_space<vmem>> -> memref<1x128xi32, #tpu.memory_space<vmem>>
        %dma_wait3A_297 = tpu.memref_squeeze %dma_wait3A_296 : memref<1x128xi32, #tpu.memory_space<vmem>> -> memref<128xi32, #tpu.memory_space<vmem>>
        %dma_wait3A_298 = arith.constant 0 : i32
        %dma_wait3A_299 = arith.constant 0 : i32
        %dma_wait3A_300 = tpu.memref_slice %arg2[%dma_wait3A_298, %dma_wait3A_299] : memref<10000x64xf32, #tpu.memory_space<hbm>> -> memref<10000x64xf32, #tpu.memory_space<hbm>>
        tpu.wait_indirect_dma semaphore(%arg22 : memref<!tpu.dma_semaphore, #tpu.memory_space<semaphore_mem>>) src(%dma_wait3A_300 : memref<10000x64xf32, #tpu.memory_space<hbm>>) dst(%arg12 : memref<128x64xf32, #tpu.memory_space<vmem>>)
        %add3A_301 = arith.constant 4 : i32
        %add3A_302 = arith.addi %add3A_182, %add3A_301 : i32
        %add3A_303 = arith.constant 3 : i32
        %add3A_304 = arith.addi %add3A_302, %add3A_303 : i32
        %dma_start3A_305 = arith.constant 0 : i32
        %dma_start3A_306 = tpu.memref_slice %arg7[%add3A_304, %dma_start3A_305] : memref<40x128xi32, #tpu.memory_space<vmem>> -> memref<1x128xi32, #tpu.memory_space<vmem>>
        %dma_start3A_307 = tpu.memref_squeeze %dma_start3A_306 : memref<1x128xi32, #tpu.memory_space<vmem>> -> memref<128xi32, #tpu.memory_space<vmem>>
        %dma_start3A_308 = arith.constant 0 : i32
        %dma_start3A_309 = arith.constant 0 : i32
        %dma_start3A_310 = tpu.memref_slice %arg14[%dma_start3A_308, %dma_start3A_309] : memref<10000x64xf32, #tpu.memory_space<vmem_shared>> -> memref<10000x64xf32, #tpu.memory_space<vmem_shared>>
        tpu.enqueue_indirect_dma source(%dma_start3A_310 : memref<10000x64xf32, #tpu.memory_space<vmem_shared>>) target(%arg12 : memref<128x64xf32, #tpu.memory_space<vmem>>) offsets(%dma_start3A_307 : memref<128xi32, #tpu.memory_space<vmem>>) semaphore(%arg18 : memref<!tpu.dma_semaphore, #tpu.memory_space<semaphore_mem>>)
      }
      %scan3A_94 = arith.constant 9 : i32
      %dma_wait3A = arith.constant 0 : i32
      %dma_wait3A_95 = arith.constant 0 : i32
      %dma_wait3A_96 = tpu.memref_slice %arg7[%dma_wait3A, %dma_wait3A_95] : memref<40x128xi32, #tpu.memory_space<vmem>> -> memref<1x128xi32, #tpu.memory_space<vmem>>
      %dma_wait3A_97 = tpu.memref_squeeze %dma_wait3A_96 : memref<1x128xi32, #tpu.memory_space<vmem>> -> memref<128xi32, #tpu.memory_space<vmem>>
      %dma_wait3A_98 = arith.constant 0 : i32
      %dma_wait3A_99 = arith.constant 0 : i32
      %dma_wait3A_100 = tpu.memref_slice %arg14[%dma_wait3A_98, %dma_wait3A_99] : memref<10000x64xf32, #tpu.memory_space<vmem_shared>> -> memref<10000x64xf32, #tpu.memory_space<vmem_shared>>
      tpu.wait_indirect_dma semaphore(%arg15 : memref<!tpu.dma_semaphore, #tpu.memory_space<semaphore_mem>>) src(%dma_wait3A_100 : memref<10000x64xf32, #tpu.memory_space<vmem_shared>>) dst(%arg9 : memref<128x64xf32, #tpu.memory_space<vmem>>)
      %dma_start3A_101 = arith.constant 36 : i32
      %dma_start3A_102 = arith.constant 0 : i32
      %dma_start3A_103 = tpu.memref_slice %arg8[%dma_start3A_101, %dma_start3A_102] : memref<40x128xi32, #tpu.memory_space<vmem>> -> memref<1x128xi32, #tpu.memory_space<vmem>>
      %dma_start3A_104 = tpu.memref_squeeze %dma_start3A_103 : memref<1x128xi32, #tpu.memory_space<vmem>> -> memref<128xi32, #tpu.memory_space<vmem>>
      %dma_start3A_105 = arith.constant 0 : i32
      %dma_start3A_106 = arith.constant 0 : i32
      %dma_start3A_107 = tpu.memref_slice %arg13[%dma_start3A_105, %dma_start3A_106] : memref<10112x64xf32, #tpu.memory_space<vmem_shared>> -> memref<10112x64xf32, #tpu.memory_space<vmem_shared>>
      tpu.enqueue_indirect_dma source(%arg9 : memref<128x64xf32, #tpu.memory_space<vmem>>) target(%dma_start3A_107 : memref<10112x64xf32, #tpu.memory_space<vmem_shared>>) offsets(%dma_start3A_104 : memref<128xi32, #tpu.memory_space<vmem>>) semaphore(%arg19 : memref<!tpu.dma_semaphore, #tpu.memory_space<semaphore_mem>>) {add = true}
      %dma_wait3A_108 = arith.constant 0 : i32
      %dma_wait3A_109 = arith.constant 0 : i32
      %dma_wait3A_110 = tpu.memref_slice %arg7[%dma_wait3A_108, %dma_wait3A_109] : memref<40x128xi32, #tpu.memory_space<vmem>> -> memref<1x128xi32, #tpu.memory_space<vmem>>
      %dma_wait3A_111 = tpu.memref_squeeze %dma_wait3A_110 : memref<1x128xi32, #tpu.memory_space<vmem>> -> memref<128xi32, #tpu.memory_space<vmem>>
      %dma_wait3A_112 = arith.constant 0 : i32
      %dma_wait3A_113 = arith.constant 0 : i32
      %dma_wait3A_114 = tpu.memref_slice %arg14[%dma_wait3A_112, %dma_wait3A_113] : memref<10000x64xf32, #tpu.memory_space<vmem_shared>> -> memref<10000x64xf32, #tpu.memory_space<vmem_shared>>
      tpu.wait_indirect_dma semaphore(%arg16 : memref<!tpu.dma_semaphore, #tpu.memory_space<semaphore_mem>>) src(%dma_wait3A_114 : memref<10000x64xf32, #tpu.memory_space<vmem_shared>>) dst(%arg10 : memref<128x64xf32, #tpu.memory_space<vmem>>)
      %dma_start3A_115 = arith.constant 37 : i32
      %dma_start3A_116 = arith.constant 0 : i32
      %dma_start3A_117 = tpu.memref_slice %arg8[%dma_start3A_115, %dma_start3A_116] : memref<40x128xi32, #tpu.memory_space<vmem>> -> memref<1x128xi32, #tpu.memory_space<vmem>>
      %dma_start3A_118 = tpu.memref_squeeze %dma_start3A_117 : memref<1x128xi32, #tpu.memory_space<vmem>> -> memref<128xi32, #tpu.memory_space<vmem>>
      %dma_start3A_119 = arith.constant 0 : i32
      %dma_start3A_120 = arith.constant 0 : i32
      %dma_start3A_121 = tpu.memref_slice %arg13[%dma_start3A_119, %dma_start3A_120] : memref<10112x64xf32, #tpu.memory_space<vmem_shared>> -> memref<10112x64xf32, #tpu.memory_space<vmem_shared>>
      tpu.enqueue_indirect_dma source(%arg10 : memref<128x64xf32, #tpu.memory_space<vmem>>) target(%dma_start3A_121 : memref<10112x64xf32, #tpu.memory_space<vmem_shared>>) offsets(%dma_start3A_118 : memref<128xi32, #tpu.memory_space<vmem>>) semaphore(%arg20 : memref<!tpu.dma_semaphore, #tpu.memory_space<semaphore_mem>>) {add = true}
      %dma_wait3A_122 = arith.constant 0 : i32
      %dma_wait3A_123 = arith.constant 0 : i32
      %dma_wait3A_124 = tpu.memref_slice %arg7[%dma_wait3A_122, %dma_wait3A_123] : memref<40x128xi32, #tpu.memory_space<vmem>> -> memref<1x128xi32, #tpu.memory_space<vmem>>
      %dma_wait3A_125 = tpu.memref_squeeze %dma_wait3A_124 : memref<1x128xi32, #tpu.memory_space<vmem>> -> memref<128xi32, #tpu.memory_space<vmem>>
      %dma_wait3A_126 = arith.constant 0 : i32
      %dma_wait3A_127 = arith.constant 0 : i32
      %dma_wait3A_128 = tpu.memref_slice %arg14[%dma_wait3A_126, %dma_wait3A_127] : memref<10000x64xf32, #tpu.memory_space<vmem_shared>> -> memref<10000x64xf32, #tpu.memory_space<vmem_shared>>
      tpu.wait_indirect_dma semaphore(%arg17 : memref<!tpu.dma_semaphore, #tpu.memory_space<semaphore_mem>>) src(%dma_wait3A_128 : memref<10000x64xf32, #tpu.memory_space<vmem_shared>>) dst(%arg11 : memref<128x64xf32, #tpu.memory_space<vmem>>)
      %dma_start3A_129 = arith.constant 38 : i32
      %dma_start3A_130 = arith.constant 0 : i32
      %dma_start3A_131 = tpu.memref_slice %arg8[%dma_start3A_129, %dma_start3A_130] : memref<40x128xi32, #tpu.memory_space<vmem>> -> memref<1x128xi32, #tpu.memory_space<vmem>>
      %dma_start3A_132 = tpu.memref_squeeze %dma_start3A_131 : memref<1x128xi32, #tpu.memory_space<vmem>> -> memref<128xi32, #tpu.memory_space<vmem>>
      %dma_start3A_133 = arith.constant 0 : i32
      %dma_start3A_134 = arith.constant 0 : i32
      %dma_start3A_135 = tpu.memref_slice %arg13[%dma_start3A_133, %dma_start3A_134] : memref<10112x64xf32, #tpu.memory_space<vmem_shared>> -> memref<10112x64xf32, #tpu.memory_space<vmem_shared>>
      tpu.enqueue_indirect_dma source(%arg11 : memref<128x64xf32, #tpu.memory_space<vmem>>) target(%dma_start3A_135 : memref<10112x64xf32, #tpu.memory_space<vmem_shared>>) offsets(%dma_start3A_132 : memref<128xi32, #tpu.memory_space<vmem>>) semaphore(%arg21 : memref<!tpu.dma_semaphore, #tpu.memory_space<semaphore_mem>>) {add = true}
      %dma_wait3A_136 = arith.constant 0 : i32
      %dma_wait3A_137 = arith.constant 0 : i32
      %dma_wait3A_138 = tpu.memref_slice %arg7[%dma_wait3A_136, %dma_wait3A_137] : memref<40x128xi32, #tpu.memory_space<vmem>> -> memref<1x128xi32, #tpu.memory_space<vmem>>
      %dma_wait3A_139 = tpu.memref_squeeze %dma_wait3A_138 : memref<1x128xi32, #tpu.memory_space<vmem>> -> memref<128xi32, #tpu.memory_space<vmem>>
      %dma_wait3A_140 = arith.constant 0 : i32
      %dma_wait3A_141 = arith.constant 0 : i32
      %dma_wait3A_142 = tpu.memref_slice %arg14[%dma_wait3A_140, %dma_wait3A_141] : memref<10000x64xf32, #tpu.memory_space<vmem_shared>> -> memref<10000x64xf32, #tpu.memory_space<vmem_shared>>
      tpu.wait_indirect_dma semaphore(%arg18 : memref<!tpu.dma_semaphore, #tpu.memory_space<semaphore_mem>>) src(%dma_wait3A_142 : memref<10000x64xf32, #tpu.memory_space<vmem_shared>>) dst(%arg12 : memref<128x64xf32, #tpu.memory_space<vmem>>)
      %dma_start3A_143 = arith.constant 39 : i32
      %dma_start3A_144 = arith.constant 0 : i32
      %dma_start3A_145 = tpu.memref_slice %arg8[%dma_start3A_143, %dma_start3A_144] : memref<40x128xi32, #tpu.memory_space<vmem>> -> memref<1x128xi32, #tpu.memory_space<vmem>>
      %dma_start3A_146 = tpu.memref_squeeze %dma_start3A_145 : memref<1x128xi32, #tpu.memory_space<vmem>> -> memref<128xi32, #tpu.memory_space<vmem>>
      %dma_start3A_147 = arith.constant 0 : i32
      %dma_start3A_148 = arith.constant 0 : i32
      %dma_start3A_149 = tpu.memref_slice %arg13[%dma_start3A_147, %dma_start3A_148] : memref<10112x64xf32, #tpu.memory_space<vmem_shared>> -> memref<10112x64xf32, #tpu.memory_space<vmem_shared>>
      tpu.enqueue_indirect_dma source(%arg12 : memref<128x64xf32, #tpu.memory_space<vmem>>) target(%dma_start3A_149 : memref<10112x64xf32, #tpu.memory_space<vmem_shared>>) offsets(%dma_start3A_146 : memref<128xi32, #tpu.memory_space<vmem>>) semaphore(%arg22 : memref<!tpu.dma_semaphore, #tpu.memory_space<semaphore_mem>>) {add = true}
      %dma_wait3A_150 = arith.constant 0 : i32
      %dma_wait3A_151 = arith.constant 0 : i32
      %dma_wait3A_152 = tpu.memref_slice %arg7[%dma_wait3A_150, %dma_wait3A_151] : memref<40x128xi32, #tpu.memory_space<vmem>> -> memref<1x128xi32, #tpu.memory_space<vmem>>
      %dma_wait3A_153 = tpu.memref_squeeze %dma_wait3A_152 : memref<1x128xi32, #tpu.memory_space<vmem>> -> memref<128xi32, #tpu.memory_space<vmem>>
      %dma_wait3A_154 = arith.constant 0 : i32
      %dma_wait3A_155 = arith.constant 0 : i32
      %dma_wait3A_156 = tpu.memref_slice %arg2[%dma_wait3A_154, %dma_wait3A_155] : memref<10000x64xf32, #tpu.memory_space<hbm>> -> memref<10000x64xf32, #tpu.memory_space<hbm>>
      tpu.wait_indirect_dma semaphore(%arg19 : memref<!tpu.dma_semaphore, #tpu.memory_space<semaphore_mem>>) src(%dma_wait3A_156 : memref<10000x64xf32, #tpu.memory_space<hbm>>) dst(%arg9 : memref<128x64xf32, #tpu.memory_space<vmem>>)
      %dma_wait3A_157 = arith.constant 0 : i32
      %dma_wait3A_158 = arith.constant 0 : i32
      %dma_wait3A_159 = tpu.memref_slice %arg7[%dma_wait3A_157, %dma_wait3A_158] : memref<40x128xi32, #tpu.memory_space<vmem>> -> memref<1x128xi32, #tpu.memory_space<vmem>>
      %dma_wait3A_160 = tpu.memref_squeeze %dma_wait3A_159 : memref<1x128xi32, #tpu.memory_space<vmem>> -> memref<128xi32, #tpu.memory_space<vmem>>
      %dma_wait3A_161 = arith.constant 0 : i32
      %dma_wait3A_162 = arith.constant 0 : i32
      %dma_wait3A_163 = tpu.memref_slice %arg2[%dma_wait3A_161, %dma_wait3A_162] : memref<10000x64xf32, #tpu.memory_space<hbm>> -> memref<10000x64xf32, #tpu.memory_space<hbm>>
      tpu.wait_indirect_dma semaphore(%arg20 : memref<!tpu.dma_semaphore, #tpu.memory_space<semaphore_mem>>) src(%dma_wait3A_163 : memref<10000x64xf32, #tpu.memory_space<hbm>>) dst(%arg10 : memref<128x64xf32, #tpu.memory_space<vmem>>)
      %dma_wait3A_164 = arith.constant 0 : i32
      %dma_wait3A_165 = arith.constant 0 : i32
      %dma_wait3A_166 = tpu.memref_slice %arg7[%dma_wait3A_164, %dma_wait3A_165] : memref<40x128xi32, #tpu.memory_space<vmem>> -> memref<1x128xi32, #tpu.memory_space<vmem>>
      %dma_wait3A_167 = tpu.memref_squeeze %dma_wait3A_166 : memref<1x128xi32, #tpu.memory_space<vmem>> -> memref<128xi32, #tpu.memory_space<vmem>>
      %dma_wait3A_168 = arith.constant 0 : i32
      %dma_wait3A_169 = arith.constant 0 : i32
      %dma_wait3A_170 = tpu.memref_slice %arg2[%dma_wait3A_168, %dma_wait3A_169] : memref<10000x64xf32, #tpu.memory_space<hbm>> -> memref<10000x64xf32, #tpu.memory_space<hbm>>
      tpu.wait_indirect_dma semaphore(%arg21 : memref<!tpu.dma_semaphore, #tpu.memory_space<semaphore_mem>>) src(%dma_wait3A_170 : memref<10000x64xf32, #tpu.memory_space<hbm>>) dst(%arg11 : memref<128x64xf32, #tpu.memory_space<vmem>>)
      %dma_wait3A_171 = arith.constant 0 : i32
      %dma_wait3A_172 = arith.constant 0 : i32
      %dma_wait3A_173 = tpu.memref_slice %arg7[%dma_wait3A_171, %dma_wait3A_172] : memref<40x128xi32, #tpu.memory_space<vmem>> -> memref<1x128xi32, #tpu.memory_space<vmem>>
      %dma_wait3A_174 = tpu.memref_squeeze %dma_wait3A_173 : memref<1x128xi32, #tpu.memory_space<vmem>> -> memref<128xi32, #tpu.memory_space<vmem>>
      %dma_wait3A_175 = arith.constant 0 : i32
      %dma_wait3A_176 = arith.constant 0 : i32
      %dma_wait3A_177 = tpu.memref_slice %arg2[%dma_wait3A_175, %dma_wait3A_176] : memref<10000x64xf32, #tpu.memory_space<hbm>> -> memref<10000x64xf32, #tpu.memory_space<hbm>>
      tpu.wait_indirect_dma semaphore(%arg22 : memref<!tpu.dma_semaphore, #tpu.memory_space<semaphore_mem>>) src(%dma_wait3A_177 : memref<10000x64xf32, #tpu.memory_space<hbm>>) dst(%arg12 : memref<128x64xf32, #tpu.memory_space<vmem>>)
    }
    %barrier3A_50 = arith.constant 0 : index
    tpu.barrier barrier_id(%barrier3A_50)
    %mul3A_51 = arith.constant 632 : i32
    %mul3A_52 = arith.muli %arg1, %mul3A_51 : i32
    %mul3A_53 = arith.constant 10112 : i32
    %mul3A_54 = arith.muli %arg0, %mul3A_53 : i32
    %mul3A_55 = arith.constant 632 : i32
    %mul3A_56 = arith.muli %arg1, %mul3A_55 : i32
    %add3A_57 = arith.addi %mul3A_54, %mul3A_56 : i32
    "tpu.region"() ({
      %run_scoped3A = tpu.sem_alloc : memref<!tpu.dma_semaphore, #tpu.memory_space<semaphore_mem>>
      %dma_start3A = arith.constant 0 : i32
      %dma_start3A_58 = tpu.memref_slice %arg6[%add3A_57, %dma_start3A] : memref<20224x64xf32, #tpu.memory_space<hbm>> -> memref<632x64xf32, #tpu.memory_space<hbm>>
      %dma_start3A_59 = arith.constant 0 : i32
      %dma_start3A_60 = tpu.memref_slice %arg13[%mul3A_52, %dma_start3A_59] : memref<10112x64xf32, #tpu.memory_space<vmem_shared>> -> memref<632x64xf32, #tpu.memory_space<vmem_shared>>
      tpu.enqueue_dma source(%dma_start3A_60 : memref<632x64xf32, #tpu.memory_space<vmem_shared>>) target(%dma_start3A_58 : memref<632x64xf32, #tpu.memory_space<hbm>>) target_semaphore(%run_scoped3A : memref<!tpu.dma_semaphore, #tpu.memory_space<semaphore_mem>>)
      %dma_wait3A = arith.constant 0 : i32
      %dma_wait3A_61 = tpu.memref_slice %arg6[%add3A_57, %dma_wait3A] : memref<20224x64xf32, #tpu.memory_space<hbm>> -> memref<632x64xf32, #tpu.memory_space<hbm>>
      %dma_wait3A_62 = arith.constant 0 : i32
      %dma_wait3A_63 = tpu.memref_slice %arg13[%mul3A_52, %dma_wait3A_62] : memref<10112x64xf32, #tpu.memory_space<vmem_shared>> -> memref<632x64xf32, #tpu.memory_space<vmem_shared>>
      tpu.wait_dma2 semaphore(%run_scoped3A : memref<!tpu.dma_semaphore, #tpu.memory_space<semaphore_mem>>) src(%dma_wait3A_63 : memref<632x64xf32, #tpu.memory_space<vmem_shared>>) dst(%dma_wait3A_61 : memref<632x64xf32, #tpu.memory_space<hbm>>)
      tpu.yield
    }) : () -> ()
    return
  }
}

module attributes {stable_mosaic.version = 14 : i64} {
  func.func @body(%arg0: i32, %arg1: memref<1000x128xf32, #tpu.memory_space<vmem>>, %arg2: memref<128x128xf32, #tpu.memory_space<vmem>>, %arg3: memref<2x1000x16xf32, #tpu.memory_space<vmem>>, %arg4: memref<1000x64xf32, #tpu.memory_space<vmem>>, %arg5: memref<1000x64xf32, #tpu.memory_space<vmem>>, %arg6: memref<1000x128xf32, #tpu.memory_space<vmem>>) attributes {dimension_semantics = [#tpu.dimension_semantics<arbitrary>], iteration_bounds = array<i64: 10>, scalar_prefetch = 0 : i64, scratch_operands = 0 : i64, tpu.core_type = #tpu.core_type<tc>, window_params = [{transform_indices = @transform_0, window_bounds = array<i64: 1000, 128>}, {pipeline_mode = #tpu.pipeline_mode<synchronous>, transform_indices = @transform_1, window_bounds = array<i64: 128, 128>}, {transform_indices = @transform_2, window_bounds = array<i64: 2, 1000, 16>}, {transform_indices = @transform_3, window_bounds = array<i64: 1000, 64>}, {transform_indices = @transform_4, window_bounds = array<i64: 1000, 64>}, {transform_indices = @transform_5, window_bounds = array<i64: 1000, 128>}]} {
    %get3A = arith.constant 0 : index
    %get3A_0 = arith.constant 0 : index
    %get3A_1 = arith.constant 0 : index
    %get3A_2 = vector.load %arg3[%get3A, %get3A_0, %get3A_1] : memref<2x1000x16xf32, #tpu.memory_space<vmem>>, vector<1x1000x1xf32>
    %get3A_3 = vector.shape_cast %get3A_2 : vector<1x1000x1xf32> to vector<1000xf32>
    %add3A = arith.constant 1.000000e+00 : f32
    %add3A_4 = vector.broadcast %add3A : f32 to vector<1000xf32>
    %add3A_5 = arith.addf %add3A_4, %get3A_3 : vector<1000xf32>
    %get3A_6 = arith.constant 1 : index
    %get3A_7 = arith.constant 0 : index
    %get3A_8 = arith.constant 0 : index
    %get3A_9 = vector.load %arg3[%get3A_6, %get3A_7, %get3A_8] : memref<2x1000x16xf32, #tpu.memory_space<vmem>>, vector<1x1000x1xf32>
    %get3A_10 = vector.shape_cast %get3A_9 : vector<1x1000x1xf32> to vector<1000xf32>
    %add3A_11 = arith.addf %add3A_5, %get3A_10 : vector<1000xf32>
    %rsqrt3A = math.rsqrt %add3A_11 : vector<1000xf32>
    %get3A_12 = arith.constant 0 : index
    %get3A_13 = arith.constant 0 : index
    %get3A_14 = vector.load %arg1[%get3A_12, %get3A_13] : memref<1000x128xf32, #tpu.memory_space<vmem>>, vector<1000x128xf32>
    %get3A_15 = arith.constant 0 : index
    %get3A_16 = arith.constant 0 : index
    %get3A_17 = vector.load %arg2[%get3A_15, %get3A_16] : memref<128x128xf32, #tpu.memory_space<vmem>>, vector<128x128xf32>
    %dot_general3A = arith.constant dense<0.000000e+00> : vector<1000x128xf32>
    %dot_general3A_18 = tpu.matmul %get3A_14, %get3A_17, %dot_general3A {dimension_numbers = #tpu.dot_dimension_numbers<[1], [0], [0], [1], [0, 0, 1, 1], [], []>, precision = #tpu.contract_precision<fp32>, transpose_lhs_hint = false} : vector<1000x128xf32>, vector<128x128xf32>, vector<1000x128xf32> -> vector<1000x128xf32>
    %broadcast_in_dim3A = vector.shape_cast %rsqrt3A : vector<1000xf32> to vector<1000x1xf32>
    %mul3A = vector.broadcast %broadcast_in_dim3A : vector<1000x1xf32> to vector<1000x128xf32>
    %mul3A_19 = arith.mulf %dot_general3A_18, %mul3A : vector<1000x128xf32>
    %slice3A = vector.extract_strided_slice %mul3A_19 {offsets = [0, 0], sizes = [1000, 64], strides = [1, 1]} : vector<1000x128xf32> to vector<1000x64xf32>
    %swap3A = arith.constant 0 : index
    %swap3A_20 = arith.constant 0 : index
    %swap3A_21 = vector.load %arg4[%swap3A, %swap3A_20] : memref<1000x64xf32, #tpu.memory_space<vmem>>, vector<1000x64xf32>
    tpu.vector_store %arg4[%swap3A, %swap3A_20], %slice3A {strides = array<i32>} : memref<1000x64xf32, #tpu.memory_space<vmem>>, vector<1000x64xf32>,
    %slice3A_22 = vector.extract_strided_slice %mul3A_19 {offsets = [0, 64], sizes = [1000, 64], strides = [1, 1]} : vector<1000x128xf32> to vector<1000x64xf32>
    %swap3A_23 = arith.constant 0 : index
    %swap3A_24 = arith.constant 0 : index
    %swap3A_25 = vector.load %arg5[%swap3A_23, %swap3A_24] : memref<1000x64xf32, #tpu.memory_space<vmem>>, vector<1000x64xf32>
    tpu.vector_store %arg5[%swap3A_23, %swap3A_24], %slice3A_22 {strides = array<i32>} : memref<1000x64xf32, #tpu.memory_space<vmem>>, vector<1000x64xf32>,
    %broadcast_in_dim3A_26 = vector.shape_cast %rsqrt3A : vector<1000xf32> to vector<1000x1xf32>
    %broadcast_in_dim3A_27 = vector.shape_cast %broadcast_in_dim3A_26 : vector<1000x1xf32> to vector<1000x1xf32>
    %broadcast_in_dim3A_28 = vector.broadcast %broadcast_in_dim3A_27 : vector<1000x1xf32> to vector<1000x128xf32>
    %swap3A_29 = arith.constant 0 : index
    %swap3A_30 = arith.constant 0 : index
    %swap3A_31 = vector.load %arg6[%swap3A_29, %swap3A_30] : memref<1000x128xf32, #tpu.memory_space<vmem>>, vector<1000x128xf32>
    tpu.vector_store %arg6[%swap3A_29, %swap3A_30], %broadcast_in_dim3A_28 {strides = array<i32>} : memref<1000x128xf32, #tpu.memory_space<vmem>>, vector<1000x128xf32>,
    return
  }
  func.func @transform_0(%arg0: i32) -> (i32, i32) {
    %c0_i32 = arith.constant 0 : i32
    %c0_i32_0 = arith.constant 0 : i32
    return %arg0, %c0_i32 : i32, i32
  }
  func.func @transform_1(%arg0: i32) -> (i32, i32) {
    %c0_i32 = arith.constant 0 : i32
    %c0_i32_0 = arith.constant 0 : i32
    %c0_i32_1 = arith.constant 0 : i32
    return %c0_i32, %c0_i32_0 : i32, i32
  }
  func.func @transform_2(%arg0: i32) -> (i32, i32, i32) {
    %c0_i32 = arith.constant 0 : i32
    %c0_i32_0 = arith.constant 0 : i32
    %c0_i32_1 = arith.constant 0 : i32
    return %c0_i32, %arg0, %c0_i32_0 : i32, i32, i32
  }
  func.func @transform_3(%arg0: i32) -> (i32, i32) {
    %c0_i32 = arith.constant 0 : i32
    %c0_i32_0 = arith.constant 0 : i32
    return %arg0, %c0_i32 : i32, i32
  }
  func.func @transform_4(%arg0: i32) -> (i32, i32) {
    %c0_i32 = arith.constant 0 : i32
    %c0_i32_0 = arith.constant 0 : i32
    return %arg0, %c0_i32 : i32, i32
  }
  func.func @transform_5(%arg0: i32) -> (i32, i32) {
    %c0_i32 = arith.constant 0 : i32
    %c0_i32_0 = arith.constant 0 : i32
    return %arg0, %c0_i32 : i32, i32
  }
}

module attributes {stable_mosaic.version = 14 : i64} {
  func.func @body(%arg0: i32, %arg1: memref<2x1000x64xf32, #tpu.memory_space<vmem>>, %arg2: memref<1000x64xf32, #tpu.memory_space<vmem>>, %arg3: memref<1000x64xf32, #tpu.memory_space<vmem>>, %arg4: memref<1000x128xf32, #tpu.memory_space<vmem>>, %arg5: memref<1x128xf32, #tpu.memory_space<vmem>>, %arg6: memref<128x64xf32, #tpu.memory_space<vmem>>, %arg7: memref<1000x64xf32, #tpu.memory_space<vmem>>) attributes {dimension_semantics = [#tpu.dimension_semantics<arbitrary>], iteration_bounds = array<i64: 10>, scalar_prefetch = 0 : i64, scratch_operands = 0 : i64, tpu.core_type = #tpu.core_type<tc>, window_params = [{transform_indices = @transform_0, window_bounds = array<i64: 2, 1000, 64>}, {transform_indices = @transform_1, window_bounds = array<i64: 1000, 64>}, {transform_indices = @transform_2, window_bounds = array<i64: 1000, 64>}, {transform_indices = @transform_3, window_bounds = array<i64: 1000, 128>}, {pipeline_mode = #tpu.pipeline_mode<synchronous>, transform_indices = @transform_4, window_bounds = array<i64: 1, 128>}, {pipeline_mode = #tpu.pipeline_mode<synchronous>, transform_indices = @transform_5, window_bounds = array<i64: 128, 64>}, {transform_indices = @transform_6, window_bounds = array<i64: 1000, 64>}]} {
    %get3A = arith.constant 0 : index
    %get3A_0 = arith.constant 0 : index
    %get3A_1 = arith.constant 0 : index
    %get3A_2 = vector.load %arg1[%get3A, %get3A_0, %get3A_1] : memref<2x1000x64xf32, #tpu.memory_space<vmem>>, vector<1x1000x64xf32>
    %get3A_3 = vector.shape_cast %get3A_2 : vector<1x1000x64xf32> to vector<1000x64xf32>
    %get3A_4 = arith.constant 0 : index
    %get3A_5 = arith.constant 0 : index
    %get3A_6 = vector.load %arg2[%get3A_4, %get3A_5] : memref<1000x64xf32, #tpu.memory_space<vmem>>, vector<1000x64xf32>
    %add3A = arith.addf %get3A_3, %get3A_6 : vector<1000x64xf32>
    %get3A_7 = arith.constant 1 : index
    %get3A_8 = arith.constant 0 : index
    %get3A_9 = arith.constant 0 : index
    %get3A_10 = vector.load %arg1[%get3A_7, %get3A_8, %get3A_9] : memref<2x1000x64xf32, #tpu.memory_space<vmem>>, vector<1x1000x64xf32>
    %get3A_11 = vector.shape_cast %get3A_10 : vector<1x1000x64xf32> to vector<1000x64xf32>
    %get3A_12 = arith.constant 0 : index
    %get3A_13 = arith.constant 0 : index
    %get3A_14 = vector.load %arg3[%get3A_12, %get3A_13] : memref<1000x64xf32, #tpu.memory_space<vmem>>, vector<1000x64xf32>
    %add3A_15 = arith.addf %get3A_11, %get3A_14 : vector<1000x64xf32>
    %concatenate3A = tpu.concatenate %add3A, %add3A_15 in 1 : vector<1000x64xf32>, vector<1000x64xf32> -> vector<1000x128xf32>
    %get3A_16 = arith.constant 0 : index
    %get3A_17 = arith.constant 0 : index
    %get3A_18 = vector.load %arg4[%get3A_16, %get3A_17] : memref<1000x128xf32, #tpu.memory_space<vmem>>, vector<1000x128xf32>
    %mul3A = arith.mulf %get3A_18, %concatenate3A : vector<1000x128xf32>
    %get3A_19 = arith.constant 0 : index
    %get3A_20 = arith.constant 0 : index
    %get3A_21 = vector.load %arg5[%get3A_19, %get3A_20] : memref<1x128xf32, #tpu.memory_space<vmem>>, vector<1x128xf32>
    %add3A_22 = vector.broadcast %get3A_21 : vector<1x128xf32> to vector<1000x128xf32>
    %add3A_23 = arith.addf %mul3A, %add3A_22 : vector<1000x128xf32>
    %max3A = arith.constant 0.000000e+00 : f32
    %max3A_24 = vector.broadcast %max3A : f32 to vector<1000x128xf32>
    %max3A_25 = arith.maximumf %add3A_23, %max3A_24 : vector<1000x128xf32>
    %get3A_26 = arith.constant 0 : index
    %get3A_27 = arith.constant 0 : index
    %get3A_28 = vector.load %arg6[%get3A_26, %get3A_27] : memref<128x64xf32, #tpu.memory_space<vmem>>, vector<128x64xf32>
    %dot_general3A = arith.constant dense<0.000000e+00> : vector<1000x64xf32>
    %dot_general3A_29 = tpu.matmul %max3A_25, %get3A_28, %dot_general3A {dimension_numbers = #tpu.dot_dimension_numbers<[1], [0], [0], [1], [0, 0, 1, 1], [], []>, precision = #tpu.contract_precision<fp32>, transpose_lhs_hint = false} : vector<1000x128xf32>, vector<128x64xf32>, vector<1000x64xf32> -> vector<1000x64xf32>
    %get3A_30 = arith.constant 0 : index
    %get3A_31 = arith.constant 0 : index
    %get3A_32 = vector.load %arg4[%get3A_30, %get3A_31] : memref<1000x128xf32, #tpu.memory_space<vmem>>, vector<1000x128xf32>
    %slice3A = vector.extract_strided_slice %get3A_32 {offsets = [0, 0], sizes = [1000, 64], strides = [1, 1]} : vector<1000x128xf32> to vector<1000x64xf32>
    %mul3A_33 = arith.mulf %dot_general3A_29, %slice3A : vector<1000x64xf32>
    %swap3A = arith.constant 0 : index
    %swap3A_34 = arith.constant 0 : index
    %swap3A_35 = vector.load %arg7[%swap3A, %swap3A_34] : memref<1000x64xf32, #tpu.memory_space<vmem>>, vector<1000x64xf32>
    tpu.vector_store %arg7[%swap3A, %swap3A_34], %mul3A_33 {strides = array<i32>} : memref<1000x64xf32, #tpu.memory_space<vmem>>, vector<1000x64xf32>,
    return
  }
  func.func @transform_0(%arg0: i32) -> (i32, i32, i32) {
    %c0_i32 = arith.constant 0 : i32
    %c0_i32_0 = arith.constant 0 : i32
    %c0_i32_1 = arith.constant 0 : i32
    return %c0_i32, %arg0, %c0_i32_0 : i32, i32, i32
  }
  func.func @transform_1(%arg0: i32) -> (i32, i32) {
    %c0_i32 = arith.constant 0 : i32
    %c0_i32_0 = arith.constant 0 : i32
    return %arg0, %c0_i32 : i32, i32
  }
  func.func @transform_2(%arg0: i32) -> (i32, i32) {
    %c0_i32 = arith.constant 0 : i32
    %c0_i32_0 = arith.constant 0 : i32
    return %arg0, %c0_i32 : i32, i32
  }
  func.func @transform_3(%arg0: i32) -> (i32, i32) {
    %c0_i32 = arith.constant 0 : i32
    %c0_i32_0 = arith.constant 0 : i32
    return %arg0, %c0_i32 : i32, i32
  }
  func.func @transform_4(%arg0: i32) -> (i32, i32) {
    %c0_i32 = arith.constant 0 : i32
    %c0_i32_0 = arith.constant 0 : i32
    %c0_i32_1 = arith.constant 0 : i32
    return %c0_i32, %c0_i32_0 : i32, i32
  }
  func.func @transform_5(%arg0: i32) -> (i32, i32) {
    %c0_i32 = arith.constant 0 : i32
    %c0_i32_0 = arith.constant 0 : i32
    %c0_i32_1 = arith.constant 0 : i32
    return %c0_i32, %c0_i32_0 : i32, i32
  }
  func.func @transform_6(%arg0: i32) -> (i32, i32) {
    %c0_i32 = arith.constant 0 : i32
    %c0_i32_0 = arith.constant 0 : i32
    return %arg0, %c0_i32 : i32, i32
  }
}

module attributes {stable_mosaic.version = 14 : i64} {
  func.func @body(%arg0: i32, %arg1: memref<2x1000x64xf32, #tpu.memory_space<vmem>>, %arg2: memref<1000x64xf32, #tpu.memory_space<vmem>>, %arg3: memref<1000x128xf32, #tpu.memory_space<vmem>>, %arg4: memref<1x64xf32, #tpu.memory_space<vmem>>, %arg5: memref<1000x64xf32, #tpu.memory_space<vmem>>) attributes {dimension_semantics = [#tpu.dimension_semantics<arbitrary>], iteration_bounds = array<i64: 10>, scalar_prefetch = 0 : i64, scratch_operands = 0 : i64, tpu.core_type = #tpu.core_type<tc>, window_params = [{transform_indices = @transform_0, window_bounds = array<i64: 2, 1000, 64>}, {transform_indices = @transform_1, window_bounds = array<i64: 1000, 64>}, {transform_indices = @transform_2, window_bounds = array<i64: 1000, 128>}, {pipeline_mode = #tpu.pipeline_mode<synchronous>, transform_indices = @transform_3, window_bounds = array<i64: 1, 64>}, {transform_indices = @transform_4, window_bounds = array<i64: 1000, 64>}]} {
    %get3A = arith.constant 0 : index
    %get3A_0 = arith.constant 0 : index
    %get3A_1 = arith.constant 0 : index
    %get3A_2 = vector.load %arg1[%get3A, %get3A_0, %get3A_1] : memref<2x1000x64xf32, #tpu.memory_space<vmem>>, vector<1x1000x64xf32>
    %get3A_3 = vector.shape_cast %get3A_2 : vector<1x1000x64xf32> to vector<1000x64xf32>
    %get3A_4 = arith.constant 1 : index
    %get3A_5 = arith.constant 0 : index
    %get3A_6 = arith.constant 0 : index
    %get3A_7 = vector.load %arg1[%get3A_4, %get3A_5, %get3A_6] : memref<2x1000x64xf32, #tpu.memory_space<vmem>>, vector<1x1000x64xf32>
    %get3A_8 = vector.shape_cast %get3A_7 : vector<1x1000x64xf32> to vector<1000x64xf32>
    %add3A = arith.addf %get3A_3, %get3A_8 : vector<1000x64xf32>
    %get3A_9 = arith.constant 0 : index
    %get3A_10 = arith.constant 0 : index
    %get3A_11 = vector.load %arg2[%get3A_9, %get3A_10] : memref<1000x64xf32, #tpu.memory_space<vmem>>, vector<1000x64xf32>
    %add3A_12 = arith.addf %add3A, %get3A_11 : vector<1000x64xf32>
    %get3A_13 = arith.constant 0 : index
    %get3A_14 = arith.constant 0 : index
    %get3A_15 = vector.load %arg3[%get3A_13, %get3A_14] : memref<1000x128xf32, #tpu.memory_space<vmem>>, vector<1000x128xf32>
    %slice3A = vector.extract_strided_slice %get3A_15 {offsets = [0, 0], sizes = [1000, 64], strides = [1, 1]} : vector<1000x128xf32> to vector<1000x64xf32>
    %mul3A = arith.mulf %slice3A, %add3A_12 : vector<1000x64xf32>
    %get3A_16 = arith.constant 0 : index
    %get3A_17 = arith.constant 0 : index
    %get3A_18 = vector.load %arg4[%get3A_16, %get3A_17] : memref<1x64xf32, #tpu.memory_space<vmem>>, vector<1x64xf32>
    %add3A_19 = vector.broadcast %get3A_18 : vector<1x64xf32> to vector<1000x64xf32>
    %add3A_20 = arith.addf %mul3A, %add3A_19 : vector<1000x64xf32>
    %swap3A = arith.constant 0 : index
    %swap3A_21 = arith.constant 0 : index
    %swap3A_22 = vector.load %arg5[%swap3A, %swap3A_21] : memref<1000x64xf32, #tpu.memory_space<vmem>>, vector<1000x64xf32>
    tpu.vector_store %arg5[%swap3A, %swap3A_21], %add3A_20 {strides = array<i32>} : memref<1000x64xf32, #tpu.memory_space<vmem>>, vector<1000x64xf32>,
    return
  }
  func.func @transform_0(%arg0: i32) -> (i32, i32, i32) {
    %c0_i32 = arith.constant 0 : i32
    %c0_i32_0 = arith.constant 0 : i32
    %c0_i32_1 = arith.constant 0 : i32
    return %c0_i32, %arg0, %c0_i32_0 : i32, i32, i32
  }
  func.func @transform_1(%arg0: i32) -> (i32, i32) {
    %c0_i32 = arith.constant 0 : i32
    %c0_i32_0 = arith.constant 0 : i32
    return %arg0, %c0_i32 : i32, i32
  }
  func.func @transform_2(%arg0: i32) -> (i32, i32) {
    %c0_i32 = arith.constant 0 : i32
    %c0_i32_0 = arith.constant 0 : i32
    return %arg0, %c0_i32 : i32, i32
  }
  func.func @transform_3(%arg0: i32) -> (i32, i32) {
    %c0_i32 = arith.constant 0 : i32
    %c0_i32_0 = arith.constant 0 : i32
    %c0_i32_1 = arith.constant 0 : i32
    return %c0_i32, %c0_i32_0 : i32, i32
  }
  func.func @transform_4(%arg0: i32) -> (i32, i32) {
    %c0_i32 = arith.constant 0 : i32
    %c0_i32_0 = arith.constant 0 : i32
    return %arg0, %c0_i32 : i32, i32
  }
}

</mosaic_0001>

<sc_bundles>
// kernel: kernel.11.cloned.1.call-start
scs
__scs_entry_jumppad:
0x0: {  	(pc) =	sbr.rel $0x88, $3  }
0x1: {  	(tag) =	ssettag $0x0;
	lr =	simm.s32 $0x1  }
0x2: {  	[smem:$0x3F9B] =	sst lr;
	_ =	strace $0xD0000000  }
0x3: {  	_ = 	snop  }
0x4: {  	_ = 	snop  }
0x5: {  	_ = 	snop  }
0x6: {  	_ = 	snop  }
0x7: {  	_ = 	snop  }
__scs_overlays_trampoline_lowered:
0x8: {  	[smem:$0x3FAA] =	sst s0  }
0x9: {  	[smem:$0x3FAB] =	sst s1  }
0xa: {  	[smem:$0x3FAC] =	sst s2  }
0xb: {  	[smem:$0x3FAD] =	sst s3  }
0xc: {  	[smem:$0x3FAE] =	sst s4  }
0xd: {  	[smem:$0x3FAF] =	sst s5  }
0xe: {  	[smem:$0x3FB0] =	sst s6  }
0xf: {  	[smem:$0x3FB1] =	sst s7  }
0x10: {  	[smem:$0x3FB2] =	sst s8  }
0x11: {  	[smem:$0x3FB3] =	sst s9;
	s0 =	simm.s32 @!p0 $0x0  }
0x12: {  	s1 =	sld [smem:$0x3F99];
	s0 =	simm.s32 @p0 $0x1  }
0x13: {  	[smem:$0x3FB4] =	sst s0;
	s0 =	simm.s32 @!p1 $0x0  }
0x14: {  	s2 =	sld [smem:$0x3F98];
	s0 =	simm.s32 @p1 $0x1  }
0x15: {  	[smem:$0x3FB5] =	sst s0;
	s0 =	simm.s32 @!p2 $0x0  }
0x16: {  	s3 =	sld [smem:$0x3FDB];
	s0 =	simm.s32 @p2 $0x1  }
0x17: {  	s4 =	simm.s32 $0x1BF5;
	[smem:$0x3FB7] =	sst s0  }
0x18: {  	s0 =	sld [smem:$0x3F9A];
	_ =	swait.ge [sflag:s4], $0x0  }
0x19: {  	s7 =	sld [smem:$0x3F9B]  }
0x1a: {  	s8 =	sadd.s32 $0xFFFFE003, lr  }
0x1b: {  	s9 =	sadd.s32 $0xFFFFFEF7, lr;
	s5 =	simm.s32 $0xFFFFFFFF;
	p2 =	slt.u32 s8, $0xFFFFF086  }
0x1c: {  	p1 =	slt.u32 s9, $0xF7A;
	s5 =	simm.s32 @!p2 $0x0  }
0x1d: {  	s5 =	simm.s32 @p1 $0x1;
	p0 =	seq.s32 s7, s2  }
0x1e: {  	s7 =	smul.u32 @!p0 $0xF7A, s2;
	p2 =	seq.s32 @!p0 s5, $0x0  }
0x1f: {  	s9 =	smul.u32 $0xF7A, s1;
	s8 =	simm.s32 @!p0 $0x1BF5;
	p2 =	por !p2, p0  }
0x20: {  	[sflag:s8] =	ssyncset.s32 @!p0 $0xFFFFF086;
	s6 =	sadd.s32 @!p0 s3, s7;
	s7 =	simm.s32 @!p0 $0x108  }
0x21: {  	s3 =	sadd.s32 s3, s9;
	s6 =	sadd.s32 @!p0 $0x88, s6;
	s7 =	simm.s32 @p2 $0x1082  }
0x22: {  	[simem:s7], [sflag:s8] =	dma.local @!p0 [hbm:s6], $0xF7A  }
0x23: {  	s9 =	sor.u32 $0xD0000000, s2;
	s6 =	simm.s32 $0x108;
	_ =	swait.ge @!p0 [sflag:s8], $0x0  }
0x24: {  	s3 =	sadd.s32 $0x88, s3;
	s6 =	simm.s32 @!p1 $0x1082;
	[sflag:s4] =	ssyncset.s32 $0xFFFFF086  }
0x25: {  	[simem:s6], [sflag:s4] =	dma.local [hbm:s3], $0xF7A  }
0x26: {  	[smem:$0x3F9B] =	sst s1;
	(tag) =	ssettag s2;
	_ =	strace s9  }
0x27: {  	s1 =	sld [smem:$0x3FAB]  }
0x28: {  	s2 =	sld [smem:$0x3FAC]  }
0x29: {  	s4 =	sld [smem:$0x3FAE]  }
0x2a: {  	p0 =	seq.s32 s5, $0x0;
	s5 =	sld [smem:$0x3FAF]  }
0x2b: {  	s6 =	sld [smem:$0x3FB0]  }
0x2c: {  	s7 =	sld [smem:$0x3FB1]  }
0x2d: {  	s3 =	simm.s32 $0x108;
	s8 =	sld [smem:$0x3FB2]  }
0x2e: {  	s3 =	simm.s32 @!p0 $0x1082;
	s9 =	sld [smem:$0x3FB3]  }
0x2f: {  	lr =	sadd.s32 s0, s3;
	s0 =	sld [smem:$0x3FAA]  }
0x30: {  	s3 =	sld [smem:$0x3FAD]  }
0x31: {  	[smem:$0x3FB6] =	sst s10  }
0x32: {  	s10 =	sld [smem:$0x3FB4];
	_ =	sdelay $0x3  }
0x33: {  	p0 =	seq.s32 s10, $0x1;
	s10 =	sld [smem:$0x3FB6];
	_ =	sdelay $0x3  }
0x34: {  	[smem:$0x3FB6] =	sst s10  }
0x35: {  	s10 =	sld [smem:$0x3FB5];
	_ =	sdelay $0x3  }
0x36: {  	p1 =	seq.s32 s10, $0x1;
	s10 =	sld [smem:$0x3FB6];
	_ =	sdelay $0x3  }
0x37: {  	[smem:$0x3FB6] =	sst s10  }
0x38: {  	s10 =	sld [smem:$0x3FB7]  }
0x39: {  	_ = 	snop;
	(pc) =	sbr.ind lr, $3  }
0x3a: {  	_ = 	snop  }
0x3b: {  	_ = 	snop  }
0x3c: {  	p2 =	seq.s32 s10, $0x1;
	s10 =	sld [smem:$0x3FB6]  }
0x3d: {  	_ =	shalt  }
0x3e: {  	_ =	shalt  }
0x3f: {  	_ =	shalt  }
0x40: {  	_ =	shalt  }
0x41: {  	_ =	shalt  }
0x42: {  	_ =	shalt  }
0x43: {  	_ =	shalt  }
0x44: {  	_ =	shalt  }
0x45: {  	_ =	shalt  }
0x46: {  	_ =	shalt  }
0x47: {  	_ =	shalt  }
0x48: {  	_ =	shalt  }
0x49: {  	_ =	shalt  }
0x4a: {  	_ =	shalt  }
0x4b: {  	_ =	shalt  }
0x4c: {  	_ =	shalt  }
0x4d: {  	_ =	shalt  }
0x4e: {  	_ =	shalt  }
0x4f: {  	_ =	shalt  }
0x50: {  	_ =	shalt  }
0x51: {  	_ =	shalt  }
0x52: {  	_ =	shalt  }
0x53: {  	_ =	shalt  }
0x54: {  	_ =	shalt  }
0x55: {  	_ =	shalt  }
0x56: {  	_ =	shalt  }
0x57: {  	_ =	shalt  }
0x58: {  	_ =	shalt  }
0x59: {  	_ =	shalt  }
0x5a: {  	_ =	shalt  }
0x5b: {  	_ =	shalt  }
0x5c: {  	_ =	shalt  }
0x5d: {  	_ =	shalt  }
0x5e: {  	_ =	shalt  }
0x5f: {  	_ =	shalt  }
0x60: {  	_ =	shalt  }
0x61: {  	_ =	shalt  }
0x62: {  	_ =	shalt  }
0x63: {  	_ =	shalt  }
0x64: {  	_ =	shalt  }
0x65: {  	_ =	shalt  }
0x66: {  	_ =	shalt  }
0x67: {  	_ =	shalt  }
0x68: {  	_ =	shalt  }
0x69: {  	_ =	shalt  }
0x6a: {  	_ =	shalt  }
0x6b: {  	_ =	shalt  }
0x6c: {  	_ =	shalt  }
0x6d: {  	_ =	shalt  }
0x6e: {  	_ =	shalt  }
0x6f: {  	_ =	shalt  }
0x70: {  	_ =	shalt  }
0x71: {  	_ =	shalt  }
0x72: {  	_ =	shalt  }
0x73: {  	_ =	shalt  }
0x74: {  	_ =	shalt  }
0x75: {  	_ =	shalt  }
0x76: {  	_ =	shalt  }
0x77: {  	_ =	shalt  }
0x78: {  	_ =	shalt  }
0x79: {  	_ =	shalt  }
0x7a: {  	_ =	shalt  }
0x7b: {  	_ =	shalt  }
0x7c: {  	_ =	shalt  }
0x7d: {  	_ =	shalt  }
0x7e: {  	_ =	shalt  }
0x7f: {  	_ =	shalt  }
0x80: {  	_ =	shalt  }
0x81: {  	_ =	shalt  }
0x82: {  	_ =	shalt  }
0x83: {  	_ =	shalt  }
0x84: {  	_ =	shalt  }
0x85: {  	_ =	shalt  }
0x86: {  	_ =	shalt  }
0x87: {  	_ =	shalt  }
.Lfunc_end0:
.L_simem_size_0:
called_computation.1_lowered:
.L_overlay_start_0:
0x88: {  	s2 =	sld [smem:$0x3FD9]  }
0x89: {  	s3 =	sld [smem:$0x3FFE];
	_ =	sdelay $0x1  }
0x8a: {  	s1 =	srdreg.scid  }
0x8b: {  	s0 =	sand.u32 $0x1, s1  }
0x8c: {  	s17 =	sshll.u32 s0, $0xA;
	s2 =	sadd.s32 s3, s2  }
0x8d: {  	s2 =	sadd.s32 s2, s17  }
0x8e: {  	[smem:$0x3FC2] =	sst s2  }
0x8f: {  	_ = 	snop  }
0x90: {  	s2 =	sld [smem:$0x3FD0];
	(tm) =	ssettm $0x1  }
0x91: {  	s18 =	sld [smem:$0x3FFB];
	_ =	sdelay $0x3  }
0x92: {  	_ =	strace s18  }
0x93: {  	s3 =	sld [smem:$0x3FFC];
	_ =	sdelay $0x3  }
0x94: {  	_ =	strace s3  }
0x95: {  	s3 =	sld [smem:$0x3FFD];
	_ =	sdelay $0x3  }
0x96: {  	_ =	strace s3  }
0x97: {  	_ =	strace $0x8FFFFFFF  }
0x98: {  	s19 =	sld [smem:$0x3FDB];
	_ =	sdelay $0x1  }
0x99: {  	s4 =	simm.s32 $_scs_section_size  }
0x9a: {  	s5 =	simm.s32 $_size__tile_overlayer_lowered;
	s6 =	simm.s32 $_tile_overlayer_lowered  }
0x9b: {  	s22 =	simm.s32 $0x1BFF;
	s21 =	sshll.u32 s6, $0x1;
	s3 =	sadd.s32 s4, s19  }
0x9c: {  	s7 =	simm.s32 $0x0;
	s20 =	sshll.u32 s5, $0x1;
	s5 =	sadd.s32 s21, s3  }
0x9d: {  	[timem:s7], [sflag:s22] =	dma.local [hbm:s5], s20  }
0x9e: {  	_ =	swait.ge [sflag:s22], s20  }
0x9f: {  	s4 =	ssub.s32 $0x0, s20;
	[sflag:s22] =	ssyncset.done $0x0  }
0xa0: {  	[sflag:s22] =	ssyncadd.s32 s4;
	_ =	sdelay $0x1  }
0xa1: {  	s23 =	simm.s32 $0x1B8B  }
0xa2: {  	_ =	swait.ge [sflag:s23], $0x1  }
0xa3: {  	[sflag:s23] =	ssyncset.done $0x0  }
0xa4: {  	s25 =	simm.s32 $0x1B8E;
	s24 =	sld [smem:$0x3FFE];
	[sflag:s23] =	ssyncadd.s32 $0xFFFFFFFF  }
0xa5: {  	s26 =	simm.s32 $execute0_lowered;
	[smem:$0x3FD2] =	sst s25  }
0xa6: {  	s5 =	sshll.u32 s26, $0x1;
	_ =	strace $0x80000049;
	[dreg:$0x1] =	wrdreg $0xFFFFFFFF  }
0xa7: {  	s28 =	simm.s32 $_size_execute0_lowered;
	s3 =	sadd.s32 s3, s5;
	[dreg:$0x0] =	wrdreg $0x0  }
0xa8: {  	s5 =	sshll.u32 s28, $0x1;
	[dreg:$0x2] =	wrdreg s3  }
0xa9: {  	[dreg:$0x3] =	wrdreg s5  }
0xaa: {  	[dreg:$0x4] =	wrdreg $0xC0  }
0xab: {  	_ =	task [dreg:s7], $0x5FFFF  }
0xac: {  	[dreg:$0x1] =	wrdreg $0xFFFFFFFF  }
0xad: {  	[dreg:$0x0] =	wrdreg $0x60  }
0xae: {  	[dreg:$0x2] =	wrdreg s24  }
0xaf: {  	[dreg:$0x3] =	wrdreg s2  }
0xb0: {  	[dreg:$0x4] =	wrdreg $0xA8000  }
0xb1: {  	[dreg:$0x5] =	wrdreg $0x146000  }
0xb2: {  	[dreg:$0x6] =	wrdreg $0x9  }
0xb3: {  	_ =	task.clear_ibuf [dreg:s7], $0x7FFFF;
	_ =	strace $0x90000049  }
0xb4: {  	s29 =	simm.s32 $0x9;
	_ =	strace $0x8000004B  }
0xb5: {  	_ =	swait.ge [sflag:s29], $0x1  }
0xb6: {  	[sflag:s29] =	ssyncadd.s32 $0xFFFFFFFF  }
0xb7: {  	_ =	strace $0x9000004B  }
0xb8: {  	_ =	sfence  }
0xb9: {  	s30 =	sld [smem:$0x0];
	_ =	sdelay $0x2  }
0xba: {  	s31 =	sshll.u32 s1, $0xD;
	s1 =	sshrl.u32 s1, $0x2  }
0xbb: {  	s3 =	sand.u32 $0x4000, s31;
	s1 =	sadd.s32 s1, s30  }
0xbc: {  	s0 =	sor.u32 s3, s0;
	s1 =	sshll.u32 s1, $0x11  }
0xbd: {  	s0 =	sor.u32 s1, s0  }
0xbe: {  	s0 =	sadd.s32 $0x8F2B, s0  }
0xbf: {  	[sflag:s0] =	ssyncadd.remote.s32 $0x1  }
0xc0: {  	_ =	sfence.sel $0xFFFF  }
0xc1: {  	[dreg:$0x0] =	wrdreg $0xFFFFFFFF;
	(pc) =	sbr.abs _section_cstart, $3  }
0xc2: {  	[dreg:$0x1] =	wrdreg $0xFFFFFFFF  }
0xc3: {  	_ =	task.clear_ibuf [dreg:s7], $0x2FFFF;
	_ =	strace $0x9FFFFFFF  }
0xc4: {  	(tm) =	ssettm $0x7FFFFFFF  }
0xc5: {  	_ =	shalt  }
tec
execute0_lowered:
.L_overlay_start_1:
0x0: {  	(tag) =	ssettag $0x1  }
0x1: {  	s0 =	rddreg [dreg:$0x0]  }
0x2: {  	s1 =	rddreg [dreg:$0x1]  }
0x3: {  	s2 =	rddreg [dreg:$0x2];
	s4 =	srdreg.scid  }
0x4: {  	s3 =	rddreg [dreg:$0x3];
	s14 =	stileid.u32  }
0x5: {  	s16 =	simm.s32 $0x1400;
	s17 =	simm.s32 $0x80;
	s6 =	smul.u32 $0x1388, s14  }
0x6: {  	s18 =	simm.s32 $0x2800;
	s28 =	simm.s32 $0x4;
	s8 =	smul.u32 $0x13C0, s14  }
0x7: {  	s29 =	simm.s32 $0x5;
	s30 =	simm.s32 $0x6;
	s11 =	smul.u32 $0x9E00, s14  }
0x8: {  	s31 =	simm.s32 $0x7;
	s7 =	sand.u32 $0x1, s4;
	s12 =	smul.u32 $0x27100, s14  }
0x9: {  	s4 =	simm.s32 $0x0;
	s21 =	sshll.u32 s14, $0x6;
	s5 =	smul.u32 $0x13880, s7  }
0xa: {  	[smem:$0x7FF] =	sst s4;
	s10 =	smul.u32 $0x13C00, s7;
	s7 =	ssub.s32 $0x2, s7  }
0xb: {  	_ =	strace $0x8000004A;
	s19 =	sshrl.u32 s7, $0x1;
	s13 =	sadd.s32 s11, s2  }
0xc: {  	s20 =	sshrl.u32 s11, $0x3;
	s22 =	sshrl.u32 s12, $0x2;
	s12 =	sor.u32 $0x1C09, s21  }
0xd: {  	s21 =	simm.s32 $0x6800;
	s11 =	simm.s32 $0x2780;
	s5 =	sadd.s32 s6, s5  }
0xe: {  	s6 =	sadd.s32 $0x2000, s0;
	s8 =	sadd.s32 s8, s10;
	s7 =	ssub.s32 s7, s19  }
0xf: {  	s1 =	sadd.s32 s1, s20;
	s23 =	sadd.s32 s22, s3;
	s10 =	smul.u32 $0xA0, s14  }
0x10: {  	s13 =	sshrl.u32 s13, $0x3;
	s14 =	simm.s32 $0x9;
	s19 =	simm.s32 $0x4800  }
0x11: {  	s20 =	simm.s32 $0x100;
	s22 =	simm.s32 $0x180;
	[dreg:$0x6] =	wrdreg s12  }
0x12: {  	s9 =	sadd.s32 s5, s0;
	s5 =	sadd.s32 $0x11200, s0;
	s0 =	sadd.s32 s8, s0  }
0x13: {  	[dreg:$0x5] =	wrdreg s1;
	s25 =	smax.u32 s7, $0x1;
	s26 =	sshrl.u32 s23, $0x3  }
0x14: {  	s23 =	simm.s32 $0x8800;
	s1 =	simm.s32 $0x2600;
	[dreg:$0xa] =	wrdreg s13  }
0x15: {  	s7 =	simm.s32 $0x2680;
	s24 =	sadd.s32 $0x42400, s9;
	[dreg:$0x9] =	wrdreg s25  }
0x16: {  	s0 =	sadd.s32 $0x69600, s0;
	[dreg:$0xb] =	wrdreg s26;
	s25 =	simm.s32 $0x2  }
0x17: {  	s26 =	simm.s32 $0x3;
	s9 =	simm.s32 $0x2700;
	[dreg:$0x7] =	wrdreg s24  }
0x18: {  	[dreg:$0x8] =	wrdreg s0;
	s24 =	simm.s32 $0x1;
	s0 =	simm.s32 $0x8  }
.LBB2_1:
0x19: {  	s8 =	rddreg [dreg:$0x5]  }
0x1a: {  	[spmem:s13], [sflag:s12] =	dma.local [hbm:s8], $0x13C0  }
0x1b: {  	_ =	swait.ge [sflag:s14], $0x13C0  }
0x1c: {  	[sflag:s14] =	ssyncset.done $0x0;
	s13 =	rddreg [dreg:$0x7]  }
0x1d: {  	s15 =	rddreg [dreg:$0xb];
	[sflag:s14] =	ssyncadd.s32 $0xFFFFEC40  }
0x1e: {  	[spmem:s15], [sflag:s12] =	dma.local [hbm:s13], $0x1388  }
0x1f: {  	_ =	swait.ge [sflag:s14], $0x1388  }
0x20: {  	[sflag:s14] =	ssyncset.done $0x0  }
0x21: {  	[sflag:s14] =	ssyncadd.s32 $0xFFFFEC78  }
0x22: {  	s12 =	simm.s32 $0x0;
	[bflag:$0x0] =	sbarrier.arrive $0xFFFF  }
.LBB2_2:
0x23: {  	s13 =	smul.u32 $0x28, s12;
	_ =	sdelay $0x1  }
0x24: {  	s13 =	sadd.s32 s10, s13  }
0x25: {  	s13 =	sshll.u32 s13, $0x4  }
0x26: {  	s8 =	simm.s32 $0x0;
	s15 =	sadd.s32 s5, s13  }
0x27: {  	[tilespmem:s8], [sflag:$0x9] =	stream.linear.gather [hbm4b:s15+s8], $0x1400, $0x38;
	[tilespmem:$0x1E240] =	vst v63  }
0x28: {  	_ =	swait.ge [sflag:s14], $0x1400  }
0x29: {  	[sflag:s14] =	ssyncset.done $0x0  }
0x2a: {  	s13 =	sadd.s32 s6, s13;
	[sflag:s14] =	ssyncadd.s32 $0xFFFFEC00  }
0x2b: {  	[tilespmem:s16], [sflag:$0x9] =	stream.linear.gather [hbm4b:s13+s8], $0x1400, $0x38;
	[tilespmem:$0x1E240] =	vst v63  }
0x2c: {  	_ =	swait.ge [sflag:s14], $0x1400  }
0x2d: {  	[sflag:s14] =	ssyncset.done $0x0  }
0x2e: {  	[sflag:s14] =	ssyncadd.s32 $0xFFFFEC00  }
0x2f: {  	[tilespmem:s18], [sflag:$0x1] =	stream.indirect.gather [spmem:s3], $0x40, s8, s17, $0xb8;
	[tilespmem:$0x1E240] =	vst v63  }
0x30: {  	_ = 	snop  }
0x31: {  	[tilespmem:s19], [sflag:$0x2] =	stream.indirect.gather [spmem:s3], $0x40, s17, s17, $0xb8;
	[tilespmem:$0x1E240] =	vst v63  }
0x32: {  	_ = 	snop  }
0x33: {  	[tilespmem:s21], [sflag:$0x3] =	stream.indirect.gather [spmem:s3], $0x40, s20, s17, $0xb8;
	[tilespmem:$0x1E240] =	vst v63  }
0x34: {  	_ = 	snop  }
0x35: {  	[tilespmem:s23], [sflag:$0x4] =	stream.indirect.gather [spmem:s3], $0x40, s22, s17, $0xb8;
	[tilespmem:$0x1E240] =	vst v63  }
0x36: {  	_ =	swait.ge [sflag:s24], $0x2000  }
0x37: {  	[sflag:s24] =	ssyncset.done $0x0  }
0x38: {  	s15 =	simm.s32 $0x1400;
	[sflag:s24] =	ssyncadd.s32 $0xFFFFE000  }
0x39: {  	[spmem:s2] =	stream.indirect.scatter.add.f32 [tilespmem:s18], [sflag:$0x5], $0x40, s15, s17, $0xb8;
	[tilespmem:$0x1E240] =	vst v63  }
0x3a: {  	_ =	swait.ge [sflag:s25], $0x2000  }
0x3b: {  	[sflag:s25] =	ssyncset.done $0x0  }
0x3c: {  	s13 =	simm.s32 $0x1480;
	[sflag:s25] =	ssyncadd.s32 $0xFFFFE000  }
0x3d: {  	[spmem:s2] =	stream.indirect.scatter.add.f32 [tilespmem:s19], [sflag:$0x6], $0x40, s13, s17, $0xb8;
	[tilespmem:$0x1E240] =	vst v63  }
0x3e: {  	_ =	swait.ge [sflag:s26], $0x2000  }
0x3f: {  	[sflag:s26] =	ssyncset.done $0x0  }
0x40: {  	s15 =	simm.s32 $0x1500;
	[sflag:s26] =	ssyncadd.s32 $0xFFFFE000  }
0x41: {  	[spmem:s2] =	stream.indirect.scatter.add.f32 [tilespmem:s21], [sflag:$0x7], $0x40, s15, s17, $0xb8;
	[tilespmem:$0x1E240] =	vst v63  }
0x42: {  	_ =	swait.ge [sflag:s28], $0x2000  }
0x43: {  	[sflag:s28] =	ssyncset.done $0x0  }
0x44: {  	s13 =	simm.s32 $0x1580;
	[sflag:s28] =	ssyncadd.s32 $0xFFFFE000  }
0x45: {  	[spmem:s2] =	stream.indirect.scatter.add.f32 [tilespmem:s23], [sflag:$0x8], $0x40, s13, s17, $0xb8;
	[tilespmem:$0x1E240] =	vst v63  }
0x46: {  	_ =	swait.ge [sflag:s29], $0x2000  }
0x47: {  	[sflag:s29] =	ssyncset.done $0x0  }
0x48: {  	s15 =	simm.s32 $0x200;
	[sflag:s29] =	ssyncadd.s32 $0xFFFFE000  }
0x49: {  	[tilespmem:s18], [sflag:$0x1] =	stream.indirect.gather [spmem:s3], $0x40, s15, s17, $0xb8;
	[tilespmem:$0x1E240] =	vst v63  }
0x4a: {  	_ =	swait.ge [sflag:s30], $0x2000  }
0x4b: {  	[sflag:s30] =	ssyncset.done $0x0  }
0x4c: {  	s13 =	simm.s32 $0x280;
	[sflag:s30] =	ssyncadd.s32 $0xFFFFE000  }
0x4d: {  	[tilespmem:s19], [sflag:$0x2] =	stream.indirect.gather [spmem:s3], $0x40, s13, s17, $0xb8;
	[tilespmem:$0x1E240] =	vst v63  }
0x4e: {  	_ =	swait.ge [sflag:s31], $0x2000  }
0x4f: {  	[sflag:s31] =	ssyncset.done $0x0  }
0x50: {  	s15 =	simm.s32 $0x300;
	[sflag:s31] =	ssyncadd.s32 $0xFFFFE000  }
0x51: {  	[tilespmem:s21], [sflag:$0x3] =	stream.indirect.gather [spmem:s3], $0x40, s15, s17, $0xb8;
	[tilespmem:$0x1E240] =	vst v63  }
0x52: {  	_ =	swait.ge [sflag:s0], $0x2000  }
0x53: {  	[sflag:s0] =	ssyncset.done $0x0  }
0x54: {  	s13 =	simm.s32 $0x380;
	s15 =	simm.s32 $0x800;
	[sflag:s0] =	ssyncadd.s32 $0xFFFFE000  }
.LBB2_3:
0x55: {  	[tilespmem:s23], [sflag:$0x4] =	stream.indirect.gather [spmem:s3], $0x40, s13, s17, $0xb8;
	[tilespmem:$0x1E240] =	vst v63  }
0x56: {  	s8 =	smov.u32 s15  }
0x57: {  	p0 =	sne.s32 s15, $0x4000;
	s15 =	sadd.s32 $0x800, s15;
	_ =	swait.ge [sflag:s24], $0x2000  }
0x58: {  	s13 =	sshra.s32 s8, $0x2;
	[sflag:s24] =	ssyncset.done $0x0  }
0x59: {  	s8 =	sadd.s32 $0x1400, s13;
	[sflag:s24] =	ssyncadd.s32 $0xFFFFE000  }
0x5a: {  	[spmem:s2] =	stream.indirect.scatter.add.f32 [tilespmem:s18], [sflag:$0x5], $0x40, s8, s17, $0xb8;
	[tilespmem:$0x1E240] =	vst v63  }
0x5b: {  	_ =	swait.ge [sflag:s25], $0x2000  }
0x5c: {  	[sflag:s25] =	ssyncset.done $0x0  }
0x5d: {  	s8 =	sadd.s32 $0x1480, s13;
	[sflag:s25] =	ssyncadd.s32 $0xFFFFE000  }
0x5e: {  	[spmem:s2] =	stream.indirect.scatter.add.f32 [tilespmem:s19], [sflag:$0x6], $0x40, s8, s17, $0xb8;
	[tilespmem:$0x1E240] =	vst v63  }
0x5f: {  	_ =	swait.ge [sflag:s26], $0x2000  }
0x60: {  	[sflag:s26] =	ssyncset.done $0x0  }
0x61: {  	s8 =	sadd.s32 $0x1500, s13;
	[sflag:s26] =	ssyncadd.s32 $0xFFFFE000  }
0x62: {  	[spmem:s2] =	stream.indirect.scatter.add.f32 [tilespmem:s21], [sflag:$0x7], $0x40, s8, s17, $0xb8;
	[tilespmem:$0x1E240] =	vst v63  }
0x63: {  	_ =	swait.ge [sflag:s28], $0x2000  }
0x64: {  	[sflag:s28] =	ssyncset.done $0x0  }
0x65: {  	s8 =	sadd.s32 $0x1580, s13;
	[sflag:s28] =	ssyncadd.s32 $0xFFFFE000  }
0x66: {  	[spmem:s2] =	stream.indirect.scatter.add.f32 [tilespmem:s23], [sflag:$0x8], $0x40, s8, s17, $0xb8;
	[tilespmem:$0x1E240] =	vst v63  }
0x67: {  	_ =	swait.ge [sflag:s29], $0x2000  }
0x68: {  	[sflag:s29] =	ssyncset.done $0x0  }
0x69: {  	s8 =	sadd.s32 $0x200, s13;
	[sflag:s29] =	ssyncadd.s32 $0xFFFFE000  }
0x6a: {  	[tilespmem:s18], [sflag:$0x1] =	stream.indirect.gather [spmem:s3], $0x40, s8, s17, $0xb8;
	[tilespmem:$0x1E240] =	vst v63  }
0x6b: {  	_ =	swait.ge [sflag:s30], $0x2000  }
0x6c: {  	[sflag:s30] =	ssyncset.done $0x0  }
0x6d: {  	s8 =	sadd.s32 $0x280, s13;
	[sflag:s30] =	ssyncadd.s32 $0xFFFFE000  }
0x6e: {  	[tilespmem:s19], [sflag:$0x2] =	stream.indirect.gather [spmem:s3], $0x40, s8, s17, $0xb8;
	[tilespmem:$0x1E240] =	vst v63  }
0x6f: {  	_ =	swait.ge [sflag:s31], $0x2000  }
0x70: {  	[sflag:s31] =	ssyncset.done $0x0  }
.Ltmp0:
0x71: {  	s8 =	sadd.s32 $0x300, s13;
	[sflag:s31] =	ssyncadd.s32 $0xFFFFE000;
	(pc) =	sbr.rel @p0 .LBB2_3-.Ltmp0, $4  }
0x72: {  	[tilespmem:s21], [sflag:$0x3] =	stream.indirect.gather [spmem:s3], $0x40, s8, s17, $0xb8;
	[tilespmem:$0x1E240] =	vst v63  }
0x73: {  	_ =	swait.ge [sflag:s0], $0x2000  }
0x74: {  	[sflag:s0] =	ssyncset.done $0x0  }
0x75: {  	s13 =	sadd.s32 $0x380, s13;
	[sflag:s0] =	ssyncadd.s32 $0xFFFFE000  }
0x76: {  	[tilespmem:s23], [sflag:$0x4] =	stream.indirect.gather [spmem:s3], $0x40, s13, s17, $0xb8;
	[tilespmem:$0x1E240] =	vst v63  }
0x77: {  	_ =	swait.ge [sflag:s24], $0x2000  }
0x78: {  	[sflag:s24] =	ssyncset.done $0x0  }
0x79: {  	[sflag:s24] =	ssyncadd.s32 $0xFFFFE000  }
0x7a: {  	[spmem:s2] =	stream.indirect.scatter.add.f32 [tilespmem:s18], [sflag:$0x5], $0x40, s1, s17, $0xb8;
	[tilespmem:$0x1E240] =	vst v63  }
0x7b: {  	_ =	swait.ge [sflag:s25], $0x2000  }
0x7c: {  	[sflag:s25] =	ssyncset.done $0x0  }
0x7d: {  	[sflag:s25] =	ssyncadd.s32 $0xFFFFE000  }
0x7e: {  	[spmem:s2] =	stream.indirect.scatter.add.f32 [tilespmem:s19], [sflag:$0x6], $0x40, s7, s17, $0xb8;
	[tilespmem:$0x1E240] =	vst v63  }
0x7f: {  	_ =	swait.ge [sflag:s26], $0x2000  }
0x80: {  	[sflag:s26] =	ssyncset.done $0x0  }
0x81: {  	[sflag:s26] =	ssyncadd.s32 $0xFFFFE000  }
0x82: {  	[spmem:s2] =	stream.indirect.scatter.add.f32 [tilespmem:s21], [sflag:$0x7], $0x40, s9, s17, $0xb8;
	[tilespmem:$0x1E240] =	vst v63  }
0x83: {  	_ =	swait.ge [sflag:s28], $0x2000  }
0x84: {  	[sflag:s28] =	ssyncset.done $0x0  }
0x85: {  	[sflag:s28] =	ssyncadd.s32 $0xFFFFE000  }
0x86: {  	[spmem:s2] =	stream.indirect.scatter.add.f32 [tilespmem:s23], [sflag:$0x8], $0x40, s11, s17, $0xb8;
	[tilespmem:$0x1E240] =	vst v63  }
0x87: {  	_ =	swait.ge [sflag:s29], $0x2000  }
0x88: {  	[sflag:s29] =	ssyncset.done $0x0  }
0x89: {  	[sflag:s29] =	ssyncadd.s32 $0xFFFFE000  }
0x8a: {  	_ =	swait.ge [sflag:s30], $0x2000  }
0x8b: {  	[sflag:s30] =	ssyncset.done $0x0  }
0x8c: {  	s12 =	sadd.s32 $0x1, s12;
	[sflag:s30] =	ssyncadd.s32 $0xFFFFE000  }
0x8d: {  	p0 =	sne.s32 s12, $0x4;
	_ =	swait.ge [sflag:s31], $0x2000  }
.Ltmp1:
0x8e: {  	[sflag:s31] =	ssyncset.done $0x0;
	(pc) =	sbr.rel @p0 .LBB2_2-.Ltmp1, $4  }
0x8f: {  	[sflag:s31] =	ssyncadd.s32 $0xFFFFE000  }
0x90: {  	_ =	swait.ge [sflag:s0], $0x2000  }
0x91: {  	[sflag:s0] =	ssyncset.done $0x0  }
0x92: {  	[sflag:s0] =	ssyncadd.s32 $0xFFFFE000  }
0x93: {  	[bflag:$0x0] =	sbarrier.arrive $0xFFFF  }
0x94: {  	s12 =	rddreg [dreg:$0x6]  }
0x95: {  	s8 =	rddreg [dreg:$0x8]  }
0x96: {  	s13 =	rddreg [dreg:$0xa]  }
0x97: {  	[hbm:s8], [sflag:s12] =	dma.local [spmem:s13], $0x13C0  }
0x98: {  	_ =	swait.ge [sflag:s14], $0x13C0  }
0x99: {  	s4 =	sadd.s32 $0x1, s4;
	s15 =	rddreg [dreg:$0x9]  }
0x9a: {  	p0 =	sne.s32 s4, s15  }
.Ltmp2:
0x9b: {  	_ = 	snop;
	(pc) =	sbr.rel @p0 .LBB2_1-.Ltmp2, $3  }
0x9c: {  	_ =	sdelay $0x1  }
0x9d: {  	[sflag:s14] =	ssyncset.done $0x0  }
0x9e: {  	[sflag:s14] =	ssyncadd.s32 $0xFFFFEC40  }
0x9f: {  	_ =	sfence.sel $0x180000  }
0xa0: {  	[bflag:$0x0] =	sbarrier.arrive $0xFFFF  }
0xa1: {  	_ =	strace $0x9000004A  }
0xa2: {  	s0 =	stileid.u32;
	[bflag:$0x2] =	sbarrier.arrive $0xFFFF  }
0xa3: {  	p0 =	sne.s32 s0, $0x0;
	s0 =	rddreg [dreg:$0x4]  }
0xa4: {  	s0 =	sadd.s32 @!p0 $0x100000, s0  }
0xa5: {  	[sflag:s0] =	ssyncadd.tile.s32 @!p0 $0x1;
	_ =	shalt  }
.Lfunc_end2:
_tile_overlayer_lowered:
.L_overlay_start_2:
0xa6: {  	(tag) =	ssettag $0x2  }
0xa7: {  	s0 =	rddreg [dreg:$0x0];
	s2 =	stileid.u32  }
0xa8: {  	s1 =	rddreg [dreg:$0x1];
	p0 =	sne.s32 s2, $0x0  }
0xa9: {  	s3 =	rddreg [dreg:$0x2];
	[bflag:$0x3] =	sbarrier.arrive $0xFFFF;
	s2 =	simm.s32 @!p0 $0x1C09  }
0xaa: {  	[timem:s3], [sflag:s2] =	dma.local @!p0 [hbm:s0], s1  }
0xab: {  	s0 =	simm.s32 @!p0 $0x9  }
0xac: {  	_ =	swait.ge @!p0 [sflag:s0], s1  }
0xad: {  	s1 =	ssub.s32 @!p0 $0x0, s1;
	[sflag:s0] =	ssyncset.done @!p0 $0x0  }
0xae: {  	[sflag:s0] =	ssyncadd.s32 @!p0 s1  }
0xaf: {  	[bflag:$0x3] =	sbarrier.arrive $0xFFFF  }
0xb0: {  	_ =	shalt  }

// kernel: kernel.14.cloned.1.call-start
scs
__scs_entry_jumppad:
0x0: {  	(pc) =	sbr.rel $0x88, $3  }
0x1: {  	(tag) =	ssettag $0x0;
	lr =	simm.s32 $0x1  }
0x2: {  	[smem:$0x3F9B] =	sst lr;
	_ =	strace $0xD0000000  }
0x3: {  	_ = 	snop  }
0x4: {  	_ = 	snop  }
0x5: {  	_ = 	snop  }
0x6: {  	_ = 	snop  }
0x7: {  	_ = 	snop  }
__scs_overlays_trampoline_lowered:
0x8: {  	[smem:$0x3FAA] =	sst s0  }
0x9: {  	[smem:$0x3FAB] =	sst s1  }
0xa: {  	[smem:$0x3FAC] =	sst s2  }
0xb: {  	[smem:$0x3FAD] =	sst s3  }
0xc: {  	[smem:$0x3FAE] =	sst s4  }
0xd: {  	[smem:$0x3FAF] =	sst s5  }
0xe: {  	[smem:$0x3FB0] =	sst s6  }
0xf: {  	[smem:$0x3FB1] =	sst s7  }
0x10: {  	[smem:$0x3FB2] =	sst s8  }
0x11: {  	[smem:$0x3FB3] =	sst s9;
	s0 =	simm.s32 @!p0 $0x0  }
0x12: {  	s1 =	sld [smem:$0x3F99];
	s0 =	simm.s32 @p0 $0x1  }
0x13: {  	[smem:$0x3FB4] =	sst s0;
	s0 =	simm.s32 @!p1 $0x0  }
0x14: {  	s2 =	sld [smem:$0x3F98];
	s0 =	simm.s32 @p1 $0x1  }
0x15: {  	[smem:$0x3FB5] =	sst s0;
	s0 =	simm.s32 @!p2 $0x0  }
0x16: {  	s3 =	sld [smem:$0x3FDB];
	s0 =	simm.s32 @p2 $0x1  }
0x17: {  	s4 =	simm.s32 $0x1BF5;
	[smem:$0x3FB7] =	sst s0  }
0x18: {  	s0 =	sld [smem:$0x3F9A];
	_ =	swait.ge [sflag:s4], $0x0  }
0x19: {  	s7 =	sld [smem:$0x3F9B]  }
0x1a: {  	s8 =	sadd.s32 $0xFFFFE003, lr  }
0x1b: {  	s9 =	sadd.s32 $0xFFFFFEF7, lr;
	s5 =	simm.s32 $0xFFFFFFFF;
	p2 =	slt.u32 s8, $0xFFFFF086  }
0x1c: {  	p1 =	slt.u32 s9, $0xF7A;
	s5 =	simm.s32 @!p2 $0x0  }
0x1d: {  	s5 =	simm.s32 @p1 $0x1;
	p0 =	seq.s32 s7, s2  }
0x1e: {  	s7 =	smul.u32 @!p0 $0xF7A, s2;
	p2 =	seq.s32 @!p0 s5, $0x0  }
0x1f: {  	s9 =	smul.u32 $0xF7A, s1;
	s8 =	simm.s32 @!p0 $0x1BF5;
	p2 =	por !p2, p0  }
0x20: {  	[sflag:s8] =	ssyncset.s32 @!p0 $0xFFFFF086;
	s6 =	sadd.s32 @!p0 s3, s7;
	s7 =	simm.s32 @!p0 $0x108  }
0x21: {  	s3 =	sadd.s32 s3, s9;
	s6 =	sadd.s32 @!p0 $0x88, s6;
	s7 =	simm.s32 @p2 $0x1082  }
0x22: {  	[simem:s7], [sflag:s8] =	dma.local @!p0 [hbm:s6], $0xF7A  }
0x23: {  	s9 =	sor.u32 $0xD0000000, s2;
	s6 =	simm.s32 $0x108;
	_ =	swait.ge @!p0 [sflag:s8], $0x0  }
0x24: {  	s3 =	sadd.s32 $0x88, s3;
	s6 =	simm.s32 @!p1 $0x1082;
	[sflag:s4] =	ssyncset.s32 $0xFFFFF086  }
0x25: {  	[simem:s6], [sflag:s4] =	dma.local [hbm:s3], $0xF7A  }
0x26: {  	[smem:$0x3F9B] =	sst s1;
	(tag) =	ssettag s2;
	_ =	strace s9  }
0x27: {  	s1 =	sld [smem:$0x3FAB]  }
0x28: {  	s2 =	sld [smem:$0x3FAC]  }
0x29: {  	s4 =	sld [smem:$0x3FAE]  }
0x2a: {  	p0 =	seq.s32 s5, $0x0;
	s5 =	sld [smem:$0x3FAF]  }
0x2b: {  	s6 =	sld [smem:$0x3FB0]  }
0x2c: {  	s7 =	sld [smem:$0x3FB1]  }
0x2d: {  	s3 =	simm.s32 $0x108;
	s8 =	sld [smem:$0x3FB2]  }
0x2e: {  	s3 =	simm.s32 @!p0 $0x1082;
	s9 =	sld [smem:$0x3FB3]  }
0x2f: {  	lr =	sadd.s32 s0, s3;
	s0 =	sld [smem:$0x3FAA]  }
0x30: {  	s3 =	sld [smem:$0x3FAD]  }
0x31: {  	[smem:$0x3FB6] =	sst s10  }
0x32: {  	s10 =	sld [smem:$0x3FB4];
	_ =	sdelay $0x3  }
0x33: {  	p0 =	seq.s32 s10, $0x1;
	s10 =	sld [smem:$0x3FB6];
	_ =	sdelay $0x3  }
0x34: {  	[smem:$0x3FB6] =	sst s10  }
0x35: {  	s10 =	sld [smem:$0x3FB5];
	_ =	sdelay $0x3  }
0x36: {  	p1 =	seq.s32 s10, $0x1;
	s10 =	sld [smem:$0x3FB6];
	_ =	sdelay $0x3  }
0x37: {  	[smem:$0x3FB6] =	sst s10  }
0x38: {  	s10 =	sld [smem:$0x3FB7]  }
0x39: {  	_ = 	snop;
	(pc) =	sbr.ind lr, $3  }
0x3a: {  	_ = 	snop  }
0x3b: {  	_ = 	snop  }
0x3c: {  	p2 =	seq.s32 s10, $0x1;
	s10 =	sld [smem:$0x3FB6]  }
0x3d: {  	_ =	shalt  }
0x3e: {  	_ =	shalt  }
0x3f: {  	_ =	shalt  }
0x40: {  	_ =	shalt  }
0x41: {  	_ =	shalt  }
0x42: {  	_ =	shalt  }
0x43: {  	_ =	shalt  }
0x44: {  	_ =	shalt  }
0x45: {  	_ =	shalt  }
0x46: {  	_ =	shalt  }
0x47: {  	_ =	shalt  }
0x48: {  	_ =	shalt  }
0x49: {  	_ =	shalt  }
0x4a: {  	_ =	shalt  }
0x4b: {  	_ =	shalt  }
0x4c: {  	_ =	shalt  }
0x4d: {  	_ =	shalt  }
0x4e: {  	_ =	shalt  }
0x4f: {  	_ =	shalt  }
0x50: {  	_ =	shalt  }
0x51: {  	_ =	shalt  }
0x52: {  	_ =	shalt  }
0x53: {  	_ =	shalt  }
0x54: {  	_ =	shalt  }
0x55: {  	_ =	shalt  }
0x56: {  	_ =	shalt  }
0x57: {  	_ =	shalt  }
0x58: {  	_ =	shalt  }
0x59: {  	_ =	shalt  }
0x5a: {  	_ =	shalt  }
0x5b: {  	_ =	shalt  }
0x5c: {  	_ =	shalt  }
0x5d: {  	_ =	shalt  }
0x5e: {  	_ =	shalt  }
0x5f: {  	_ =	shalt  }
0x60: {  	_ =	shalt  }
0x61: {  	_ =	shalt  }
0x62: {  	_ =	shalt  }
0x63: {  	_ =	shalt  }
0x64: {  	_ =	shalt  }
0x65: {  	_ =	shalt  }
0x66: {  	_ =	shalt  }
0x67: {  	_ =	shalt  }
0x68: {  	_ =	shalt  }
0x69: {  	_ =	shalt  }
0x6a: {  	_ =	shalt  }
0x6b: {  	_ =	shalt  }
0x6c: {  	_ =	shalt  }
0x6d: {  	_ =	shalt  }
0x6e: {  	_ =	shalt  }
0x6f: {  	_ =	shalt  }
0x70: {  	_ =	shalt  }
0x71: {  	_ =	shalt  }
0x72: {  	_ =	shalt  }
0x73: {  	_ =	shalt  }
0x74: {  	_ =	shalt  }
0x75: {  	_ =	shalt  }
0x76: {  	_ =	shalt  }
0x77: {  	_ =	shalt  }
0x78: {  	_ =	shalt  }
0x79: {  	_ =	shalt  }
0x7a: {  	_ =	shalt  }
0x7b: {  	_ =	shalt  }
0x7c: {  	_ =	shalt  }
0x7d: {  	_ =	shalt  }
0x7e: {  	_ =	shalt  }
0x7f: {  	_ =	shalt  }
0x80: {  	_ =	shalt  }
0x81: {  	_ =	shalt  }
0x82: {  	_ =	shalt  }
0x83: {  	_ =	shalt  }
0x84: {  	_ =	shalt  }
0x85: {  	_ =	shalt  }
0x86: {  	_ =	shalt  }
0x87: {  	_ =	shalt  }
.Lfunc_end0:
.L_simem_size_0:
called_computation.2_lowered:
.L_overlay_start_0:
0x88: {  	s2 =	sld [smem:$0x3FD9]  }
0x89: {  	s3 =	sld [smem:$0x3FFE];
	_ =	sdelay $0x1  }
0x8a: {  	s1 =	srdreg.scid  }
0x8b: {  	s0 =	sand.u32 $0x1, s1  }
0x8c: {  	s17 =	sshll.u32 s0, $0xA;
	s2 =	sadd.s32 s3, s2  }
0x8d: {  	s2 =	sadd.s32 s2, s17  }
0x8e: {  	[smem:$0x3FC2] =	sst s2  }
0x8f: {  	_ = 	snop  }
0x90: {  	s2 =	sld [smem:$0x3FD0];
	(tm) =	ssettm $0x1  }
0x91: {  	s18 =	sld [smem:$0x3FFB];
	_ =	sdelay $0x3  }
0x92: {  	_ =	strace s18  }
0x93: {  	s3 =	sld [smem:$0x3FFC];
	_ =	sdelay $0x3  }
0x94: {  	_ =	strace s3  }
0x95: {  	s3 =	sld [smem:$0x3FFD];
	_ =	sdelay $0x3  }
0x96: {  	_ =	strace s3  }
0x97: {  	_ =	strace $0x8FFFFFFF  }
0x98: {  	s19 =	sld [smem:$0x3FDB];
	_ =	sdelay $0x1  }
0x99: {  	s4 =	simm.s32 $_scs_section_size  }
0x9a: {  	s5 =	simm.s32 $_size__tile_overlayer_lowered;
	s6 =	simm.s32 $_tile_overlayer_lowered  }
0x9b: {  	s22 =	simm.s32 $0x1BFF;
	s21 =	sshll.u32 s6, $0x1;
	s3 =	sadd.s32 s4, s19  }
0x9c: {  	s7 =	simm.s32 $0x0;
	s20 =	sshll.u32 s5, $0x1;
	s5 =	sadd.s32 s21, s3  }
0x9d: {  	[timem:s7], [sflag:s22] =	dma.local [hbm:s5], s20  }
0x9e: {  	_ =	swait.ge [sflag:s22], s20  }
0x9f: {  	s4 =	ssub.s32 $0x0, s20;
	[sflag:s22] =	ssyncset.done $0x0  }
0xa0: {  	[sflag:s22] =	ssyncadd.s32 s4;
	_ =	sdelay $0x1  }
0xa1: {  	s23 =	simm.s32 $0x1B8B  }
0xa2: {  	_ =	swait.ge [sflag:s23], $0x1  }
0xa3: {  	[sflag:s23] =	ssyncset.done $0x0  }
0xa4: {  	s25 =	simm.s32 $0x1B8E;
	s24 =	sld [smem:$0x3FFE];
	[sflag:s23] =	ssyncadd.s32 $0xFFFFFFFF  }
0xa5: {  	s26 =	simm.s32 $execute0_lowered;
	[smem:$0x3FD2] =	sst s25  }
0xa6: {  	s5 =	sshll.u32 s26, $0x1;
	_ =	strace $0x8000004C;
	[dreg:$0x1] =	wrdreg $0xFFFFFFFF  }
0xa7: {  	s28 =	simm.s32 $_size_execute0_lowered;
	s3 =	sadd.s32 s3, s5;
	[dreg:$0x0] =	wrdreg $0x0  }
0xa8: {  	s5 =	sshll.u32 s28, $0x1;
	[dreg:$0x2] =	wrdreg s3  }
0xa9: {  	[dreg:$0x3] =	wrdreg s5  }
0xaa: {  	[dreg:$0x4] =	wrdreg $0xC0  }
0xab: {  	_ =	task [dreg:s7], $0x5FFFF  }
0xac: {  	[dreg:$0x1] =	wrdreg $0xFFFFFFFF  }
0xad: {  	[dreg:$0x0] =	wrdreg $0x60  }
0xae: {  	[dreg:$0x2] =	wrdreg s24  }
0xaf: {  	[dreg:$0x3] =	wrdreg s2  }
0xb0: {  	[dreg:$0x4] =	wrdreg $0xA8000  }
0xb1: {  	[dreg:$0x5] =	wrdreg $0x146000  }
0xb2: {  	[dreg:$0x6] =	wrdreg $0x9  }
0xb3: {  	_ =	task.clear_ibuf [dreg:s7], $0x7FFFF;
	_ =	strace $0x9000004C  }
0xb4: {  	s29 =	simm.s32 $0x9;
	_ =	strace $0x8000004E  }
0xb5: {  	_ =	swait.ge [sflag:s29], $0x1  }
0xb6: {  	[sflag:s29] =	ssyncadd.s32 $0xFFFFFFFF  }
0xb7: {  	_ =	strace $0x9000004E  }
0xb8: {  	_ =	sfence  }
0xb9: {  	s30 =	sld [smem:$0x0];
	_ =	sdelay $0x2  }
0xba: {  	s31 =	sshll.u32 s1, $0xD;
	s1 =	sshrl.u32 s1, $0x2  }
0xbb: {  	s3 =	sand.u32 $0x4000, s31;
	s1 =	sadd.s32 s1, s30  }
0xbc: {  	s0 =	sor.u32 s3, s0;
	s1 =	sshll.u32 s1, $0x11  }
0xbd: {  	s0 =	sor.u32 s1, s0  }
0xbe: {  	s0 =	sadd.s32 $0x8F2B, s0  }
0xbf: {  	[sflag:s0] =	ssyncadd.remote.s32 $0x1  }
0xc0: {  	_ =	sfence.sel $0xFFFF  }
0xc1: {  	[dreg:$0x0] =	wrdreg $0xFFFFFFFF;
	(pc) =	sbr.abs _section_cstart, $3  }
0xc2: {  	[dreg:$0x1] =	wrdreg $0xFFFFFFFF  }
0xc3: {  	_ =	task.clear_ibuf [dreg:s7], $0x2FFFF;
	_ =	strace $0x9FFFFFFF  }
0xc4: {  	(tm) =	ssettm $0x7FFFFFFF  }
0xc5: {  	_ =	shalt  }
tec
execute0_lowered:
.L_overlay_start_1:
0x0: {  	(tag) =	ssettag $0x1  }
0x1: {  	s0 =	rddreg [dreg:$0x0]  }
0x2: {  	s1 =	rddreg [dreg:$0x1]  }
0x3: {  	s2 =	rddreg [dreg:$0x2]  }
0x4: {  	s3 =	rddreg [dreg:$0x3]  }
0x5: {  	s14 =	stileid.u32;
	s5 =	srdreg.scid;
	s4 =	simm.s32 $0x0  }
0x6: {  	s16 =	simm.s32 $0x1400;
	s17 =	simm.s32 $0x80;
	s7 =	smul.u32 $0x9C40, s14  }
0x7: {  	s28 =	simm.s32 $0x4;
	s29 =	simm.s32 $0x5;
	s6 =	smul.u32 $0x13C0, s14  }
0x8: {  	s30 =	simm.s32 $0x6;
	s31 =	simm.s32 $0x7;
	s12 =	smul.u32 $0x9E00, s14  }
0x9: {  	s8 =	sand.u32 $0x1, s5;
	s22 =	sshll.u32 s14, $0x6;
	s14 =	smul.u32 $0x50, s14  }
0xa: {  	[smem:$0x7FF] =	sst s4;
	s5 =	sadd.s32 $0x11200, s0;
	s9 =	smul.u32 $0x13C00, s8  }
0xb: {  	_ =	strace $0x8000004D;
	s11 =	ssub.s32 $0x2, s8;
	s13 =	smul.u32 $0x500, s8  }
0xc: {  	s8 =	sor.u32 $0x1C09, s22;
	s22 =	simm.s32 $0x180;
	s18 =	sshrl.u32 s7, $0x3  }
0xd: {  	s19 =	sshrl.u32 s11, $0x1;
	s20 =	sadd.s32 s12, s2;
	s21 =	sshrl.u32 s12, $0x3  }
0xe: {  	s23 =	sadd.s32 s7, s3;
	s7 =	simm.s32 $0x2680;
	s10 =	sadd.s32 s18, s0  }
0xf: {  	s9 =	sadd.s32 s6, s9;
	s6 =	sadd.s32 $0x2000, s0;
	s1 =	sadd.s32 s1, s21  }
0x10: {  	s26 =	sshrl.u32 s23, $0x3;
	s18 =	simm.s32 $0x2800;
	s21 =	simm.s32 $0x6800  }
0x11: {  	s23 =	simm.s32 $0x8800;
	s0 =	sadd.s32 s9, s0;
	s9 =	ssub.s32 s11, s19  }
0x12: {  	[dreg:$0x5] =	wrdreg s1;
	s24 =	sadd.s32 $0x42400, s10;
	s10 =	sadd.s32 s14, s13  }
0x13: {  	s13 =	sshrl.u32 s20, $0x3;
	s14 =	simm.s32 $0x9;
	[dreg:$0xa] =	wrdreg s26  }
0x14: {  	s19 =	simm.s32 $0x4800;
	s20 =	simm.s32 $0x100;
	s26 =	simm.s32 $0x3  }
0x15: {  	s1 =	simm.s32 $0x2600;
	s11 =	simm.s32 $0x2780;
	[dreg:$0x6] =	wrdreg s24  }
0x16: {  	s0 =	sadd.s32 $0x55E00, s0;
	s25 =	smax.u32 s9, $0x1;
	[dreg:$0x9] =	wrdreg s13  }
0x17: {  	s24 =	simm.s32 $0x1;
	s9 =	simm.s32 $0x2700;
	[dreg:$0x7] =	wrdreg s0  }
0x18: {  	[dreg:$0x8] =	wrdreg s25;
	s25 =	simm.s32 $0x2;
	s0 =	simm.s32 $0x8  }
.LBB2_1:
0x19: {  	s12 =	rddreg [dreg:$0x5]  }
0x1a: {  	[spmem:s13], [sflag:s8] =	dma.local [hbm:s12], $0x13C0  }
0x1b: {  	_ =	swait.ge [sflag:s14], $0x13C0  }
0x1c: {  	[sflag:s14] =	ssyncset.done $0x0;
	s13 =	rddreg [dreg:$0x6]  }
0x1d: {  	s15 =	rddreg [dreg:$0xa];
	[sflag:s14] =	ssyncadd.s32 $0xFFFFEC40  }
0x1e: {  	[spmem:s15], [sflag:s8] =	dma.local [hbm:s13], $0x1388  }
0x1f: {  	_ =	swait.ge [sflag:s14], $0x1388  }
0x20: {  	[sflag:s14] =	ssyncset.done $0x0  }
0x21: {  	[sflag:s14] =	ssyncadd.s32 $0xFFFFEC78  }
0x22: {  	p1 =	por $0x1, $0x1;
	s12 =	simm.s32 $0x0;
	[bflag:$0x0] =	sbarrier.arrive $0xFFFF  }
.LBB2_2:
0x23: {  	s12 =	sadd.s32 s12, s10  }
0x24: {  	s12 =	sshll.u32 s12, $0x4  }
0x25: {  	s13 =	simm.s32 $0x0;
	s15 =	sadd.s32 s5, s12  }
0x26: {  	[tilespmem:s13], [sflag:$0x9] =	stream.linear.gather [hbm4b:s15+s13], $0x1400, $0x38;
	[tilespmem:$0x1E240] =	vst v63  }
0x27: {  	_ =	swait.ge [sflag:s14], $0x1400  }
0x28: {  	[sflag:s14] =	ssyncset.done $0x0  }
0x29: {  	s12 =	sadd.s32 s6, s12;
	[sflag:s14] =	ssyncadd.s32 $0xFFFFEC00  }
0x2a: {  	[tilespmem:s16], [sflag:$0x9] =	stream.linear.gather [hbm4b:s12+s13], $0x1400, $0x38;
	[tilespmem:$0x1E240] =	vst v63  }
0x2b: {  	_ =	swait.ge [sflag:s14], $0x1400  }
0x2c: {  	[sflag:s14] =	ssyncset.done $0x0  }
0x2d: {  	[sflag:s14] =	ssyncadd.s32 $0xFFFFEC00  }
0x2e: {  	[tilespmem:s18], [sflag:$0x1] =	stream.indirect.gather [spmem:s3], $0x40, s13, s17, $0xb8;
	[tilespmem:$0x1E240] =	vst v63  }
0x2f: {  	_ = 	snop  }
0x30: {  	[tilespmem:s19], [sflag:$0x2] =	stream.indirect.gather [spmem:s3], $0x40, s17, s17, $0xb8;
	[tilespmem:$0x1E240] =	vst v63  }
0x31: {  	_ = 	snop  }
0x32: {  	[tilespmem:s21], [sflag:$0x3] =	stream.indirect.gather [spmem:s3], $0x40, s20, s17, $0xb8;
	[tilespmem:$0x1E240] =	vst v63  }
0x33: {  	_ = 	snop  }
0x34: {  	[tilespmem:s23], [sflag:$0x4] =	stream.indirect.gather [spmem:s3], $0x40, s22, s17, $0xb8;
	[tilespmem:$0x1E240] =	vst v63  }
0x35: {  	_ =	swait.ge [sflag:s24], $0x2000  }
0x36: {  	[sflag:s24] =	ssyncset.done $0x0  }
0x37: {  	s15 =	simm.s32 $0x1400;
	[sflag:s24] =	ssyncadd.s32 $0xFFFFE000  }
0x38: {  	[spmem:s2] =	stream.indirect.scatter.add.f32 [tilespmem:s18], [sflag:$0x5], $0x40, s15, s17, $0xb8;
	[tilespmem:$0x1E240] =	vst v63  }
0x39: {  	_ =	swait.ge [sflag:s25], $0x2000  }
0x3a: {  	[sflag:s25] =	ssyncset.done $0x0  }
0x3b: {  	s13 =	simm.s32 $0x1480;
	[sflag:s25] =	ssyncadd.s32 $0xFFFFE000  }
0x3c: {  	[spmem:s2] =	stream.indirect.scatter.add.f32 [tilespmem:s19], [sflag:$0x6], $0x40, s13, s17, $0xb8;
	[tilespmem:$0x1E240] =	vst v63  }
0x3d: {  	_ =	swait.ge [sflag:s26], $0x2000  }
0x3e: {  	[sflag:s26] =	ssyncset.done $0x0  }
0x3f: {  	s15 =	simm.s32 $0x1500;
	[sflag:s26] =	ssyncadd.s32 $0xFFFFE000  }
0x40: {  	[spmem:s2] =	stream.indirect.scatter.add.f32 [tilespmem:s21], [sflag:$0x7], $0x40, s15, s17, $0xb8;
	[tilespmem:$0x1E240] =	vst v63  }
0x41: {  	_ =	swait.ge [sflag:s28], $0x2000  }
0x42: {  	[sflag:s28] =	ssyncset.done $0x0  }
0x43: {  	s13 =	simm.s32 $0x1580;
	[sflag:s28] =	ssyncadd.s32 $0xFFFFE000  }
0x44: {  	[spmem:s2] =	stream.indirect.scatter.add.f32 [tilespmem:s23], [sflag:$0x8], $0x40, s13, s17, $0xb8;
	[tilespmem:$0x1E240] =	vst v63  }
0x45: {  	_ =	swait.ge [sflag:s29], $0x2000  }
0x46: {  	[sflag:s29] =	ssyncset.done $0x0  }
0x47: {  	s15 =	simm.s32 $0x200;
	[sflag:s29] =	ssyncadd.s32 $0xFFFFE000  }
0x48: {  	[tilespmem:s18], [sflag:$0x1] =	stream.indirect.gather [spmem:s3], $0x40, s15, s17, $0xb8;
	[tilespmem:$0x1E240] =	vst v63  }
0x49: {  	_ =	swait.ge [sflag:s30], $0x2000  }
0x4a: {  	[sflag:s30] =	ssyncset.done $0x0  }
0x4b: {  	s13 =	simm.s32 $0x280;
	[sflag:s30] =	ssyncadd.s32 $0xFFFFE000  }
0x4c: {  	[tilespmem:s19], [sflag:$0x2] =	stream.indirect.gather [spmem:s3], $0x40, s13, s17, $0xb8;
	[tilespmem:$0x1E240] =	vst v63  }
0x4d: {  	_ =	swait.ge [sflag:s31], $0x2000  }
0x4e: {  	[sflag:s31] =	ssyncset.done $0x0  }
0x4f: {  	s15 =	simm.s32 $0x300;
	[sflag:s31] =	ssyncadd.s32 $0xFFFFE000  }
0x50: {  	[tilespmem:s21], [sflag:$0x3] =	stream.indirect.gather [spmem:s3], $0x40, s15, s17, $0xb8;
	[tilespmem:$0x1E240] =	vst v63  }
0x51: {  	_ =	swait.ge [sflag:s0], $0x2000  }
0x52: {  	p0 =	por p1, p1;
	[sflag:s0] =	ssyncset.done $0x0  }
0x53: {  	s12 =	simm.s32 $0x800;
	s15 =	simm.s32 $0x380;
	[sflag:s0] =	ssyncadd.s32 $0xFFFFE000  }
.LBB2_3:
0x54: {  	[tilespmem:s23], [sflag:$0x4] =	stream.indirect.gather [spmem:s3], $0x40, s15, s17, $0xb8;
	[tilespmem:$0x1E240] =	vst v63  }
0x55: {  	s13 =	smov.u32 s12  }
0x56: {  	p1 =	sne.s32 s12, $0x4000;
	s12 =	sadd.s32 $0x800, s12;
	_ =	swait.ge [sflag:s24], $0x2000  }
0x57: {  	s15 =	sshra.s32 s13, $0x2;
	[sflag:s24] =	ssyncset.done $0x0  }
0x58: {  	s13 =	sadd.s32 $0x1400, s15;
	[sflag:s24] =	ssyncadd.s32 $0xFFFFE000  }
0x59: {  	[spmem:s2] =	stream.indirect.scatter.add.f32 [tilespmem:s18], [sflag:$0x5], $0x40, s13, s17, $0xb8;
	[tilespmem:$0x1E240] =	vst v63  }
0x5a: {  	_ =	swait.ge [sflag:s25], $0x2000  }
0x5b: {  	[sflag:s25] =	ssyncset.done $0x0  }
0x5c: {  	s13 =	sadd.s32 $0x1480, s15;
	[sflag:s25] =	ssyncadd.s32 $0xFFFFE000  }
0x5d: {  	[spmem:s2] =	stream.indirect.scatter.add.f32 [tilespmem:s19], [sflag:$0x6], $0x40, s13, s17, $0xb8;
	[tilespmem:$0x1E240] =	vst v63  }
0x5e: {  	_ =	swait.ge [sflag:s26], $0x2000  }
0x5f: {  	[sflag:s26] =	ssyncset.done $0x0  }
0x60: {  	s13 =	sadd.s32 $0x1500, s15;
	[sflag:s26] =	ssyncadd.s32 $0xFFFFE000  }
0x61: {  	[spmem:s2] =	stream.indirect.scatter.add.f32 [tilespmem:s21], [sflag:$0x7], $0x40, s13, s17, $0xb8;
	[tilespmem:$0x1E240] =	vst v63  }
0x62: {  	_ =	swait.ge [sflag:s28], $0x2000  }
0x63: {  	[sflag:s28] =	ssyncset.done $0x0  }
0x64: {  	s13 =	sadd.s32 $0x1580, s15;
	[sflag:s28] =	ssyncadd.s32 $0xFFFFE000  }
0x65: {  	[spmem:s2] =	stream.indirect.scatter.add.f32 [tilespmem:s23], [sflag:$0x8], $0x40, s13, s17, $0xb8;
	[tilespmem:$0x1E240] =	vst v63  }
0x66: {  	_ =	swait.ge [sflag:s29], $0x2000  }
0x67: {  	[sflag:s29] =	ssyncset.done $0x0  }
0x68: {  	s13 =	sadd.s32 $0x200, s15;
	[sflag:s29] =	ssyncadd.s32 $0xFFFFE000  }
0x69: {  	[tilespmem:s18], [sflag:$0x1] =	stream.indirect.gather [spmem:s3], $0x40, s13, s17, $0xb8;
	[tilespmem:$0x1E240] =	vst v63  }
0x6a: {  	_ =	swait.ge [sflag:s30], $0x2000  }
0x6b: {  	[sflag:s30] =	ssyncset.done $0x0  }
0x6c: {  	s13 =	sadd.s32 $0x280, s15;
	[sflag:s30] =	ssyncadd.s32 $0xFFFFE000  }
0x6d: {  	[tilespmem:s19], [sflag:$0x2] =	stream.indirect.gather [spmem:s3], $0x40, s13, s17, $0xb8;
	[tilespmem:$0x1E240] =	vst v63  }
0x6e: {  	_ =	swait.ge [sflag:s31], $0x2000  }
0x6f: {  	[sflag:s31] =	ssyncset.done $0x0  }
.Ltmp0:
0x70: {  	s13 =	sadd.s32 $0x300, s15;
	[sflag:s31] =	ssyncadd.s32 $0xFFFFE000;
	(pc) =	sbr.rel @p1 .LBB2_3-.Ltmp0, $4  }
0x71: {  	[tilespmem:s21], [sflag:$0x3] =	stream.indirect.gather [spmem:s3], $0x40, s13, s17, $0xb8;
	[tilespmem:$0x1E240] =	vst v63  }
0x72: {  	_ =	swait.ge [sflag:s0], $0x2000  }
0x73: {  	[sflag:s0] =	ssyncset.done $0x0  }
0x74: {  	s15 =	sadd.s32 $0x380, s15;
	[sflag:s0] =	ssyncadd.s32 $0xFFFFE000  }
0x75: {  	[tilespmem:s23], [sflag:$0x4] =	stream.indirect.gather [spmem:s3], $0x40, s15, s17, $0xb8;
	[tilespmem:$0x1E240] =	vst v63  }
0x76: {  	_ =	swait.ge [sflag:s24], $0x2000  }
0x77: {  	[sflag:s24] =	ssyncset.done $0x0  }
0x78: {  	[sflag:s24] =	ssyncadd.s32 $0xFFFFE000  }
0x79: {  	[spmem:s2] =	stream.indirect.scatter.add.f32 [tilespmem:s18], [sflag:$0x5], $0x40, s1, s17, $0xb8;
	[tilespmem:$0x1E240] =	vst v63  }
0x7a: {  	_ =	swait.ge [sflag:s25], $0x2000  }
0x7b: {  	[sflag:s25] =	ssyncset.done $0x0  }
0x7c: {  	[sflag:s25] =	ssyncadd.s32 $0xFFFFE000  }
0x7d: {  	[spmem:s2] =	stream.indirect.scatter.add.f32 [tilespmem:s19], [sflag:$0x6], $0x40, s7, s17, $0xb8;
	[tilespmem:$0x1E240] =	vst v63  }
0x7e: {  	_ =	swait.ge [sflag:s26], $0x2000  }
0x7f: {  	[sflag:s26] =	ssyncset.done $0x0  }
0x80: {  	[sflag:s26] =	ssyncadd.s32 $0xFFFFE000  }
0x81: {  	[spmem:s2] =	stream.indirect.scatter.add.f32 [tilespmem:s21], [sflag:$0x7], $0x40, s9, s17, $0xb8;
	[tilespmem:$0x1E240] =	vst v63  }
0x82: {  	_ =	swait.ge [sflag:s28], $0x2000  }
0x83: {  	[sflag:s28] =	ssyncset.done $0x0  }
0x84: {  	[sflag:s28] =	ssyncadd.s32 $0xFFFFE000  }
0x85: {  	[spmem:s2] =	stream.indirect.scatter.add.f32 [tilespmem:s23], [sflag:$0x8], $0x40, s11, s17, $0xb8;
	[tilespmem:$0x1E240] =	vst v63  }
0x86: {  	_ =	swait.ge [sflag:s29], $0x2000  }
0x87: {  	[sflag:s29] =	ssyncset.done $0x0  }
0x88: {  	[sflag:s29] =	ssyncadd.s32 $0xFFFFE000  }
0x89: {  	_ =	swait.ge [sflag:s30], $0x2000  }
0x8a: {  	[sflag:s30] =	ssyncset.done $0x0  }
0x8b: {  	[sflag:s30] =	ssyncadd.s32 $0xFFFFE000  }
0x8c: {  	_ =	swait.ge [sflag:s31], $0x2000  }
.Ltmp1:
0x8d: {  	[sflag:s31] =	ssyncset.done $0x0;
	(pc) =	sbr.rel @p0 .LBB2_2-.Ltmp1, $4  }
0x8e: {  	[sflag:s31] =	ssyncadd.s32 $0xFFFFE000  }
0x8f: {  	_ =	swait.ge [sflag:s0], $0x2000  }
0x90: {  	[sflag:s0] =	ssyncset.done $0x0  }
0x91: {  	s12 =	simm.s32 $0x28;
	p1 =	por $0x0, $0x0;
	[sflag:s0] =	ssyncadd.s32 $0xFFFFE000  }
0x92: {  	[bflag:$0x0] =	sbarrier.arrive $0xFFFF  }
0x93: {  	s12 =	rddreg [dreg:$0x7]  }
0x94: {  	s13 =	rddreg [dreg:$0x9]  }
0x95: {  	[hbm:s12], [sflag:s8] =	dma.local [spmem:s13], $0x13C0  }
0x96: {  	_ =	swait.ge [sflag:s14], $0x13C0  }
0x97: {  	s4 =	sadd.s32 $0x1, s4;
	s15 =	rddreg [dreg:$0x8]  }
0x98: {  	p0 =	sne.s32 s4, s15  }
.Ltmp2:
0x99: {  	_ = 	snop;
	(pc) =	sbr.rel @p0 .LBB2_1-.Ltmp2, $3  }
0x9a: {  	_ =	sdelay $0x1  }
0x9b: {  	[sflag:s14] =	ssyncset.done $0x0  }
0x9c: {  	[sflag:s14] =	ssyncadd.s32 $0xFFFFEC40  }
0x9d: {  	_ =	sfence.sel $0x180000  }
0x9e: {  	[bflag:$0x0] =	sbarrier.arrive $0xFFFF  }
0x9f: {  	_ =	strace $0x9000004D  }
0xa0: {  	s0 =	stileid.u32;
	[bflag:$0x2] =	sbarrier.arrive $0xFFFF  }
0xa1: {  	p0 =	sne.s32 s0, $0x0;
	s0 =	rddreg [dreg:$0x4]  }
0xa2: {  	s0 =	sadd.s32 @!p0 $0x100000, s0  }
0xa3: {  	[sflag:s0] =	ssyncadd.tile.s32 @!p0 $0x1;
	_ =	shalt  }
.Lfunc_end2:
_tile_overlayer_lowered:
.L_overlay_start_2:
0xa4: {  	(tag) =	ssettag $0x2  }
0xa5: {  	s0 =	rddreg [dreg:$0x0];
	s2 =	stileid.u32  }
0xa6: {  	s1 =	rddreg [dreg:$0x1];
	p0 =	sne.s32 s2, $0x0  }
0xa7: {  	s3 =	rddreg [dreg:$0x2];
	[bflag:$0x3] =	sbarrier.arrive $0xFFFF;
	s2 =	simm.s32 @!p0 $0x1C09  }
0xa8: {  	[timem:s3], [sflag:s2] =	dma.local @!p0 [hbm:s0], s1  }
0xa9: {  	s0 =	simm.s32 @!p0 $0x9  }
0xaa: {  	_ =	swait.ge @!p0 [sflag:s0], s1  }
0xab: {  	s1 =	ssub.s32 @!p0 $0x0, s1;
	[sflag:s0] =	ssyncset.done @!p0 $0x0  }
0xac: {  	[sflag:s0] =	ssyncadd.s32 @!p0 s1  }
0xad: {  	[bflag:$0x3] =	sbarrier.arrive $0xFFFF  }
0xae: {  	_ =	shalt  }

// kernel: kernel.8.cloned.1.call-start
scs
__scs_entry_jumppad:
0x0: {  	(pc) =	sbr.rel $0x88, $3  }
0x1: {  	(tag) =	ssettag $0x0;
	lr =	simm.s32 $0x1  }
0x2: {  	[smem:$0x3F9B] =	sst lr;
	_ =	strace $0xD0000000  }
0x3: {  	_ = 	snop  }
0x4: {  	_ = 	snop  }
0x5: {  	_ = 	snop  }
0x6: {  	_ = 	snop  }
0x7: {  	_ = 	snop  }
__scs_overlays_trampoline_lowered:
0x8: {  	[smem:$0x3FAA] =	sst s0  }
0x9: {  	[smem:$0x3FAB] =	sst s1  }
0xa: {  	[smem:$0x3FAC] =	sst s2  }
0xb: {  	[smem:$0x3FAD] =	sst s3  }
0xc: {  	[smem:$0x3FAE] =	sst s4  }
0xd: {  	[smem:$0x3FAF] =	sst s5  }
0xe: {  	[smem:$0x3FB0] =	sst s6  }
0xf: {  	[smem:$0x3FB1] =	sst s7  }
0x10: {  	[smem:$0x3FB2] =	sst s8  }
0x11: {  	[smem:$0x3FB3] =	sst s9;
	s0 =	simm.s32 @!p0 $0x0  }
0x12: {  	s1 =	sld [smem:$0x3F99];
	s0 =	simm.s32 @p0 $0x1  }
0x13: {  	[smem:$0x3FB4] =	sst s0;
	s0 =	simm.s32 @!p1 $0x0  }
0x14: {  	s2 =	sld [smem:$0x3F98];
	s0 =	simm.s32 @p1 $0x1  }
0x15: {  	[smem:$0x3FB5] =	sst s0;
	s0 =	simm.s32 @!p2 $0x0  }
0x16: {  	s3 =	sld [smem:$0x3FDB];
	s0 =	simm.s32 @p2 $0x1  }
0x17: {  	s4 =	simm.s32 $0x1BF5;
	[smem:$0x3FB7] =	sst s0  }
0x18: {  	s0 =	sld [smem:$0x3F9A];
	_ =	swait.ge [sflag:s4], $0x0  }
0x19: {  	s7 =	sld [smem:$0x3F9B]  }
0x1a: {  	s8 =	sadd.s32 $0xFFFFE003, lr  }
0x1b: {  	s9 =	sadd.s32 $0xFFFFFEF7, lr;
	s5 =	simm.s32 $0xFFFFFFFF;
	p2 =	slt.u32 s8, $0xFFFFF086  }
0x1c: {  	p1 =	slt.u32 s9, $0xF7A;
	s5 =	simm.s32 @!p2 $0x0  }
0x1d: {  	s5 =	simm.s32 @p1 $0x1;
	p0 =	seq.s32 s7, s2  }
0x1e: {  	s7 =	smul.u32 @!p0 $0xF7A, s2;
	p2 =	seq.s32 @!p0 s5, $0x0  }
0x1f: {  	s9 =	smul.u32 $0xF7A, s1;
	s8 =	simm.s32 @!p0 $0x1BF5;
	p2 =	por !p2, p0  }
0x20: {  	[sflag:s8] =	ssyncset.s32 @!p0 $0xFFFFF086;
	s6 =	sadd.s32 @!p0 s3, s7;
	s7 =	simm.s32 @!p0 $0x108  }
0x21: {  	s3 =	sadd.s32 s3, s9;
	s6 =	sadd.s32 @!p0 $0x88, s6;
	s7 =	simm.s32 @p2 $0x1082  }
0x22: {  	[simem:s7], [sflag:s8] =	dma.local @!p0 [hbm:s6], $0xF7A  }
0x23: {  	s9 =	sor.u32 $0xD0000000, s2;
	s6 =	simm.s32 $0x108;
	_ =	swait.ge @!p0 [sflag:s8], $0x0  }
0x24: {  	s3 =	sadd.s32 $0x88, s3;
	s6 =	simm.s32 @!p1 $0x1082;
	[sflag:s4] =	ssyncset.s32 $0xFFFFF086  }
0x25: {  	[simem:s6], [sflag:s4] =	dma.local [hbm:s3], $0xF7A  }
0x26: {  	[smem:$0x3F9B] =	sst s1;
	(tag) =	ssettag s2;
	_ =	strace s9  }
0x27: {  	s1 =	sld [smem:$0x3FAB]  }
0x28: {  	s2 =	sld [smem:$0x3FAC]  }
0x29: {  	s4 =	sld [smem:$0x3FAE]  }
0x2a: {  	p0 =	seq.s32 s5, $0x0;
	s5 =	sld [smem:$0x3FAF]  }
0x2b: {  	s6 =	sld [smem:$0x3FB0]  }
0x2c: {  	s7 =	sld [smem:$0x3FB1]  }
0x2d: {  	s3 =	simm.s32 $0x108;
	s8 =	sld [smem:$0x3FB2]  }
0x2e: {  	s3 =	simm.s32 @!p0 $0x1082;
	s9 =	sld [smem:$0x3FB3]  }
0x2f: {  	lr =	sadd.s32 s0, s3;
	s0 =	sld [smem:$0x3FAA]  }
0x30: {  	s3 =	sld [smem:$0x3FAD]  }
0x31: {  	[smem:$0x3FB6] =	sst s10  }
0x32: {  	s10 =	sld [smem:$0x3FB4];
	_ =	sdelay $0x3  }
0x33: {  	p0 =	seq.s32 s10, $0x1;
	s10 =	sld [smem:$0x3FB6];
	_ =	sdelay $0x3  }
0x34: {  	[smem:$0x3FB6] =	sst s10  }
0x35: {  	s10 =	sld [smem:$0x3FB5];
	_ =	sdelay $0x3  }
0x36: {  	p1 =	seq.s32 s10, $0x1;
	s10 =	sld [smem:$0x3FB6];
	_ =	sdelay $0x3  }
0x37: {  	[smem:$0x3FB6] =	sst s10  }
0x38: {  	s10 =	sld [smem:$0x3FB7]  }
0x39: {  	_ = 	snop;
	(pc) =	sbr.ind lr, $3  }
0x3a: {  	_ = 	snop  }
0x3b: {  	_ = 	snop  }
0x3c: {  	p2 =	seq.s32 s10, $0x1;
	s10 =	sld [smem:$0x3FB6]  }
0x3d: {  	_ =	shalt  }
0x3e: {  	_ =	shalt  }
0x3f: {  	_ =	shalt  }
0x40: {  	_ =	shalt  }
0x41: {  	_ =	shalt  }
0x42: {  	_ =	shalt  }
0x43: {  	_ =	shalt  }
0x44: {  	_ =	shalt  }
0x45: {  	_ =	shalt  }
0x46: {  	_ =	shalt  }
0x47: {  	_ =	shalt  }
0x48: {  	_ =	shalt  }
0x49: {  	_ =	shalt  }
0x4a: {  	_ =	shalt  }
0x4b: {  	_ =	shalt  }
0x4c: {  	_ =	shalt  }
0x4d: {  	_ =	shalt  }
0x4e: {  	_ =	shalt  }
0x4f: {  	_ =	shalt  }
0x50: {  	_ =	shalt  }
0x51: {  	_ =	shalt  }
0x52: {  	_ =	shalt  }
0x53: {  	_ =	shalt  }
0x54: {  	_ =	shalt  }
0x55: {  	_ =	shalt  }
0x56: {  	_ =	shalt  }
0x57: {  	_ =	shalt  }
0x58: {  	_ =	shalt  }
0x59: {  	_ =	shalt  }
0x5a: {  	_ =	shalt  }
0x5b: {  	_ =	shalt  }
0x5c: {  	_ =	shalt  }
0x5d: {  	_ =	shalt  }
0x5e: {  	_ =	shalt  }
0x5f: {  	_ =	shalt  }
0x60: {  	_ =	shalt  }
0x61: {  	_ =	shalt  }
0x62: {  	_ =	shalt  }
0x63: {  	_ =	shalt  }
0x64: {  	_ =	shalt  }
0x65: {  	_ =	shalt  }
0x66: {  	_ =	shalt  }
0x67: {  	_ =	shalt  }
0x68: {  	_ =	shalt  }
0x69: {  	_ =	shalt  }
0x6a: {  	_ =	shalt  }
0x6b: {  	_ =	shalt  }
0x6c: {  	_ =	shalt  }
0x6d: {  	_ =	shalt  }
0x6e: {  	_ =	shalt  }
0x6f: {  	_ =	shalt  }
0x70: {  	_ =	shalt  }
0x71: {  	_ =	shalt  }
0x72: {  	_ =	shalt  }
0x73: {  	_ =	shalt  }
0x74: {  	_ =	shalt  }
0x75: {  	_ =	shalt  }
0x76: {  	_ =	shalt  }
0x77: {  	_ =	shalt  }
0x78: {  	_ =	shalt  }
0x79: {  	_ =	shalt  }
0x7a: {  	_ =	shalt  }
0x7b: {  	_ =	shalt  }
0x7c: {  	_ =	shalt  }
0x7d: {  	_ =	shalt  }
0x7e: {  	_ =	shalt  }
0x7f: {  	_ =	shalt  }
0x80: {  	_ =	shalt  }
0x81: {  	_ =	shalt  }
0x82: {  	_ =	shalt  }
0x83: {  	_ =	shalt  }
0x84: {  	_ =	shalt  }
0x85: {  	_ =	shalt  }
0x86: {  	_ =	shalt  }
0x87: {  	_ =	shalt  }
.Lfunc_end0:
.L_simem_size_0:
called_computation_lowered:
.L_overlay_start_0:
0x88: {  	s2 =	sld [smem:$0x3FD9]  }
0x89: {  	s3 =	sld [smem:$0x3FFE];
	_ =	sdelay $0x1  }
0x8a: {  	s1 =	srdreg.scid  }
0x8b: {  	s0 =	sand.u32 $0x1, s1  }
0x8c: {  	s17 =	sshll.u32 s0, $0xA;
	s2 =	sadd.s32 s3, s2  }
0x8d: {  	s2 =	sadd.s32 s2, s17  }
0x8e: {  	[smem:$0x3FC2] =	sst s2  }
0x8f: {  	_ = 	snop  }
0x90: {  	s2 =	sld [smem:$0x3FD0];
	(tm) =	ssettm $0x1  }
0x91: {  	s18 =	sld [smem:$0x3FFB];
	_ =	sdelay $0x3  }
0x92: {  	_ =	strace s18  }
0x93: {  	s3 =	sld [smem:$0x3FFC];
	_ =	sdelay $0x3  }
0x94: {  	_ =	strace s3  }
0x95: {  	s3 =	sld [smem:$0x3FFD];
	_ =	sdelay $0x3  }
0x96: {  	_ =	strace s3  }
0x97: {  	_ =	strace $0x8FFFFFFF  }
0x98: {  	s19 =	sld [smem:$0x3FDB];
	_ =	sdelay $0x1  }
0x99: {  	s4 =	simm.s32 $_scs_section_size  }
0x9a: {  	s5 =	simm.s32 $_size__tile_overlayer_lowered;
	s6 =	simm.s32 $_tile_overlayer_lowered  }
0x9b: {  	s22 =	simm.s32 $0x1BFF;
	s21 =	sshll.u32 s6, $0x1;
	s3 =	sadd.s32 s4, s19  }
0x9c: {  	s7 =	simm.s32 $0x0;
	s20 =	sshll.u32 s5, $0x1;
	s5 =	sadd.s32 s21, s3  }
0x9d: {  	[timem:s7], [sflag:s22] =	dma.local [hbm:s5], s20  }
0x9e: {  	_ =	swait.ge [sflag:s22], s20  }
0x9f: {  	s4 =	ssub.s32 $0x0, s20;
	[sflag:s22] =	ssyncset.done $0x0  }
0xa0: {  	[sflag:s22] =	ssyncadd.s32 s4;
	_ =	sdelay $0x1  }
0xa1: {  	s23 =	simm.s32 $0x1B8B  }
0xa2: {  	_ =	swait.ge [sflag:s23], $0x1  }
0xa3: {  	[sflag:s23] =	ssyncset.done $0x0  }
0xa4: {  	s25 =	simm.s32 $0x1B8E;
	s24 =	sld [smem:$0x3FFE];
	[sflag:s23] =	ssyncadd.s32 $0xFFFFFFFF  }
0xa5: {  	s26 =	simm.s32 $execute0_lowered;
	[smem:$0x3FD2] =	sst s25  }
0xa6: {  	s5 =	sshll.u32 s26, $0x1;
	_ =	strace $0x80000046;
	[dreg:$0x1] =	wrdreg $0xFFFFFFFF  }
0xa7: {  	s28 =	simm.s32 $_size_execute0_lowered;
	s3 =	sadd.s32 s3, s5;
	[dreg:$0x0] =	wrdreg $0x0  }
0xa8: {  	s5 =	sshll.u32 s28, $0x1;
	[dreg:$0x2] =	wrdreg s3  }
0xa9: {  	[dreg:$0x3] =	wrdreg s5  }
0xaa: {  	[dreg:$0x4] =	wrdreg $0xC0  }
0xab: {  	_ =	task [dreg:s7], $0x5FFFF  }
0xac: {  	[dreg:$0x1] =	wrdreg $0xFFFFFFFF  }
0xad: {  	[dreg:$0x0] =	wrdreg $0x60  }
0xae: {  	[dreg:$0x2] =	wrdreg s24  }
0xaf: {  	[dreg:$0x3] =	wrdreg s2  }
0xb0: {  	[dreg:$0x4] =	wrdreg $0x30000  }
0xb1: {  	[dreg:$0x5] =	wrdreg $0x9  }
0xb2: {  	_ =	task.clear_ibuf [dreg:s7], $0x6FFFF;
	_ =	strace $0x90000046  }
0xb3: {  	s29 =	simm.s32 $0x9;
	_ =	strace $0x80000048  }
0xb4: {  	_ =	swait.ge [sflag:s29], $0x1  }
0xb5: {  	[sflag:s29] =	ssyncadd.s32 $0xFFFFFFFF  }
0xb6: {  	_ =	strace $0x90000048  }
0xb7: {  	_ =	sfence  }
0xb8: {  	s30 =	sld [smem:$0x0];
	_ =	sdelay $0x2  }
0xb9: {  	s31 =	sshll.u32 s1, $0xD;
	s1 =	sshrl.u32 s1, $0x2  }
0xba: {  	s3 =	sand.u32 $0x4000, s31;
	s1 =	sadd.s32 s1, s30  }
0xbb: {  	s0 =	sor.u32 s3, s0;
	s1 =	sshll.u32 s1, $0x11  }
0xbc: {  	s0 =	sor.u32 s1, s0  }
0xbd: {  	s0 =	sadd.s32 $0x8F2B, s0  }
0xbe: {  	[sflag:s0] =	ssyncadd.remote.s32 $0x1  }
0xbf: {  	_ =	sfence.sel $0xFFFF  }
0xc0: {  	[dreg:$0x0] =	wrdreg $0xFFFFFFFF;
	(pc) =	sbr.abs _section_cstart, $3  }
0xc1: {  	[dreg:$0x1] =	wrdreg $0xFFFFFFFF  }
0xc2: {  	_ =	task.clear_ibuf [dreg:s7], $0x2FFFF;
	_ =	strace $0x9FFFFFFF  }
0xc3: {  	(tm) =	ssettm $0x7FFFFFFF  }
tec
execute0_lowered:
.L_overlay_start_1:
0x0: {  	(tag) =	ssettag $0x1  }
0x1: {  	s4 =	rddreg [dreg:$0x0]  }
0x2: {  	s1 =	srdreg.scid;
	s8 =	rddreg [dreg:$0x1]  }
0x3: {  	s0 =	stileid.u32;
	s2 =	rddreg [dreg:$0x2];
	s3 =	simm.s32 $0x0  }
0x4: {  	s14 =	simm.s32 $0x0;
	s5 =	sand.u32 $0x1, s1;
	s1 =	rddreg [dreg:$0x3]  }
0x5: {  	s28 =	sshll.u32 s0, $0x1;
	[smem:$0x7FF] =	sst s3;
	s7 =	smul.u32 $0x2780, s0  }
0x6: {  	s11 =	smul.u32 $0x4F0, s0;
	s31 =	sshll.u32 s0, $0x6;
	s6 =	sor.u32 s5, s28  }
0x7: {  	_ =	strace $0x80000047;
	s10 =	ssub.s32 $0x2, s5;
	s13 =	smul.u32 $0x4F00, s5  }
0x8: {  	s6 =	smul.u32 $0x500, s6;
	s29 =	sshrl.u32 s7, $0x3;
	s12 =	sshrl.u32 s10, $0x1  }
0x9: {  	s30 =	sadd.s32 s7, s2;
	s10 =	ssub.s32 s10, s12;
	s11 =	sadd.s32 s11, s13  }
0xa: {  	s12 =	simm.s32 $0x2800;
	s13 =	simm.s32 $0x80;
	s9 =	sadd.s32 s6, s4  }
0xb: {  	s6 =	sadd.s32 s29, s4;
	s4 =	sadd.s32 $0x11000, s4;
	s8 =	sadd.s32 s8, s11  }
0xc: {  	s11 =	simm.s32 $0x1;
	s5 =	sadd.s32 $0xC000, s6;
	s6 =	sor.u32 $0x1C01, s31  }
0xd: {  	s7 =	sadd.s32 $0x2000, s9;
	s9 =	smax.u32 s10, $0x1;
	s10 =	sshrl.u32 s30, $0x3  }
.LBB2_1:
0xe: {  	[spmem:s10], [sflag:s6] =	dma.local [hbm:s5], $0x4F0  }
0xf: {  	_ =	swait.ge [sflag:s11], $0x4F0  }
0x10: {  	[sflag:s11] =	ssyncset.done $0x0  }
0x11: {  	[sflag:s11] =	ssyncadd.s32 $0xFFFFFB10  }
0x12: {  	[tilespmem:s12], [sflag:$0x1] =	stream.linear.gather [hbm4b:s4+s3], $0x800, $0x38;
	[tilespmem:$0x5780] =	vst v63  }
0x13: {  	_ =	swait.ge [sflag:s11], $0x800  }
0x14: {  	[sflag:s11] =	ssyncset.done $0x0  }
0x15: {  	[sflag:s11] =	ssyncadd.s32 $0xFFFFF800  }
0x16: {  	[tilespmem:s3], [sflag:$0x1] =	stream.linear.gather [hbm4b:s7+s3], $0x2800, $0x38;
	[tilespmem:$0x5780] =	vst v63  }
0x17: {  	_ =	swait.ge [sflag:s11], $0x2800  }
0x18: {  	[sflag:s11] =	ssyncset.done $0x0  }
0x19: {  	[sflag:s11] =	ssyncadd.s32 $0xFFFFD800  }
0x1a: {  	s15 =	simm.s32 $0x0;
	[bflag:$0x0] =	sbarrier.arrive $0xFFFF  }
0x1b: {  	[spmem:s2] =	stream.indirect.scatter.add.f32 [tilespmem:s12], [sflag:$0x1], $0x10, s15, s13, $0xb8;
	[tilespmem:$0x5780] =	vst v63  }
0x1c: {  	_ =	swait.ge [sflag:s11], $0x800  }
0x1d: {  	s15 =	simm.s32 $0x200;
	[sflag:s11] =	ssyncset.done $0x0  }
.LBB2_2:
0x1e: {  	s16 =	sshra.s32 s15, $0x2;
	[sflag:s11] =	ssyncadd.s32 $0xFFFFF800;
	p0 =	sne.s32 s15, $0x9E00  }
0x1f: {  	[spmem:s2] =	stream.indirect.scatter.add.f32 [tilespmem:s12], [sflag:$0x1], $0x10, s16, s13, $0xb8;
	[tilespmem:$0x5780] =	vst v63  }
.Ltmp0:
0x20: {  	_ = 	snop;
	(pc) =	sbr.rel @p0 .LBB2_2-.Ltmp0, $4  }
0x21: {  	_ = 	snop  }
0x22: {  	s15 =	sadd.s32 $0x200, s15  }
0x23: {  	_ =	swait.ge [sflag:s11], $0x800  }
0x24: {  	[sflag:s11] =	ssyncset.done $0x0  }
0x25: {  	s14 =	sadd.s32 $0x1, s14  }
0x26: {  	[sflag:s11] =	ssyncadd.s32 $0xFFFFF800;
	p0 =	sne.s32 s14, s9  }
.Ltmp1:
0x27: {  	[bflag:$0x0] =	sbarrier.arrive $0xFFFF;
	(pc) =	sbr.rel @p0 .LBB2_1-.Ltmp1, $4  }
0x28: {  	[hbm:s8], [sflag:s6] =	dma.local [spmem:s10], $0x4F0  }
0x29: {  	_ =	swait.ge [sflag:s11], $0x4F0  }
0x2a: {  	[sflag:s11] =	ssyncset.done $0x0  }
0x2b: {  	[sflag:s11] =	ssyncadd.s32 $0xFFFFFB10  }
0x2c: {  	_ =	sfence.sel $0x180000  }
0x2d: {  	[bflag:$0x0] =	sbarrier.arrive $0xFFFF  }
0x2e: {  	p0 =	sne.s32 s0, $0x0;
	_ =	strace $0x90000047  }
0x2f: {  	s0 =	sadd.s32 @!p0 $0x100000, s1;
	[bflag:$0x2] =	sbarrier.arrive $0xFFFF  }
0x30: {  	[sflag:s0] =	ssyncadd.tile.s32 @!p0 $0x1;
	_ =	shalt  }
.Lfunc_end2:
_tile_overlayer_lowered:
.L_overlay_start_2:
0x31: {  	(tag) =	ssettag $0x2  }
0x32: {  	s0 =	rddreg [dreg:$0x0];
	s2 =	stileid.u32  }
0x33: {  	s1 =	rddreg [dreg:$0x1];
	p0 =	sne.s32 s2, $0x0  }
0x34: {  	s3 =	rddreg [dreg:$0x2];
	[bflag:$0x3] =	sbarrier.arrive $0xFFFF;
	s2 =	simm.s32 @!p0 $0x1C01  }
0x35: {  	[timem:s3], [sflag:s2] =	dma.local @!p0 [hbm:s0], s1  }
0x36: {  	s0 =	simm.s32 @!p0 $0x1  }
0x37: {  	_ =	swait.ge @!p0 [sflag:s0], s1  }
0x38: {  	s1 =	ssub.s32 @!p0 $0x0, s1;
	[sflag:s0] =	ssyncset.done @!p0 $0x0  }
0x39: {  	[sflag:s0] =	ssyncadd.s32 @!p0 s1  }
0x3a: {  	[bflag:$0x3] =	sbarrier.arrive $0xFFFF  }
0x3b: {  	_ =	shalt  }

</sc_bundles>
